<compile_context>
chip_gen: v7x
topology: tpu7x:2x2x1
jax: 0.10.2.dev20260603
libtpu: 0.0.44.dev20260713+nightly
codegen_flags: <defaults>
</compile_context>

<pallas_src>
import functools

import jax
import jax.numpy as jnp
from jax import lax
from jax.experimental import pallas as pl
from jax.experimental.pallas import tpu as pltpu
from jax.experimental.pallas import tpu_sc as plsc

NC = 2
NS = 16
CH = 128
D = 128
NBLK = 16


def _sc_degree(dsts, zdeg, nch, npad, rps):
    mesh = plsc.VectorSubcoreMesh(core_axis_name="c", subcore_axis_name="s")

    @functools.partial(
        pl.kernel,
        out_type=jax.ShapeDtypeStruct((NC * npad,), jnp.float32),
        mesh=mesh,
        scratch_types=[
            pltpu.VMEM((nch, CH), jnp.int32),
            pltpu.VMEM((CH,), jnp.float32),
            pltpu.VMEM_SHARED((npad,), jnp.float32),
        ],
    )
    def deg_kernel(dsts_hbm, zdeg_hbm, dp_hbm, idx_v, ones_v, sdeg):
        c = lax.axis_index("c")
        s = lax.axis_index("s")
        for i in range(CH // 16):
            ones_v[pl.ds(i * 16, 16)] = jnp.full((16,), 1.0, jnp.float32)
        pltpu.sync_copy(zdeg_hbm, sdeg.at[pl.ds(s * rps, rps)])
        pltpu.sync_copy(dsts_hbm.at[c, s], idx_v)
        plsc.subcore_barrier()

        def body(j, carry):
            pltpu.sync_copy(ones_v, sdeg.at[idx_v.at[j]], add=True)
            return carry

        lax.fori_loop(0, nch, body, 0)
        plsc.subcore_barrier()
        pltpu.sync_copy(sdeg.at[pl.ds(s * rps, rps)],
                        dp_hbm.at[pl.ds(c * npad + s * rps, rps)])

    return deg_kernel(dsts, zdeg).reshape(NC, npad)


def _sc_aggregate(g, srcs, dsts, nch, npad, rps):
    nb = nch // NBLK
    mesh = plsc.VectorSubcoreMesh(core_axis_name="c", subcore_axis_name="s")

    @functools.partial(
        pl.kernel,
        out_type=jax.ShapeDtypeStruct((NC, npad, D), jnp.float32),
        mesh=mesh,
        scratch_types=[
            pltpu.VMEM((2, NBLK, CH), jnp.int32),
            pltpu.VMEM((2, NBLK, CH), jnp.int32),
            pltpu.VMEM((2, CH, D), jnp.float32),
            pltpu.VMEM_SHARED((npad, D), jnp.float32),
            pltpu.SemaphoreType.DMA,
            pltpu.SemaphoreType.DMA,
            pltpu.SemaphoreType.DMA,
        ],
    )
    def agg_kernel(g_hbm, srcs_hbm, dsts_hbm, s_hbm,
                   isrc, idst, rows, acc, sem0, sem1, semi):
        c = lax.axis_index("c")
        s = lax.axis_index("s")

        def zrow(i, carry):
            for l in range(D // 16):
                rows[0, i, pl.ds(l * 16, 16)] = jnp.zeros((16,),
                                                          jnp.float32)
            return carry

        lax.fori_loop(0, CH, zrow, 0)
        for k in range(rps // CH):
            pltpu.sync_copy(rows.at[0],
                            acc.at[pl.ds(s * rps + k * CH, CH)])

        pltpu.async_copy(srcs_hbm.at[c, s, pl.ds(0, NBLK)], isrc.at[0], semi)
        pltpu.async_copy(dsts_hbm.at[c, s, pl.ds(0, NBLK)], idst.at[0], semi)
        plsc.subcore_barrier()
        pltpu.make_async_copy(srcs_hbm.at[c, s, pl.ds(0, NBLK)],
                              isrc.at[0], semi).wait()
        pltpu.make_async_copy(dsts_hbm.at[c, s, pl.ds(0, NBLK)],
                              idst.at[0], semi).wait()

        def bblock(b, carry):
            cur = lax.rem(b, 2)
            nxt = lax.rem(b + 1, 2)

            @pl.when(b + 1 < nb)
            def _():
                pltpu.async_copy(
                    srcs_hbm.at[c, s, pl.ds((b + 1) * NBLK, NBLK)],
                    isrc.at[nxt], semi)
                pltpu.async_copy(
                    dsts_hbm.at[c, s, pl.ds((b + 1) * NBLK, NBLK)],
                    idst.at[nxt], semi)

            pltpu.async_copy(g_hbm.at[isrc.at[cur, 0]], rows.at[0], sem0)

            def body(k, carry2):
                j = 2 * k
                pltpu.async_copy(g_hbm.at[isrc.at[cur, j + 1]],
                                 rows.at[1], sem1)
                pltpu.make_async_copy(g_hbm.at[pl.ds(0, CH)],
                                      rows.at[0], sem0).wait()
                pltpu.sync_copy(rows.at[0], acc.at[idst.at[cur, j]],
                                add=True)

                @pl.when(k + 1 < NBLK // 2)
                def _():
                    pltpu.async_copy(g_hbm.at[isrc.at[cur, j + 2]],
                                     rows.at[0], sem0)

                pltpu.make_async_copy(g_hbm.at[pl.ds(0, CH)],
                                      rows.at[1], sem1).wait()
                pltpu.sync_copy(rows.at[1], acc.at[idst.at[cur, j + 1]],
                                add=True)
                return carry2

            lax.fori_loop(0, NBLK // 2, body, 0)

            @pl.when(b + 1 < nb)
            def _():
                pltpu.make_async_copy(srcs_hbm.at[c, s, pl.ds(0, NBLK)],
                                      isrc.at[nxt], semi).wait()
                pltpu.make_async_copy(dsts_hbm.at[c, s, pl.ds(0, NBLK)],
                                      idst.at[nxt], semi).wait()
            return carry

        lax.fori_loop(0, nb, bblock, 0)
        plsc.subcore_barrier()
        pltpu.sync_copy(acc.at[pl.ds(s * rps, rps)],
                        s_hbm.at[c, pl.ds(s * rps, rps)])

    return agg_kernel(g, srcs, dsts)


def _tc_first(dp0, dp1, x, w1, npad, blk):
    grid = (npad // blk,)

    def body(dp0_ref, dp1_ref, x_ref, w_ref, g_ref, dinv_ref):
        d = lax.rsqrt(dp0_ref[...] + dp1_ref[...] + 1.0)
        dinv_ref[...] = d
        g_ref[...] = d * jnp.dot(x_ref[...], w_ref[...],
                                 preferred_element_type=jnp.float32)

    return pl.pallas_call(
        body,
        grid=grid,
        in_specs=[
            pl.BlockSpec((blk, 1), lambda i: (i, 0)),
            pl.BlockSpec((blk, 1), lambda i: (i, 0)),
            pl.BlockSpec((blk, D), lambda i: (i, 0)),
            pl.BlockSpec((D, D), lambda i: (0, 0)),
        ],
        out_specs=[
            pl.BlockSpec((blk, D), lambda i: (i, 0)),
            pl.BlockSpec((blk, 1), lambda i: (i, 0)),
        ],
        out_shape=[
            jax.ShapeDtypeStruct((npad, D), jnp.float32),
            jax.ShapeDtypeStruct((npad, 1), jnp.float32),
        ],
    )(dp0, dp1, x, w1)


def _tc_mid(s0, s1, g1, dinv, b1, w2, npad, blk):
    grid = (npad // blk,)

    def body(s0_ref, s1_ref, g_ref, dinv_ref, b_ref, w_ref, out_ref):
        d = dinv_ref[...]
        t = d * (s0_ref[...] + s1_ref[...] + g_ref[...]) + b_ref[...]
        out_ref[...] = d * jnp.dot(t, w_ref[...],
                                   preferred_element_type=jnp.float32)

    return pl.pallas_call(
        body,
        grid=grid,
        in_specs=[
            pl.BlockSpec((blk, D), lambda i: (i, 0)),
            pl.BlockSpec((blk, D), lambda i: (i, 0)),
            pl.BlockSpec((blk, D), lambda i: (i, 0)),
            pl.BlockSpec((blk, 1), lambda i: (i, 0)),
            pl.BlockSpec((1, D), lambda i: (0, 0)),
            pl.BlockSpec((D, D), lambda i: (0, 0)),
        ],
        out_specs=pl.BlockSpec((blk, D), lambda i: (i, 0)),
        out_shape=jax.ShapeDtypeStruct((npad, D), jnp.float32),
    )(s0, s1, g1, dinv, b1, w2)


def _tc_last(s0, s1, g2, dinv, b2, npad, blk):
    grid = (npad // blk,)

    def body(s0_ref, s1_ref, g_ref, dinv_ref, b_ref, out_ref):
        out_ref[...] = (dinv_ref[...]
                        * (s0_ref[...] + s1_ref[...] + g_ref[...])
                        + b_ref[...])

    return pl.pallas_call(
        body,
        grid=grid,
        in_specs=[
            pl.BlockSpec((blk, D), lambda i: (i, 0)),
            pl.BlockSpec((blk, D), lambda i: (i, 0)),
            pl.BlockSpec((blk, D), lambda i: (i, 0)),
            pl.BlockSpec((blk, 1), lambda i: (i, 0)),
            pl.BlockSpec((1, D), lambda i: (0, 0)),
        ],
        out_specs=pl.BlockSpec((blk, D), lambda i: (i, 0)),
        out_shape=jax.ShapeDtypeStruct((npad, D), jnp.float32),
    )(s0, s1, g2, dinv, b2)


def kernel(x, edge_index, W1, b1, W2, b2, original_size):
    n = x.shape[0]
    e = edge_index.shape[1]

    npad = -(-(n + 1) // 2048) * 2048
    rps = npad // NS

    unit = NC * NS * NBLK * CH
    units = -(-e // unit)
    tot = units * unit
    nch = units * NBLK
    src = jnp.concatenate(
        [edge_index[0], jnp.arange(tot - e, dtype=jnp.int32) % n])
    dst = jnp.concatenate(
        [edge_index[1],
         n + (jnp.arange(tot - e, dtype=jnp.int32) % (npad - n))])
    srcs = src.reshape(nch, NC, NS, CH).transpose(1, 2, 0, 3)
    dsts = dst.reshape(nch, NC, NS, CH).transpose(1, 2, 0, 3)

    x_pad = jnp.pad(x, ((0, npad - n), (0, 0)))
    zdeg = jnp.zeros((rps,), jnp.float32)
    b1r = b1.reshape(1, D)
    b2r = b2.reshape(1, D)

    blk = npad // 8

    dp = _sc_degree(dsts, zdeg, nch, npad, rps)
    dp0 = dp[0].reshape(npad, 1)
    dp1 = dp[1].reshape(npad, 1)

    g1, dinv = _tc_first(dp0, dp1, x_pad, W1, npad, blk)
    s_1 = _sc_aggregate(g1, srcs, dsts, nch, npad, rps)
    g2 = _tc_mid(s_1[0], s_1[1], g1, dinv, b1r, W2, npad, blk)
    s_2 = _sc_aggregate(g2, srcs, dsts, nch, npad, rps)
    out = _tc_last(s_2[0], s_2[1], g2, dinv, b2r, npad, blk)
    return out[:n]

# --- scband reference (transcript-rebuilt; emitter-appended) ---
"""Pipeline reference for scband-gcn-44461501448668 (READ-ONLY COPY).

The authoritative reference and input builder live on the scoring server;
editing this copy changes nothing except your own understanding.
"""

import jax, jax.numpy as jnp
import numpy as np

N = 10000
E = 320000
D_IN = 128
D_H = 128
D_OUT = 128


def gcn_conv(x, edge_index, W, b):
    # x: [N, d_in], edge_index: [2, E], W: [d_in, d_out], b: [d_out]
    num_nodes = x.shape[0]
    h = x @ W
    src = edge_index[0]
    dst = edge_index[1]
    # add self loops (PyG GCNConv default)
    loop = jnp.arange(num_nodes, dtype=src.dtype)
    src = jnp.concatenate([src, loop])
    dst = jnp.concatenate([dst, loop])
    # symmetric normalization D^{-1/2} (A+I) D^{-1/2}
    deg = jnp.zeros((num_nodes,), dtype=h.dtype).at[dst].add(1.0)
    deg_inv_sqrt = jnp.where(deg > 0, jax.lax.rsqrt(jnp.maximum(deg, 1e-12)), 0.0)
    norm = deg_inv_sqrt[src] * deg_inv_sqrt[dst]
    msgs = h[src] * norm[:, None]
    out = jnp.zeros_like(h).at[dst].add(msgs)
    return out + b


def setup_inputs(seed: int = 0) -> dict:
    key = jax.random.key(seed)
    k1, k2, k3, k4 = jax.random.split(key, 4)
    x = jax.random.normal(k1, (N, D_IN), dtype=jnp.float32)
    edge_index = jax.random.randint(k2, (2, E), 0, N, dtype=jnp.int32)
    W1 = jax.random.normal(k3, (D_IN, D_H), dtype=jnp.float32) * (1.0 / np.sqrt(D_IN))
    b1 = jnp.zeros((D_H,), dtype=jnp.float32)
    W2 = jax.random.normal(k4, (D_H, D_OUT), dtype=jnp.float32) * (1.0 / np.sqrt(D_H))
    b2 = jnp.zeros((D_OUT,), dtype=jnp.float32)
    return {"x": x, "edge_index": edge_index, "W1": W1, "b1": b1, "W2": W2, "b2": b2, "original_size": N}


def reference(x, edge_index, W1, b1, W2, b2, original_size):
    h = gcn_conv(x, edge_index, W1, b1)
    h = gcn_conv(h, edge_index, W2, b2)
    n = x.shape[0]
    row_mask = jnp.arange(n) < original_size
    return jnp.where(row_mask[:, None], h[:n], h[:n])

if __name__ == "__main__":
    import jax
    _d = setup_inputs()
    print(jax.jit(kernel)(*tuple(_d.values())))

</pallas_src>

<mosaic_0001>
#map = affine_map<(d0, d1) -> (0, 0)>
#map1 = affine_map<(d0, d1) -> (0, 0, 0, 0)>
#map2 = affine_map<(d0, d1) -> (0, 0, 0)>
module attributes {stable_mosaic.version = 14 : i64} {
  func.func @agg_kernel(%arg0: i32, %arg1: i32, %arg2: memref<10240x128xf32, #tpu.memory_space<hbm>>, %arg3: memref<2x16x80x128xi32, #tpu.memory_space<hbm>>, %arg4: memref<2x16x80x128xi32, #tpu.memory_space<hbm>>, %arg5: memref<2x10240x128xf32, #tpu.memory_space<hbm>>, %arg6: memref<2x16x128xi32, #tpu.memory_space<vmem>>, %arg7: memref<2x16x128xi32, #tpu.memory_space<vmem>>, %arg8: memref<2x128x128xf32, #tpu.memory_space<vmem>>, %arg9: memref<10240x128xf32, #tpu.memory_space<vmem_shared>>, %arg10: memref<!tpu.dma_semaphore, #tpu.memory_space<semaphore_mem>>, %arg11: memref<!tpu.dma_semaphore, #tpu.memory_space<semaphore_mem>>, %arg12: memref<!tpu.dma_semaphore, #tpu.memory_space<semaphore_mem>>) attributes {dimension_semantics = [#tpu.dimension_semantics<core_parallel>, #tpu.dimension_semantics<subcore_parallel>], iteration_bounds = array<i64: 2, 16>, scalar_prefetch = 0 : i64, scratch_operands = 7 : i64, tpu.core_type = #tpu.core_type<sc_vector_subcore>, window_params = [{transform_indices = #map}, {transform_indices = #map1}, {transform_indices = #map1}, {transform_indices = #map2}]} {
    %scan3A = arith.constant 0 : i32
    %scan3A_0 = arith.constant 0 : i32
    %scan3A_1 = arith.constant 128 : i32
    %scan3A_2 = arith.addi %scan3A_0, %scan3A_1 : i32
    %scan3A_3 = arith.constant 1 : i32
    scf.for %scan3A_104 = %scan3A_0 to %scan3A_2 step %scan3A_3  : i32 {
      %broadcast_in_dim3A = arith.constant 0.000000e+00 : f32
      %broadcast_in_dim3A_105 = vector.broadcast %broadcast_in_dim3A : f32 to vector<16xf32>
      %swap3A = arith.constant 0 : i32
      %swap3A_106 = arith.index_cast %swap3A : i32 to index
      %swap3A_107 = arith.index_cast %scan3A_104 : i32 to index
      %swap3A_108 = arith.constant 0 : index
      %swap3A_109 = tpu.vector_load %arg8[%swap3A_106, %swap3A_107, %swap3A_108] {strides = array<i32>} : memref<2x128x128xf32, #tpu.memory_space<vmem>>, vector<1x1x16xf32>,
      %swap3A_110 = vector.shape_cast %swap3A_109 : vector<1x1x16xf32> to vector<16xf32>
      %swap3A_111 = vector.shape_cast %broadcast_in_dim3A_105 : vector<16xf32> to vector<1x1x16xf32>
      tpu.vector_store %arg8[%swap3A_106, %swap3A_107, %swap3A_108], %swap3A_111 {strides = array<i32>} : memref<2x128x128xf32, #tpu.memory_space<vmem>>, vector<1x1x16xf32>,
      %broadcast_in_dim3A_112 = arith.constant 0.000000e+00 : f32
      %broadcast_in_dim3A_113 = vector.broadcast %broadcast_in_dim3A_112 : f32 to vector<16xf32>
      %swap3A_114 = arith.constant 0 : i32
      %swap3A_115 = arith.index_cast %swap3A_114 : i32 to index
      %swap3A_116 = arith.index_cast %scan3A_104 : i32 to index
      %swap3A_117 = arith.constant 16 : index
      %swap3A_118 = tpu.vector_load %arg8[%swap3A_115, %swap3A_116, %swap3A_117] {strides = array<i32>} : memref<2x128x128xf32, #tpu.memory_space<vmem>>, vector<1x1x16xf32>,
      %swap3A_119 = vector.shape_cast %swap3A_118 : vector<1x1x16xf32> to vector<16xf32>
      %swap3A_120 = vector.shape_cast %broadcast_in_dim3A_113 : vector<16xf32> to vector<1x1x16xf32>
      tpu.vector_store %arg8[%swap3A_115, %swap3A_116, %swap3A_117], %swap3A_120 {strides = array<i32>} : memref<2x128x128xf32, #tpu.memory_space<vmem>>, vector<1x1x16xf32>,
      %broadcast_in_dim3A_121 = arith.constant 0.000000e+00 : f32
      %broadcast_in_dim3A_122 = vector.broadcast %broadcast_in_dim3A_121 : f32 to vector<16xf32>
      %swap3A_123 = arith.constant 0 : i32
      %swap3A_124 = arith.index_cast %swap3A_123 : i32 to index
      %swap3A_125 = arith.index_cast %scan3A_104 : i32 to index
      %swap3A_126 = arith.constant 32 : index
      %swap3A_127 = tpu.vector_load %arg8[%swap3A_124, %swap3A_125, %swap3A_126] {strides = array<i32>} : memref<2x128x128xf32, #tpu.memory_space<vmem>>, vector<1x1x16xf32>,
      %swap3A_128 = vector.shape_cast %swap3A_127 : vector<1x1x16xf32> to vector<16xf32>
      %swap3A_129 = vector.shape_cast %broadcast_in_dim3A_122 : vector<16xf32> to vector<1x1x16xf32>
      tpu.vector_store %arg8[%swap3A_124, %swap3A_125, %swap3A_126], %swap3A_129 {strides = array<i32>} : memref<2x128x128xf32, #tpu.memory_space<vmem>>, vector<1x1x16xf32>,
      %broadcast_in_dim3A_130 = arith.constant 0.000000e+00 : f32
      %broadcast_in_dim3A_131 = vector.broadcast %broadcast_in_dim3A_130 : f32 to vector<16xf32>
      %swap3A_132 = arith.constant 0 : i32
      %swap3A_133 = arith.index_cast %swap3A_132 : i32 to index
      %swap3A_134 = arith.index_cast %scan3A_104 : i32 to index
      %swap3A_135 = arith.constant 48 : index
      %swap3A_136 = tpu.vector_load %arg8[%swap3A_133, %swap3A_134, %swap3A_135] {strides = array<i32>} : memref<2x128x128xf32, #tpu.memory_space<vmem>>, vector<1x1x16xf32>,
      %swap3A_137 = vector.shape_cast %swap3A_136 : vector<1x1x16xf32> to vector<16xf32>
      %swap3A_138 = vector.shape_cast %broadcast_in_dim3A_131 : vector<16xf32> to vector<1x1x16xf32>
      tpu.vector_store %arg8[%swap3A_133, %swap3A_134, %swap3A_135], %swap3A_138 {strides = array<i32>} : memref<2x128x128xf32, #tpu.memory_space<vmem>>, vector<1x1x16xf32>,
      %broadcast_in_dim3A_139 = arith.constant 0.000000e+00 : f32
      %broadcast_in_dim3A_140 = vector.broadcast %broadcast_in_dim3A_139 : f32 to vector<16xf32>
      %swap3A_141 = arith.constant 0 : i32
      %swap3A_142 = arith.index_cast %swap3A_141 : i32 to index
      %swap3A_143 = arith.index_cast %scan3A_104 : i32 to index
      %swap3A_144 = arith.constant 64 : index
      %swap3A_145 = tpu.vector_load %arg8[%swap3A_142, %swap3A_143, %swap3A_144] {strides = array<i32>} : memref<2x128x128xf32, #tpu.memory_space<vmem>>, vector<1x1x16xf32>,
      %swap3A_146 = vector.shape_cast %swap3A_145 : vector<1x1x16xf32> to vector<16xf32>
      %swap3A_147 = vector.shape_cast %broadcast_in_dim3A_140 : vector<16xf32> to vector<1x1x16xf32>
      tpu.vector_store %arg8[%swap3A_142, %swap3A_143, %swap3A_144], %swap3A_147 {strides = array<i32>} : memref<2x128x128xf32, #tpu.memory_space<vmem>>, vector<1x1x16xf32>,
      %broadcast_in_dim3A_148 = arith.constant 0.000000e+00 : f32
      %broadcast_in_dim3A_149 = vector.broadcast %broadcast_in_dim3A_148 : f32 to vector<16xf32>
      %swap3A_150 = arith.constant 0 : i32
      %swap3A_151 = arith.index_cast %swap3A_150 : i32 to index
      %swap3A_152 = arith.index_cast %scan3A_104 : i32 to index
      %swap3A_153 = arith.constant 80 : index
      %swap3A_154 = tpu.vector_load %arg8[%swap3A_151, %swap3A_152, %swap3A_153] {strides = array<i32>} : memref<2x128x128xf32, #tpu.memory_space<vmem>>, vector<1x1x16xf32>,
      %swap3A_155 = vector.shape_cast %swap3A_154 : vector<1x1x16xf32> to vector<16xf32>
      %swap3A_156 = vector.shape_cast %broadcast_in_dim3A_149 : vector<16xf32> to vector<1x1x16xf32>
      tpu.vector_store %arg8[%swap3A_151, %swap3A_152, %swap3A_153], %swap3A_156 {strides = array<i32>} : memref<2x128x128xf32, #tpu.memory_space<vmem>>, vector<1x1x16xf32>,
      %broadcast_in_dim3A_157 = arith.constant 0.000000e+00 : f32
      %broadcast_in_dim3A_158 = vector.broadcast %broadcast_in_dim3A_157 : f32 to vector<16xf32>
      %swap3A_159 = arith.constant 0 : i32
      %swap3A_160 = arith.index_cast %swap3A_159 : i32 to index
      %swap3A_161 = arith.index_cast %scan3A_104 : i32 to index
      %swap3A_162 = arith.constant 96 : index
      %swap3A_163 = tpu.vector_load %arg8[%swap3A_160, %swap3A_161, %swap3A_162] {strides = array<i32>} : memref<2x128x128xf32, #tpu.memory_space<vmem>>, vector<1x1x16xf32>,
      %swap3A_164 = vector.shape_cast %swap3A_163 : vector<1x1x16xf32> to vector<16xf32>
      %swap3A_165 = vector.shape_cast %broadcast_in_dim3A_158 : vector<16xf32> to vector<1x1x16xf32>
      tpu.vector_store %arg8[%swap3A_160, %swap3A_161, %swap3A_162], %swap3A_165 {strides = array<i32>} : memref<2x128x128xf32, #tpu.memory_space<vmem>>, vector<1x1x16xf32>,
      %broadcast_in_dim3A_166 = arith.constant 0.000000e+00 : f32
      %broadcast_in_dim3A_167 = vector.broadcast %broadcast_in_dim3A_166 : f32 to vector<16xf32>
      %swap3A_168 = arith.constant 0 : i32
      %swap3A_169 = arith.index_cast %swap3A_168 : i32 to index
      %swap3A_170 = arith.index_cast %scan3A_104 : i32 to index
      %swap3A_171 = arith.constant 112 : index
      %swap3A_172 = tpu.vector_load %arg8[%swap3A_169, %swap3A_170, %swap3A_171] {strides = array<i32>} : memref<2x128x128xf32, #tpu.memory_space<vmem>>, vector<1x1x16xf32>,
      %swap3A_173 = vector.shape_cast %swap3A_172 : vector<1x1x16xf32> to vector<16xf32>
      %swap3A_174 = vector.shape_cast %broadcast_in_dim3A_167 : vector<16xf32> to vector<1x1x16xf32>
      tpu.vector_store %arg8[%swap3A_169, %swap3A_170, %swap3A_171], %swap3A_174 {strides = array<i32>} : memref<2x128x128xf32, #tpu.memory_space<vmem>>, vector<1x1x16xf32>,
    }
    %scan3A_4 = arith.constant 128 : i32
    %mul3A = arith.constant 640 : i32
    %mul3A_5 = arith.muli %arg1, %mul3A : i32
    %add3A = arith.constant 0 : i32
    %add3A_6 = arith.addi %mul3A_5, %add3A : i32
    %run_scoped3A = arith.constant 0 : i32
    "tpu.region"() ({
      %run_scoped3A_104 = tpu.sem_alloc : memref<!tpu.dma_semaphore, #tpu.memory_space<semaphore_mem>>
      %dma_start3A_105 = arith.constant 0 : i32
      %dma_start3A_106 = arith.constant 0 : i32
      %dma_start3A_107 = tpu.memref_slice %arg8[%run_scoped3A, %dma_start3A_105, %dma_start3A_106] : memref<2x128x128xf32, #tpu.memory_space<vmem>> -> memref<1x128x128xf32, #tpu.memory_space<vmem>>
      %dma_start3A_108 = tpu.memref_squeeze %dma_start3A_107 : memref<1x128x128xf32, #tpu.memory_space<vmem>> -> memref<128x128xf32, #tpu.memory_space<vmem>>
      %dma_start3A_109 = arith.constant 0 : i32
      %dma_start3A_110 = tpu.memref_slice %arg9[%add3A_6, %dma_start3A_109] : memref<10240x128xf32, #tpu.memory_space<vmem_shared>> -> memref<128x128xf32, #tpu.memory_space<vmem_shared>>
      %dma_start3A_111 = arith.constant 0 : i32
      %dma_start3A_112 = tpu.memref_slice %arg9[%add3A_6, %dma_start3A_111] : memref<10240x128xf32, #tpu.memory_space<vmem_shared>> -> memref<128x128xf32, #tpu.memory_space<vmem_shared>>
      %dma_start3A_113 = arith.constant 0 : i32
      %dma_start3A_114 = arith.constant 0 : i32
      %dma_start3A_115 = tpu.memref_slice %arg8[%run_scoped3A, %dma_start3A_113, %dma_start3A_114] : memref<2x128x128xf32, #tpu.memory_space<vmem>> -> memref<1x128x128xf32, #tpu.memory_space<vmem>>
      %dma_start3A_116 = tpu.memref_squeeze %dma_start3A_115 : memref<1x128x128xf32, #tpu.memory_space<vmem>> -> memref<128x128xf32, #tpu.memory_space<vmem>>
      tpu.enqueue_dma source(%dma_start3A_116 : memref<128x128xf32, #tpu.memory_space<vmem>>) target(%dma_start3A_112 : memref<128x128xf32, #tpu.memory_space<vmem_shared>>) target_semaphore(%run_scoped3A_104 : memref<!tpu.dma_semaphore, #tpu.memory_space<semaphore_mem>>)
      %dma_wait3A_117 = arith.constant 0 : i32
      %dma_wait3A_118 = arith.constant 0 : i32
      %dma_wait3A_119 = tpu.memref_slice %arg8[%run_scoped3A, %dma_wait3A_117, %dma_wait3A_118] : memref<2x128x128xf32, #tpu.memory_space<vmem>> -> memref<1x128x128xf32, #tpu.memory_space<vmem>>
      %dma_wait3A_120 = tpu.memref_squeeze %dma_wait3A_119 : memref<1x128x128xf32, #tpu.memory_space<vmem>> -> memref<128x128xf32, #tpu.memory_space<vmem>>
      %dma_wait3A_121 = arith.constant 0 : i32
      %dma_wait3A_122 = tpu.memref_slice %arg9[%add3A_6, %dma_wait3A_121] : memref<10240x128xf32, #tpu.memory_space<vmem_shared>> -> memref<128x128xf32, #tpu.memory_space<vmem_shared>>
      %dma_wait3A_123 = arith.constant 0 : i32
      %dma_wait3A_124 = tpu.memref_slice %arg9[%add3A_6, %dma_wait3A_123] : memref<10240x128xf32, #tpu.memory_space<vmem_shared>> -> memref<128x128xf32, #tpu.memory_space<vmem_shared>>
      %dma_wait3A_125 = arith.constant 0 : i32
      %dma_wait3A_126 = arith.constant 0 : i32
      %dma_wait3A_127 = tpu.memref_slice %arg8[%run_scoped3A, %dma_wait3A_125, %dma_wait3A_126] : memref<2x128x128xf32, #tpu.memory_space<vmem>> -> memref<1x128x128xf32, #tpu.memory_space<vmem>>
      %dma_wait3A_128 = tpu.memref_squeeze %dma_wait3A_127 : memref<1x128x128xf32, #tpu.memory_space<vmem>> -> memref<128x128xf32, #tpu.memory_space<vmem>>
      tpu.wait_dma2 semaphore(%run_scoped3A_104 : memref<!tpu.dma_semaphore, #tpu.memory_space<semaphore_mem>>) src(%dma_wait3A_128 : memref<128x128xf32, #tpu.memory_space<vmem>>) dst(%dma_wait3A_124 : memref<128x128xf32, #tpu.memory_space<vmem_shared>>)
      tpu.yield
    }) : () -> ()
    %mul3A_7 = arith.constant 640 : i32
    %mul3A_8 = arith.muli %arg1, %mul3A_7 : i32
    %add3A_9 = arith.constant 128 : i32
    %add3A_10 = arith.addi %mul3A_8, %add3A_9 : i32
    %run_scoped3A_11 = arith.constant 0 : i32
    "tpu.region"() ({
      %run_scoped3A_104 = tpu.sem_alloc : memref<!tpu.dma_semaphore, #tpu.memory_space<semaphore_mem>>
      %dma_start3A_105 = arith.constant 0 : i32
      %dma_start3A_106 = arith.constant 0 : i32
      %dma_start3A_107 = tpu.memref_slice %arg8[%run_scoped3A_11, %dma_start3A_105, %dma_start3A_106] : memref<2x128x128xf32, #tpu.memory_space<vmem>> -> memref<1x128x128xf32, #tpu.memory_space<vmem>>
      %dma_start3A_108 = tpu.memref_squeeze %dma_start3A_107 : memref<1x128x128xf32, #tpu.memory_space<vmem>> -> memref<128x128xf32, #tpu.memory_space<vmem>>
      %dma_start3A_109 = arith.constant 0 : i32
      %dma_start3A_110 = tpu.memref_slice %arg9[%add3A_10, %dma_start3A_109] : memref<10240x128xf32, #tpu.memory_space<vmem_shared>> -> memref<128x128xf32, #tpu.memory_space<vmem_shared>>
      %dma_start3A_111 = arith.constant 0 : i32
      %dma_start3A_112 = tpu.memref_slice %arg9[%add3A_10, %dma_start3A_111] : memref<10240x128xf32, #tpu.memory_space<vmem_shared>> -> memref<128x128xf32, #tpu.memory_space<vmem_shared>>
      %dma_start3A_113 = arith.constant 0 : i32
      %dma_start3A_114 = arith.constant 0 : i32
      %dma_start3A_115 = tpu.memref_slice %arg8[%run_scoped3A_11, %dma_start3A_113, %dma_start3A_114] : memref<2x128x128xf32, #tpu.memory_space<vmem>> -> memref<1x128x128xf32, #tpu.memory_space<vmem>>
      %dma_start3A_116 = tpu.memref_squeeze %dma_start3A_115 : memref<1x128x128xf32, #tpu.memory_space<vmem>> -> memref<128x128xf32, #tpu.memory_space<vmem>>
      tpu.enqueue_dma source(%dma_start3A_116 : memref<128x128xf32, #tpu.memory_space<vmem>>) target(%dma_start3A_112 : memref<128x128xf32, #tpu.memory_space<vmem_shared>>) target_semaphore(%run_scoped3A_104 : memref<!tpu.dma_semaphore, #tpu.memory_space<semaphore_mem>>)
      %dma_wait3A_117 = arith.constant 0 : i32
      %dma_wait3A_118 = arith.constant 0 : i32
      %dma_wait3A_119 = tpu.memref_slice %arg8[%run_scoped3A_11, %dma_wait3A_117, %dma_wait3A_118] : memref<2x128x128xf32, #tpu.memory_space<vmem>> -> memref<1x128x128xf32, #tpu.memory_space<vmem>>
      %dma_wait3A_120 = tpu.memref_squeeze %dma_wait3A_119 : memref<1x128x128xf32, #tpu.memory_space<vmem>> -> memref<128x128xf32, #tpu.memory_space<vmem>>
      %dma_wait3A_121 = arith.constant 0 : i32
      %dma_wait3A_122 = tpu.memref_slice %arg9[%add3A_10, %dma_wait3A_121] : memref<10240x128xf32, #tpu.memory_space<vmem_shared>> -> memref<128x128xf32, #tpu.memory_space<vmem_shared>>
      %dma_wait3A_123 = arith.constant 0 : i32
      %dma_wait3A_124 = tpu.memref_slice %arg9[%add3A_10, %dma_wait3A_123] : memref<10240x128xf32, #tpu.memory_space<vmem_shared>> -> memref<128x128xf32, #tpu.memory_space<vmem_shared>>
      %dma_wait3A_125 = arith.constant 0 : i32
      %dma_wait3A_126 = arith.constant 0 : i32
      %dma_wait3A_127 = tpu.memref_slice %arg8[%run_scoped3A_11, %dma_wait3A_125, %dma_wait3A_126] : memref<2x128x128xf32, #tpu.memory_space<vmem>> -> memref<1x128x128xf32, #tpu.memory_space<vmem>>
      %dma_wait3A_128 = tpu.memref_squeeze %dma_wait3A_127 : memref<1x128x128xf32, #tpu.memory_space<vmem>> -> memref<128x128xf32, #tpu.memory_space<vmem>>
      tpu.wait_dma2 semaphore(%run_scoped3A_104 : memref<!tpu.dma_semaphore, #tpu.memory_space<semaphore_mem>>) src(%dma_wait3A_128 : memref<128x128xf32, #tpu.memory_space<vmem>>) dst(%dma_wait3A_124 : memref<128x128xf32, #tpu.memory_space<vmem_shared>>)
      tpu.yield
    }) : () -> ()
    %mul3A_12 = arith.constant 640 : i32
    %mul3A_13 = arith.muli %arg1, %mul3A_12 : i32
    %add3A_14 = arith.constant 256 : i32
    %add3A_15 = arith.addi %mul3A_13, %add3A_14 : i32
    %run_scoped3A_16 = arith.constant 0 : i32
    "tpu.region"() ({
      %run_scoped3A_104 = tpu.sem_alloc : memref<!tpu.dma_semaphore, #tpu.memory_space<semaphore_mem>>
      %dma_start3A_105 = arith.constant 0 : i32
      %dma_start3A_106 = arith.constant 0 : i32
      %dma_start3A_107 = tpu.memref_slice %arg8[%run_scoped3A_16, %dma_start3A_105, %dma_start3A_106] : memref<2x128x128xf32, #tpu.memory_space<vmem>> -> memref<1x128x128xf32, #tpu.memory_space<vmem>>
      %dma_start3A_108 = tpu.memref_squeeze %dma_start3A_107 : memref<1x128x128xf32, #tpu.memory_space<vmem>> -> memref<128x128xf32, #tpu.memory_space<vmem>>
      %dma_start3A_109 = arith.constant 0 : i32
      %dma_start3A_110 = tpu.memref_slice %arg9[%add3A_15, %dma_start3A_109] : memref<10240x128xf32, #tpu.memory_space<vmem_shared>> -> memref<128x128xf32, #tpu.memory_space<vmem_shared>>
      %dma_start3A_111 = arith.constant 0 : i32
      %dma_start3A_112 = tpu.memref_slice %arg9[%add3A_15, %dma_start3A_111] : memref<10240x128xf32, #tpu.memory_space<vmem_shared>> -> memref<128x128xf32, #tpu.memory_space<vmem_shared>>
      %dma_start3A_113 = arith.constant 0 : i32
      %dma_start3A_114 = arith.constant 0 : i32
      %dma_start3A_115 = tpu.memref_slice %arg8[%run_scoped3A_16, %dma_start3A_113, %dma_start3A_114] : memref<2x128x128xf32, #tpu.memory_space<vmem>> -> memref<1x128x128xf32, #tpu.memory_space<vmem>>
      %dma_start3A_116 = tpu.memref_squeeze %dma_start3A_115 : memref<1x128x128xf32, #tpu.memory_space<vmem>> -> memref<128x128xf32, #tpu.memory_space<vmem>>
      tpu.enqueue_dma source(%dma_start3A_116 : memref<128x128xf32, #tpu.memory_space<vmem>>) target(%dma_start3A_112 : memref<128x128xf32, #tpu.memory_space<vmem_shared>>) target_semaphore(%run_scoped3A_104 : memref<!tpu.dma_semaphore, #tpu.memory_space<semaphore_mem>>)
      %dma_wait3A_117 = arith.constant 0 : i32
      %dma_wait3A_118 = arith.constant 0 : i32
      %dma_wait3A_119 = tpu.memref_slice %arg8[%run_scoped3A_16, %dma_wait3A_117, %dma_wait3A_118] : memref<2x128x128xf32, #tpu.memory_space<vmem>> -> memref<1x128x128xf32, #tpu.memory_space<vmem>>
      %dma_wait3A_120 = tpu.memref_squeeze %dma_wait3A_119 : memref<1x128x128xf32, #tpu.memory_space<vmem>> -> memref<128x128xf32, #tpu.memory_space<vmem>>
      %dma_wait3A_121 = arith.constant 0 : i32
      %dma_wait3A_122 = tpu.memref_slice %arg9[%add3A_15, %dma_wait3A_121] : memref<10240x128xf32, #tpu.memory_space<vmem_shared>> -> memref<128x128xf32, #tpu.memory_space<vmem_shared>>
      %dma_wait3A_123 = arith.constant 0 : i32
      %dma_wait3A_124 = tpu.memref_slice %arg9[%add3A_15, %dma_wait3A_123] : memref<10240x128xf32, #tpu.memory_space<vmem_shared>> -> memref<128x128xf32, #tpu.memory_space<vmem_shared>>
      %dma_wait3A_125 = arith.constant 0 : i32
      %dma_wait3A_126 = arith.constant 0 : i32
      %dma_wait3A_127 = tpu.memref_slice %arg8[%run_scoped3A_16, %dma_wait3A_125, %dma_wait3A_126] : memref<2x128x128xf32, #tpu.memory_space<vmem>> -> memref<1x128x128xf32, #tpu.memory_space<vmem>>
      %dma_wait3A_128 = tpu.memref_squeeze %dma_wait3A_127 : memref<1x128x128xf32, #tpu.memory_space<vmem>> -> memref<128x128xf32, #tpu.memory_space<vmem>>
      tpu.wait_dma2 semaphore(%run_scoped3A_104 : memref<!tpu.dma_semaphore, #tpu.memory_space<semaphore_mem>>) src(%dma_wait3A_128 : memref<128x128xf32, #tpu.memory_space<vmem>>) dst(%dma_wait3A_124 : memref<128x128xf32, #tpu.memory_space<vmem_shared>>)
      tpu.yield
    }) : () -> ()
    %mul3A_17 = arith.constant 640 : i32
    %mul3A_18 = arith.muli %arg1, %mul3A_17 : i32
    %add3A_19 = arith.constant 384 : i32
    %add3A_20 = arith.addi %mul3A_18, %add3A_19 : i32
    %run_scoped3A_21 = arith.constant 0 : i32
    "tpu.region"() ({
      %run_scoped3A_104 = tpu.sem_alloc : memref<!tpu.dma_semaphore, #tpu.memory_space<semaphore_mem>>
      %dma_start3A_105 = arith.constant 0 : i32
      %dma_start3A_106 = arith.constant 0 : i32
      %dma_start3A_107 = tpu.memref_slice %arg8[%run_scoped3A_21, %dma_start3A_105, %dma_start3A_106] : memref<2x128x128xf32, #tpu.memory_space<vmem>> -> memref<1x128x128xf32, #tpu.memory_space<vmem>>
      %dma_start3A_108 = tpu.memref_squeeze %dma_start3A_107 : memref<1x128x128xf32, #tpu.memory_space<vmem>> -> memref<128x128xf32, #tpu.memory_space<vmem>>
      %dma_start3A_109 = arith.constant 0 : i32
      %dma_start3A_110 = tpu.memref_slice %arg9[%add3A_20, %dma_start3A_109] : memref<10240x128xf32, #tpu.memory_space<vmem_shared>> -> memref<128x128xf32, #tpu.memory_space<vmem_shared>>
      %dma_start3A_111 = arith.constant 0 : i32
      %dma_start3A_112 = tpu.memref_slice %arg9[%add3A_20, %dma_start3A_111] : memref<10240x128xf32, #tpu.memory_space<vmem_shared>> -> memref<128x128xf32, #tpu.memory_space<vmem_shared>>
      %dma_start3A_113 = arith.constant 0 : i32
      %dma_start3A_114 = arith.constant 0 : i32
      %dma_start3A_115 = tpu.memref_slice %arg8[%run_scoped3A_21, %dma_start3A_113, %dma_start3A_114] : memref<2x128x128xf32, #tpu.memory_space<vmem>> -> memref<1x128x128xf32, #tpu.memory_space<vmem>>
      %dma_start3A_116 = tpu.memref_squeeze %dma_start3A_115 : memref<1x128x128xf32, #tpu.memory_space<vmem>> -> memref<128x128xf32, #tpu.memory_space<vmem>>
      tpu.enqueue_dma source(%dma_start3A_116 : memref<128x128xf32, #tpu.memory_space<vmem>>) target(%dma_start3A_112 : memref<128x128xf32, #tpu.memory_space<vmem_shared>>) target_semaphore(%run_scoped3A_104 : memref<!tpu.dma_semaphore, #tpu.memory_space<semaphore_mem>>)
      %dma_wait3A_117 = arith.constant 0 : i32
      %dma_wait3A_118 = arith.constant 0 : i32
      %dma_wait3A_119 = tpu.memref_slice %arg8[%run_scoped3A_21, %dma_wait3A_117, %dma_wait3A_118] : memref<2x128x128xf32, #tpu.memory_space<vmem>> -> memref<1x128x128xf32, #tpu.memory_space<vmem>>
      %dma_wait3A_120 = tpu.memref_squeeze %dma_wait3A_119 : memref<1x128x128xf32, #tpu.memory_space<vmem>> -> memref<128x128xf32, #tpu.memory_space<vmem>>
      %dma_wait3A_121 = arith.constant 0 : i32
      %dma_wait3A_122 = tpu.memref_slice %arg9[%add3A_20, %dma_wait3A_121] : memref<10240x128xf32, #tpu.memory_space<vmem_shared>> -> memref<128x128xf32, #tpu.memory_space<vmem_shared>>
      %dma_wait3A_123 = arith.constant 0 : i32
      %dma_wait3A_124 = tpu.memref_slice %arg9[%add3A_20, %dma_wait3A_123] : memref<10240x128xf32, #tpu.memory_space<vmem_shared>> -> memref<128x128xf32, #tpu.memory_space<vmem_shared>>
      %dma_wait3A_125 = arith.constant 0 : i32
      %dma_wait3A_126 = arith.constant 0 : i32
      %dma_wait3A_127 = tpu.memref_slice %arg8[%run_scoped3A_21, %dma_wait3A_125, %dma_wait3A_126] : memref<2x128x128xf32, #tpu.memory_space<vmem>> -> memref<1x128x128xf32, #tpu.memory_space<vmem>>
      %dma_wait3A_128 = tpu.memref_squeeze %dma_wait3A_127 : memref<1x128x128xf32, #tpu.memory_space<vmem>> -> memref<128x128xf32, #tpu.memory_space<vmem>>
      tpu.wait_dma2 semaphore(%run_scoped3A_104 : memref<!tpu.dma_semaphore, #tpu.memory_space<semaphore_mem>>) src(%dma_wait3A_128 : memref<128x128xf32, #tpu.memory_space<vmem>>) dst(%dma_wait3A_124 : memref<128x128xf32, #tpu.memory_space<vmem_shared>>)
      tpu.yield
    }) : () -> ()
    %mul3A_22 = arith.constant 640 : i32
    %mul3A_23 = arith.muli %arg1, %mul3A_22 : i32
    %add3A_24 = arith.constant 512 : i32
    %add3A_25 = arith.addi %mul3A_23, %add3A_24 : i32
    %run_scoped3A_26 = arith.constant 0 : i32
    "tpu.region"() ({
      %run_scoped3A_104 = tpu.sem_alloc : memref<!tpu.dma_semaphore, #tpu.memory_space<semaphore_mem>>
      %dma_start3A_105 = arith.constant 0 : i32
      %dma_start3A_106 = arith.constant 0 : i32
      %dma_start3A_107 = tpu.memref_slice %arg8[%run_scoped3A_26, %dma_start3A_105, %dma_start3A_106] : memref<2x128x128xf32, #tpu.memory_space<vmem>> -> memref<1x128x128xf32, #tpu.memory_space<vmem>>
      %dma_start3A_108 = tpu.memref_squeeze %dma_start3A_107 : memref<1x128x128xf32, #tpu.memory_space<vmem>> -> memref<128x128xf32, #tpu.memory_space<vmem>>
      %dma_start3A_109 = arith.constant 0 : i32
      %dma_start3A_110 = tpu.memref_slice %arg9[%add3A_25, %dma_start3A_109] : memref<10240x128xf32, #tpu.memory_space<vmem_shared>> -> memref<128x128xf32, #tpu.memory_space<vmem_shared>>
      %dma_start3A_111 = arith.constant 0 : i32
      %dma_start3A_112 = tpu.memref_slice %arg9[%add3A_25, %dma_start3A_111] : memref<10240x128xf32, #tpu.memory_space<vmem_shared>> -> memref<128x128xf32, #tpu.memory_space<vmem_shared>>
      %dma_start3A_113 = arith.constant 0 : i32
      %dma_start3A_114 = arith.constant 0 : i32
      %dma_start3A_115 = tpu.memref_slice %arg8[%run_scoped3A_26, %dma_start3A_113, %dma_start3A_114] : memref<2x128x128xf32, #tpu.memory_space<vmem>> -> memref<1x128x128xf32, #tpu.memory_space<vmem>>
      %dma_start3A_116 = tpu.memref_squeeze %dma_start3A_115 : memref<1x128x128xf32, #tpu.memory_space<vmem>> -> memref<128x128xf32, #tpu.memory_space<vmem>>
      tpu.enqueue_dma source(%dma_start3A_116 : memref<128x128xf32, #tpu.memory_space<vmem>>) target(%dma_start3A_112 : memref<128x128xf32, #tpu.memory_space<vmem_shared>>) target_semaphore(%run_scoped3A_104 : memref<!tpu.dma_semaphore, #tpu.memory_space<semaphore_mem>>)
      %dma_wait3A_117 = arith.constant 0 : i32
      %dma_wait3A_118 = arith.constant 0 : i32
      %dma_wait3A_119 = tpu.memref_slice %arg8[%run_scoped3A_26, %dma_wait3A_117, %dma_wait3A_118] : memref<2x128x128xf32, #tpu.memory_space<vmem>> -> memref<1x128x128xf32, #tpu.memory_space<vmem>>
      %dma_wait3A_120 = tpu.memref_squeeze %dma_wait3A_119 : memref<1x128x128xf32, #tpu.memory_space<vmem>> -> memref<128x128xf32, #tpu.memory_space<vmem>>
      %dma_wait3A_121 = arith.constant 0 : i32
      %dma_wait3A_122 = tpu.memref_slice %arg9[%add3A_25, %dma_wait3A_121] : memref<10240x128xf32, #tpu.memory_space<vmem_shared>> -> memref<128x128xf32, #tpu.memory_space<vmem_shared>>
      %dma_wait3A_123 = arith.constant 0 : i32
      %dma_wait3A_124 = tpu.memref_slice %arg9[%add3A_25, %dma_wait3A_123] : memref<10240x128xf32, #tpu.memory_space<vmem_shared>> -> memref<128x128xf32, #tpu.memory_space<vmem_shared>>
      %dma_wait3A_125 = arith.constant 0 : i32
      %dma_wait3A_126 = arith.constant 0 : i32
      %dma_wait3A_127 = tpu.memref_slice %arg8[%run_scoped3A_26, %dma_wait3A_125, %dma_wait3A_126] : memref<2x128x128xf32, #tpu.memory_space<vmem>> -> memref<1x128x128xf32, #tpu.memory_space<vmem>>
      %dma_wait3A_128 = tpu.memref_squeeze %dma_wait3A_127 : memref<1x128x128xf32, #tpu.memory_space<vmem>> -> memref<128x128xf32, #tpu.memory_space<vmem>>
      tpu.wait_dma2 semaphore(%run_scoped3A_104 : memref<!tpu.dma_semaphore, #tpu.memory_space<semaphore_mem>>) src(%dma_wait3A_128 : memref<128x128xf32, #tpu.memory_space<vmem>>) dst(%dma_wait3A_124 : memref<128x128xf32, #tpu.memory_space<vmem_shared>>)
      tpu.yield
    }) : () -> ()
    %dma_start3A = arith.constant 0 : i32
    %dma_start3A_27 = arith.constant 0 : i32
    %dma_start3A_28 = arith.constant 0 : i32
    %dma_start3A_29 = tpu.memref_slice %arg6[%dma_start3A, %dma_start3A_27, %dma_start3A_28] : memref<2x16x128xi32, #tpu.memory_space<vmem>> -> memref<1x16x128xi32, #tpu.memory_space<vmem>>
    %dma_start3A_30 = tpu.memref_squeeze %dma_start3A_29 : memref<1x16x128xi32, #tpu.memory_space<vmem>> -> memref<16x128xi32, #tpu.memory_space<vmem>>
    %dma_start3A_31 = arith.constant 0 : i32
    %dma_start3A_32 = arith.constant 0 : i32
    %dma_start3A_33 = tpu.memref_slice %arg3[%arg0, %arg1, %dma_start3A_31, %dma_start3A_32] : memref<2x16x80x128xi32, #tpu.memory_space<hbm>> -> memref<1x1x16x128xi32, #tpu.memory_space<hbm>>
    %dma_start3A_34 = tpu.memref_squeeze %dma_start3A_33 : memref<1x1x16x128xi32, #tpu.memory_space<hbm>> -> memref<16x128xi32, #tpu.memory_space<hbm>>
    %dma_start3A_35 = arith.constant 0 : i32
    %dma_start3A_36 = arith.constant 0 : i32
    %dma_start3A_37 = tpu.memref_slice %arg6[%dma_start3A, %dma_start3A_35, %dma_start3A_36] : memref<2x16x128xi32, #tpu.memory_space<vmem>> -> memref<1x16x128xi32, #tpu.memory_space<vmem>>
    %dma_start3A_38 = tpu.memref_squeeze %dma_start3A_37 : memref<1x16x128xi32, #tpu.memory_space<vmem>> -> memref<16x128xi32, #tpu.memory_space<vmem>>
    %dma_start3A_39 = arith.constant 0 : i32
    %dma_start3A_40 = arith.constant 0 : i32
    %dma_start3A_41 = tpu.memref_slice %arg3[%arg0, %arg1, %dma_start3A_39, %dma_start3A_40] : memref<2x16x80x128xi32, #tpu.memory_space<hbm>> -> memref<1x1x16x128xi32, #tpu.memory_space<hbm>>
    %dma_start3A_42 = tpu.memref_squeeze %dma_start3A_41 : memref<1x1x16x128xi32, #tpu.memory_space<hbm>> -> memref<16x128xi32, #tpu.memory_space<hbm>>
    tpu.enqueue_dma source(%dma_start3A_42 : memref<16x128xi32, #tpu.memory_space<hbm>>) target(%dma_start3A_38 : memref<16x128xi32, #tpu.memory_space<vmem>>) target_semaphore(%arg12 : memref<!tpu.dma_semaphore, #tpu.memory_space<semaphore_mem>>)
    %dma_start3A_43 = arith.constant 0 : i32
    %dma_start3A_44 = arith.constant 0 : i32
    %dma_start3A_45 = arith.constant 0 : i32
    %dma_start3A_46 = tpu.memref_slice %arg7[%dma_start3A_43, %dma_start3A_44, %dma_start3A_45] : memref<2x16x128xi32, #tpu.memory_space<vmem>> -> memref<1x16x128xi32, #tpu.memory_space<vmem>>
    %dma_start3A_47 = tpu.memref_squeeze %dma_start3A_46 : memref<1x16x128xi32, #tpu.memory_space<vmem>> -> memref<16x128xi32, #tpu.memory_space<vmem>>
    %dma_start3A_48 = arith.constant 0 : i32
    %dma_start3A_49 = arith.constant 0 : i32
    %dma_start3A_50 = tpu.memref_slice %arg4[%arg0, %arg1, %dma_start3A_48, %dma_start3A_49] : memref<2x16x80x128xi32, #tpu.memory_space<hbm>> -> memref<1x1x16x128xi32, #tpu.memory_space<hbm>>
    %dma_start3A_51 = tpu.memref_squeeze %dma_start3A_50 : memref<1x1x16x128xi32, #tpu.memory_space<hbm>> -> memref<16x128xi32, #tpu.memory_space<hbm>>
    %dma_start3A_52 = arith.constant 0 : i32
    %dma_start3A_53 = arith.constant 0 : i32
    %dma_start3A_54 = tpu.memref_slice %arg7[%dma_start3A_43, %dma_start3A_52, %dma_start3A_53] : memref<2x16x128xi32, #tpu.memory_space<vmem>> -> memref<1x16x128xi32, #tpu.memory_space<vmem>>
    %dma_start3A_55 = tpu.memref_squeeze %dma_start3A_54 : memref<1x16x128xi32, #tpu.memory_space<vmem>> -> memref<16x128xi32, #tpu.memory_space<vmem>>
    %dma_start3A_56 = arith.constant 0 : i32
    %dma_start3A_57 = arith.constant 0 : i32
    %dma_start3A_58 = tpu.memref_slice %arg4[%arg0, %arg1, %dma_start3A_56, %dma_start3A_57] : memref<2x16x80x128xi32, #tpu.memory_space<hbm>> -> memref<1x1x16x128xi32, #tpu.memory_space<hbm>>
    %dma_start3A_59 = tpu.memref_squeeze %dma_start3A_58 : memref<1x1x16x128xi32, #tpu.memory_space<hbm>> -> memref<16x128xi32, #tpu.memory_space<hbm>>
    tpu.enqueue_dma source(%dma_start3A_59 : memref<16x128xi32, #tpu.memory_space<hbm>>) target(%dma_start3A_55 : memref<16x128xi32, #tpu.memory_space<vmem>>) target_semaphore(%arg12 : memref<!tpu.dma_semaphore, #tpu.memory_space<semaphore_mem>>)
    %barrier3A = arith.constant 0 : index
    tpu.barrier barrier_id(%barrier3A)
    %dma_wait3A = arith.constant 0 : i32
    %dma_wait3A_60 = arith.constant 0 : i32
    %dma_wait3A_61 = arith.constant 0 : i32
    %dma_wait3A_62 = tpu.memref_slice %arg6[%dma_wait3A, %dma_wait3A_60, %dma_wait3A_61] : memref<2x16x128xi32, #tpu.memory_space<vmem>> -> memref<1x16x128xi32, #tpu.memory_space<vmem>>
    %dma_wait3A_63 = tpu.memref_squeeze %dma_wait3A_62 : memref<1x16x128xi32, #tpu.memory_space<vmem>> -> memref<16x128xi32, #tpu.memory_space<vmem>>
    %dma_wait3A_64 = arith.constant 0 : i32
    %dma_wait3A_65 = arith.constant 0 : i32
    %dma_wait3A_66 = tpu.memref_slice %arg3[%arg0, %arg1, %dma_wait3A_64, %dma_wait3A_65] : memref<2x16x80x128xi32, #tpu.memory_space<hbm>> -> memref<1x1x16x128xi32, #tpu.memory_space<hbm>>
    %dma_wait3A_67 = tpu.memref_squeeze %dma_wait3A_66 : memref<1x1x16x128xi32, #tpu.memory_space<hbm>> -> memref<16x128xi32, #tpu.memory_space<hbm>>
    %dma_wait3A_68 = arith.constant 0 : i32
    %dma_wait3A_69 = arith.constant 0 : i32
    %dma_wait3A_70 = tpu.memref_slice %arg6[%dma_wait3A, %dma_wait3A_68, %dma_wait3A_69] : memref<2x16x128xi32, #tpu.memory_space<vmem>> -> memref<1x16x128xi32, #tpu.memory_space<vmem>>
    %dma_wait3A_71 = tpu.memref_squeeze %dma_wait3A_70 : memref<1x16x128xi32, #tpu.memory_space<vmem>> -> memref<16x128xi32, #tpu.memory_space<vmem>>
    %dma_wait3A_72 = arith.constant 0 : i32
    %dma_wait3A_73 = arith.constant 0 : i32
    %dma_wait3A_74 = tpu.memref_slice %arg3[%arg0, %arg1, %dma_wait3A_72, %dma_wait3A_73] : memref<2x16x80x128xi32, #tpu.memory_space<hbm>> -> memref<1x1x16x128xi32, #tpu.memory_space<hbm>>
    %dma_wait3A_75 = tpu.memref_squeeze %dma_wait3A_74 : memref<1x1x16x128xi32, #tpu.memory_space<hbm>> -> memref<16x128xi32, #tpu.memory_space<hbm>>
    tpu.wait_dma2 semaphore(%arg12 : memref<!tpu.dma_semaphore, #tpu.memory_space<semaphore_mem>>) src(%dma_wait3A_75 : memref<16x128xi32, #tpu.memory_space<hbm>>) dst(%dma_wait3A_71 : memref<16x128xi32, #tpu.memory_space<vmem>>)
    %dma_wait3A_76 = arith.constant 0 : i32
    %dma_wait3A_77 = arith.constant 0 : i32
    %dma_wait3A_78 = arith.constant 0 : i32
    %dma_wait3A_79 = tpu.memref_slice %arg7[%dma_wait3A_76, %dma_wait3A_77, %dma_wait3A_78] : memref<2x16x128xi32, #tpu.memory_space<vmem>> -> memref<1x16x128xi32, #tpu.memory_space<vmem>>
    %dma_wait3A_80 = tpu.memref_squeeze %dma_wait3A_79 : memref<1x16x128xi32, #tpu.memory_space<vmem>> -> memref<16x128xi32, #tpu.memory_space<vmem>>
    %dma_wait3A_81 = arith.constant 0 : i32
    %dma_wait3A_82 = arith.constant 0 : i32
    %dma_wait3A_83 = tpu.memref_slice %arg4[%arg0, %arg1, %dma_wait3A_81, %dma_wait3A_82] : memref<2x16x80x128xi32, #tpu.memory_space<hbm>> -> memref<1x1x16x128xi32, #tpu.memory_space<hbm>>
    %dma_wait3A_84 = tpu.memref_squeeze %dma_wait3A_83 : memref<1x1x16x128xi32, #tpu.memory_space<hbm>> -> memref<16x128xi32, #tpu.memory_space<hbm>>
    %dma_wait3A_85 = arith.constant 0 : i32
    %dma_wait3A_86 = arith.constant 0 : i32
    %dma_wait3A_87 = tpu.memref_slice %arg7[%dma_wait3A_76, %dma_wait3A_85, %dma_wait3A_86] : memref<2x16x128xi32, #tpu.memory_space<vmem>> -> memref<1x16x128xi32, #tpu.memory_space<vmem>>
    %dma_wait3A_88 = tpu.memref_squeeze %dma_wait3A_87 : memref<1x16x128xi32, #tpu.memory_space<vmem>> -> memref<16x128xi32, #tpu.memory_space<vmem>>
    %dma_wait3A_89 = arith.constant 0 : i32
    %dma_wait3A_90 = arith.constant 0 : i32
    %dma_wait3A_91 = tpu.memref_slice %arg4[%arg0, %arg1, %dma_wait3A_89, %dma_wait3A_90] : memref<2x16x80x128xi32, #tpu.memory_space<hbm>> -> memref<1x1x16x128xi32, #tpu.memory_space<hbm>>
    %dma_wait3A_92 = tpu.memref_squeeze %dma_wait3A_91 : memref<1x1x16x128xi32, #tpu.memory_space<hbm>> -> memref<16x128xi32, #tpu.memory_space<hbm>>
    tpu.wait_dma2 semaphore(%arg12 : memref<!tpu.dma_semaphore, #tpu.memory_space<semaphore_mem>>) src(%dma_wait3A_92 : memref<16x128xi32, #tpu.memory_space<hbm>>) dst(%dma_wait3A_88 : memref<16x128xi32, #tpu.memory_space<vmem>>)
    %scan3A_93 = arith.constant 0 : i32
    %scan3A_94 = arith.constant 0 : i32
    %scan3A_95 = arith.constant 5 : i32
    %scan3A_96 = arith.addi %scan3A_94, %scan3A_95 : i32
    %scan3A_97 = arith.constant 1 : i32
    scf.for %scan3A_104 = %scan3A_94 to %scan3A_96 step %scan3A_97  : i32 {
      %rem3A = arith.constant 2 : i32
      %rem3A_105 = arith.remsi %scan3A_104, %rem3A : i32
      %add3A_106 = arith.constant 1 : i32
      %add3A_107 = arith.addi %scan3A_104, %add3A_106 : i32
      %rem3A_108 = arith.constant 2 : i32
      %rem3A_109 = arith.remsi %add3A_107, %rem3A_108 : i32
      %add3A_110 = arith.constant 1 : i32
      %add3A_111 = arith.addi %scan3A_104, %add3A_110 : i32
      %lt3A = arith.constant 5 : i32
      %lt3A_112 = arith.cmpi slt, %add3A_111, %lt3A : i32
      %convert_element_type3A = arith.extui %lt3A_112 : i1 to i32
      %cond3A = arith.constant 0 : i32
      %cond3A_113 = arith.cmpi ne, %convert_element_type3A, %cond3A : i32
      scf.if %cond3A_113 {
        %add3A_139 = arith.constant 1 : i32
        %add3A_140 = arith.addi %scan3A_104, %add3A_139 : i32
        %mul3A_141 = arith.constant 16 : i32
        %mul3A_142 = arith.muli %add3A_140, %mul3A_141 : i32
        %dma_start3A_143 = arith.constant 0 : i32
        %dma_start3A_144 = arith.constant 0 : i32
        %dma_start3A_145 = tpu.memref_slice %arg6[%rem3A_109, %dma_start3A_143, %dma_start3A_144] : memref<2x16x128xi32, #tpu.memory_space<vmem>> -> memref<1x16x128xi32, #tpu.memory_space<vmem>>
        %dma_start3A_146 = tpu.memref_squeeze %dma_start3A_145 : memref<1x16x128xi32, #tpu.memory_space<vmem>> -> memref<16x128xi32, #tpu.memory_space<vmem>>
        %dma_start3A_147 = arith.constant 0 : i32
        %dma_start3A_148 = tpu.memref_slice %arg3[%arg0, %arg1, %mul3A_142, %dma_start3A_147] : memref<2x16x80x128xi32, #tpu.memory_space<hbm>> -> memref<1x1x16x128xi32, #tpu.memory_space<hbm>>
        %dma_start3A_149 = tpu.memref_squeeze %dma_start3A_148 : memref<1x1x16x128xi32, #tpu.memory_space<hbm>> -> memref<16x128xi32, #tpu.memory_space<hbm>>
        %dma_start3A_150 = arith.constant 0 : i32
        %dma_start3A_151 = arith.constant 0 : i32
        %dma_start3A_152 = tpu.memref_slice %arg6[%rem3A_109, %dma_start3A_150, %dma_start3A_151] : memref<2x16x128xi32, #tpu.memory_space<vmem>> -> memref<1x16x128xi32, #tpu.memory_space<vmem>>
        %dma_start3A_153 = tpu.memref_squeeze %dma_start3A_152 : memref<1x16x128xi32, #tpu.memory_space<vmem>> -> memref<16x128xi32, #tpu.memory_space<vmem>>
        %dma_start3A_154 = arith.constant 0 : i32
        %dma_start3A_155 = tpu.memref_slice %arg3[%arg0, %arg1, %mul3A_142, %dma_start3A_154] : memref<2x16x80x128xi32, #tpu.memory_space<hbm>> -> memref<1x1x16x128xi32, #tpu.memory_space<hbm>>
        %dma_start3A_156 = tpu.memref_squeeze %dma_start3A_155 : memref<1x1x16x128xi32, #tpu.memory_space<hbm>> -> memref<16x128xi32, #tpu.memory_space<hbm>>
        tpu.enqueue_dma source(%dma_start3A_156 : memref<16x128xi32, #tpu.memory_space<hbm>>) target(%dma_start3A_153 : memref<16x128xi32, #tpu.memory_space<vmem>>) target_semaphore(%arg12 : memref<!tpu.dma_semaphore, #tpu.memory_space<semaphore_mem>>)
        %add3A_157 = arith.constant 1 : i32
        %add3A_158 = arith.addi %scan3A_104, %add3A_157 : i32
        %mul3A_159 = arith.constant 16 : i32
        %mul3A_160 = arith.muli %add3A_158, %mul3A_159 : i32
        %dma_start3A_161 = arith.constant 0 : i32
        %dma_start3A_162 = arith.constant 0 : i32
        %dma_start3A_163 = tpu.memref_slice %arg7[%rem3A_109, %dma_start3A_161, %dma_start3A_162] : memref<2x16x128xi32, #tpu.memory_space<vmem>> -> memref<1x16x128xi32, #tpu.memory_space<vmem>>
        %dma_start3A_164 = tpu.memref_squeeze %dma_start3A_163 : memref<1x16x128xi32, #tpu.memory_space<vmem>> -> memref<16x128xi32, #tpu.memory_space<vmem>>
        %dma_start3A_165 = arith.constant 0 : i32
        %dma_start3A_166 = tpu.memref_slice %arg4[%arg0, %arg1, %mul3A_160, %dma_start3A_165] : memref<2x16x80x128xi32, #tpu.memory_space<hbm>> -> memref<1x1x16x128xi32, #tpu.memory_space<hbm>>
        %dma_start3A_167 = tpu.memref_squeeze %dma_start3A_166 : memref<1x1x16x128xi32, #tpu.memory_space<hbm>> -> memref<16x128xi32, #tpu.memory_space<hbm>>
        %dma_start3A_168 = arith.constant 0 : i32
        %dma_start3A_169 = arith.constant 0 : i32
        %dma_start3A_170 = tpu.memref_slice %arg7[%rem3A_109, %dma_start3A_168, %dma_start3A_169] : memref<2x16x128xi32, #tpu.memory_space<vmem>> -> memref<1x16x128xi32, #tpu.memory_space<vmem>>
        %dma_start3A_171 = tpu.memref_squeeze %dma_start3A_170 : memref<1x16x128xi32, #tpu.memory_space<vmem>> -> memref<16x128xi32, #tpu.memory_space<vmem>>
        %dma_start3A_172 = arith.constant 0 : i32
        %dma_start3A_173 = tpu.memref_slice %arg4[%arg0, %arg1, %mul3A_160, %dma_start3A_172] : memref<2x16x80x128xi32, #tpu.memory_space<hbm>> -> memref<1x1x16x128xi32, #tpu.memory_space<hbm>>
        %dma_start3A_174 = tpu.memref_squeeze %dma_start3A_173 : memref<1x1x16x128xi32, #tpu.memory_space<hbm>> -> memref<16x128xi32, #tpu.memory_space<hbm>>
        tpu.enqueue_dma source(%dma_start3A_174 : memref<16x128xi32, #tpu.memory_space<hbm>>) target(%dma_start3A_171 : memref<16x128xi32, #tpu.memory_space<vmem>>) target_semaphore(%arg12 : memref<!tpu.dma_semaphore, #tpu.memory_space<semaphore_mem>>)
      } else {
      }
      %dma_start3A_114 = arith.constant 0 : i32
      %dma_start3A_115 = arith.constant 0 : i32
      %dma_start3A_116 = arith.constant 0 : i32
      %dma_start3A_117 = arith.constant 0 : i32
      %dma_start3A_118 = tpu.memref_slice %arg8[%dma_start3A_115, %dma_start3A_116, %dma_start3A_117] : memref<2x128x128xf32, #tpu.memory_space<vmem>> -> memref<1x128x128xf32, #tpu.memory_space<vmem>>
      %dma_start3A_119 = tpu.memref_squeeze %dma_start3A_118 : memref<1x128x128xf32, #tpu.memory_space<vmem>> -> memref<128x128xf32, #tpu.memory_space<vmem>>
      %dma_start3A_120 = arith.constant 0 : i32
      %dma_start3A_121 = tpu.memref_slice %arg6[%rem3A_105, %dma_start3A_114, %dma_start3A_120] : memref<2x16x128xi32, #tpu.memory_space<vmem>> -> memref<1x1x128xi32, #tpu.memory_space<vmem>>
      %dma_start3A_122 = tpu.memref_squeeze %dma_start3A_121 : memref<1x1x128xi32, #tpu.memory_space<vmem>> -> memref<128xi32, #tpu.memory_space<vmem>>
      %dma_start3A_123 = arith.constant 0 : i32
      %dma_start3A_124 = arith.constant 0 : i32
      %dma_start3A_125 = tpu.memref_slice %arg2[%dma_start3A_123, %dma_start3A_124] : memref<10240x128xf32, #tpu.memory_space<hbm>> -> memref<10240x128xf32, #tpu.memory_space<hbm>>
      tpu.enqueue_indirect_dma source(%dma_start3A_125 : memref<10240x128xf32, #tpu.memory_space<hbm>>) target(%dma_start3A_119 : memref<128x128xf32, #tpu.memory_space<vmem>>) offsets(%dma_start3A_122 : memref<128xi32, #tpu.memory_space<vmem>>) semaphore(%arg10 : memref<!tpu.dma_semaphore, #tpu.memory_space<semaphore_mem>>)
      %scan3A_126 = arith.constant 0 : i32
      %scan3A_127 = arith.constant 0 : i32
      %scan3A_128 = arith.constant 8 : i32
      %scan3A_129 = arith.addi %scan3A_127, %scan3A_128 : i32
      %scan3A_130 = arith.constant 1 : i32
      scf.for %scan3A_139 = %scan3A_127 to %scan3A_129 step %scan3A_130  : i32 {
        %mul3A_140 = arith.constant 2 : i32
        %mul3A_141 = arith.muli %mul3A_140, %scan3A_139 : i32
        %add3A_142 = arith.constant 1 : i32
        %add3A_143 = arith.addi %mul3A_141, %add3A_142 : i32
        %dma_start3A_144 = arith.constant 1 : i32
        %dma_start3A_145 = arith.constant 0 : i32
        %dma_start3A_146 = arith.constant 0 : i32
        %dma_start3A_147 = tpu.memref_slice %arg8[%dma_start3A_144, %dma_start3A_145, %dma_start3A_146] : memref<2x128x128xf32, #tpu.memory_space<vmem>> -> memref<1x128x128xf32, #tpu.memory_space<vmem>>
        %dma_start3A_148 = tpu.memref_squeeze %dma_start3A_147 : memref<1x128x128xf32, #tpu.memory_space<vmem>> -> memref<128x128xf32, #tpu.memory_space<vmem>>
        %dma_start3A_149 = arith.constant 0 : i32
        %dma_start3A_150 = tpu.memref_slice %arg6[%rem3A_105, %add3A_143, %dma_start3A_149] : memref<2x16x128xi32, #tpu.memory_space<vmem>> -> memref<1x1x128xi32, #tpu.memory_space<vmem>>
        %dma_start3A_151 = tpu.memref_squeeze %dma_start3A_150 : memref<1x1x128xi32, #tpu.memory_space<vmem>> -> memref<128xi32, #tpu.memory_space<vmem>>
        %dma_start3A_152 = arith.constant 0 : i32
        %dma_start3A_153 = arith.constant 0 : i32
        %dma_start3A_154 = tpu.memref_slice %arg2[%dma_start3A_152, %dma_start3A_153] : memref<10240x128xf32, #tpu.memory_space<hbm>> -> memref<10240x128xf32, #tpu.memory_space<hbm>>
        tpu.enqueue_indirect_dma source(%dma_start3A_154 : memref<10240x128xf32, #tpu.memory_space<hbm>>) target(%dma_start3A_148 : memref<128x128xf32, #tpu.memory_space<vmem>>) offsets(%dma_start3A_151 : memref<128xi32, #tpu.memory_space<vmem>>) semaphore(%arg11 : memref<!tpu.dma_semaphore, #tpu.memory_space<semaphore_mem>>)
        %dma_wait3A_155 = arith.constant 0 : i32
        %dma_wait3A_156 = arith.constant 0 : i32
        %dma_wait3A_157 = arith.constant 0 : i32
        %dma_wait3A_158 = tpu.memref_slice %arg8[%dma_wait3A_155, %dma_wait3A_156, %dma_wait3A_157] : memref<2x128x128xf32, #tpu.memory_space<vmem>> -> memref<1x128x128xf32, #tpu.memory_space<vmem>>
        %dma_wait3A_159 = tpu.memref_squeeze %dma_wait3A_158 : memref<1x128x128xf32, #tpu.memory_space<vmem>> -> memref<128x128xf32, #tpu.memory_space<vmem>>
        %dma_wait3A_160 = arith.constant 0 : i32
        %dma_wait3A_161 = arith.constant 0 : i32
        %dma_wait3A_162 = tpu.memref_slice %arg2[%dma_wait3A_160, %dma_wait3A_161] : memref<10240x128xf32, #tpu.memory_space<hbm>> -> memref<128x128xf32, #tpu.memory_space<hbm>>
        %dma_wait3A_163 = arith.constant 0 : i32
        %dma_wait3A_164 = arith.constant 0 : i32
        %dma_wait3A_165 = tpu.memref_slice %arg8[%dma_wait3A_155, %dma_wait3A_163, %dma_wait3A_164] : memref<2x128x128xf32, #tpu.memory_space<vmem>> -> memref<1x128x128xf32, #tpu.memory_space<vmem>>
        %dma_wait3A_166 = tpu.memref_squeeze %dma_wait3A_165 : memref<1x128x128xf32, #tpu.memory_space<vmem>> -> memref<128x128xf32, #tpu.memory_space<vmem>>
        %dma_wait3A_167 = arith.constant 0 : i32
        %dma_wait3A_168 = arith.constant 0 : i32
        %dma_wait3A_169 = tpu.memref_slice %arg2[%dma_wait3A_167, %dma_wait3A_168] : memref<10240x128xf32, #tpu.memory_space<hbm>> -> memref<128x128xf32, #tpu.memory_space<hbm>>
        tpu.wait_dma2 semaphore(%arg10 : memref<!tpu.dma_semaphore, #tpu.memory_space<semaphore_mem>>) src(%dma_wait3A_169 : memref<128x128xf32, #tpu.memory_space<hbm>>) dst(%dma_wait3A_166 : memref<128x128xf32, #tpu.memory_space<vmem>>)
        %run_scoped3A_170 = arith.constant 0 : i32
        "tpu.region"() ({
          %run_scoped3A_196 = tpu.sem_alloc : memref<!tpu.dma_semaphore, #tpu.memory_space<semaphore_mem>>
          %dma_start3A_197 = arith.constant 0 : i32
          %dma_start3A_198 = arith.constant 0 : i32
          %dma_start3A_199 = tpu.memref_slice %arg8[%run_scoped3A_170, %dma_start3A_197, %dma_start3A_198] : memref<2x128x128xf32, #tpu.memory_space<vmem>> -> memref<1x128x128xf32, #tpu.memory_space<vmem>>
          %dma_start3A_200 = tpu.memref_squeeze %dma_start3A_199 : memref<1x128x128xf32, #tpu.memory_space<vmem>> -> memref<128x128xf32, #tpu.memory_space<vmem>>
          %dma_start3A_201 = arith.constant 0 : i32
          %dma_start3A_202 = tpu.memref_slice %arg7[%rem3A_105, %mul3A_141, %dma_start3A_201] : memref<2x16x128xi32, #tpu.memory_space<vmem>> -> memref<1x1x128xi32, #tpu.memory_space<vmem>>
          %dma_start3A_203 = tpu.memref_squeeze %dma_start3A_202 : memref<1x1x128xi32, #tpu.memory_space<vmem>> -> memref<128xi32, #tpu.memory_space<vmem>>
          %dma_start3A_204 = arith.constant 0 : i32
          %dma_start3A_205 = arith.constant 0 : i32
          %dma_start3A_206 = tpu.memref_slice %arg9[%dma_start3A_204, %dma_start3A_205] : memref<10240x128xf32, #tpu.memory_space<vmem_shared>> -> memref<10240x128xf32, #tpu.memory_space<vmem_shared>>
          tpu.enqueue_indirect_dma source(%dma_start3A_200 : memref<128x128xf32, #tpu.memory_space<vmem>>) target(%dma_start3A_206 : memref<10240x128xf32, #tpu.memory_space<vmem_shared>>) offsets(%dma_start3A_203 : memref<128xi32, #tpu.memory_space<vmem>>) semaphore(%run_scoped3A_196 : memref<!tpu.dma_semaphore, #tpu.memory_space<semaphore_mem>>) {add = true}
          %dma_wait3A_207 = arith.constant 0 : i32
          %dma_wait3A_208 = arith.constant 0 : i32
          %dma_wait3A_209 = tpu.memref_slice %arg8[%run_scoped3A_170, %dma_wait3A_207, %dma_wait3A_208] : memref<2x128x128xf32, #tpu.memory_space<vmem>> -> memref<1x128x128xf32, #tpu.memory_space<vmem>>
          %dma_wait3A_210 = tpu.memref_squeeze %dma_wait3A_209 : memref<1x128x128xf32, #tpu.memory_space<vmem>> -> memref<128x128xf32, #tpu.memory_space<vmem>>
          %dma_wait3A_211 = arith.constant 0 : i32
          %dma_wait3A_212 = tpu.memref_slice %arg7[%rem3A_105, %mul3A_141, %dma_wait3A_211] : memref<2x16x128xi32, #tpu.memory_space<vmem>> -> memref<1x1x128xi32, #tpu.memory_space<vmem>>
          %dma_wait3A_213 = tpu.memref_squeeze %dma_wait3A_212 : memref<1x1x128xi32, #tpu.memory_space<vmem>> -> memref<128xi32, #tpu.memory_space<vmem>>
          %dma_wait3A_214 = arith.constant 0 : i32
          %dma_wait3A_215 = arith.constant 0 : i32
          %dma_wait3A_216 = tpu.memref_slice %arg9[%dma_wait3A_214, %dma_wait3A_215] : memref<10240x128xf32, #tpu.memory_space<vmem_shared>> -> memref<10240x128xf32, #tpu.memory_space<vmem_shared>>
          tpu.wait_indirect_dma semaphore(%run_scoped3A_196 : memref<!tpu.dma_semaphore, #tpu.memory_space<semaphore_mem>>) src(%dma_wait3A_210 : memref<128x128xf32, #tpu.memory_space<vmem>>) dst(%dma_wait3A_216 : memref<10240x128xf32, #tpu.memory_space<vmem_shared>>)
          tpu.yield
        }) : () -> ()
        %add3A_171 = arith.constant 1 : i32
        %add3A_172 = arith.addi %scan3A_139, %add3A_171 : i32
        %lt3A_173 = arith.constant 8 : i32
        %lt3A_174 = arith.cmpi slt, %add3A_172, %lt3A_173 : i32
        %convert_element_type3A_175 = arith.extui %lt3A_174 : i1 to i32
        %cond3A_176 = arith.constant 0 : i32
        %cond3A_177 = arith.cmpi ne, %convert_element_type3A_175, %cond3A_176 : i32
        scf.if %cond3A_177 {
          %add3A_196 = arith.constant 2 : i32
          %add3A_197 = arith.addi %mul3A_141, %add3A_196 : i32
          %dma_start3A_198 = arith.constant 0 : i32
          %dma_start3A_199 = arith.constant 0 : i32
          %dma_start3A_200 = arith.constant 0 : i32
          %dma_start3A_201 = tpu.memref_slice %arg8[%dma_start3A_198, %dma_start3A_199, %dma_start3A_200] : memref<2x128x128xf32, #tpu.memory_space<vmem>> -> memref<1x128x128xf32, #tpu.memory_space<vmem>>
          %dma_start3A_202 = tpu.memref_squeeze %dma_start3A_201 : memref<1x128x128xf32, #tpu.memory_space<vmem>> -> memref<128x128xf32, #tpu.memory_space<vmem>>
          %dma_start3A_203 = arith.constant 0 : i32
          %dma_start3A_204 = tpu.memref_slice %arg6[%rem3A_105, %add3A_197, %dma_start3A_203] : memref<2x16x128xi32, #tpu.memory_space<vmem>> -> memref<1x1x128xi32, #tpu.memory_space<vmem>>
          %dma_start3A_205 = tpu.memref_squeeze %dma_start3A_204 : memref<1x1x128xi32, #tpu.memory_space<vmem>> -> memref<128xi32, #tpu.memory_space<vmem>>
          %dma_start3A_206 = arith.constant 0 : i32
          %dma_start3A_207 = arith.constant 0 : i32
          %dma_start3A_208 = tpu.memref_slice %arg2[%dma_start3A_206, %dma_start3A_207] : memref<10240x128xf32, #tpu.memory_space<hbm>> -> memref<10240x128xf32, #tpu.memory_space<hbm>>
          tpu.enqueue_indirect_dma source(%dma_start3A_208 : memref<10240x128xf32, #tpu.memory_space<hbm>>) target(%dma_start3A_202 : memref<128x128xf32, #tpu.memory_space<vmem>>) offsets(%dma_start3A_205 : memref<128xi32, #tpu.memory_space<vmem>>) semaphore(%arg10 : memref<!tpu.dma_semaphore, #tpu.memory_space<semaphore_mem>>)
        } else {
        }
        %dma_wait3A_178 = arith.constant 1 : i32
        %dma_wait3A_179 = arith.constant 0 : i32
        %dma_wait3A_180 = arith.constant 0 : i32
        %dma_wait3A_181 = tpu.memref_slice %arg8[%dma_wait3A_178, %dma_wait3A_179, %dma_wait3A_180] : memref<2x128x128xf32, #tpu.memory_space<vmem>> -> memref<1x128x128xf32, #tpu.memory_space<vmem>>
        %dma_wait3A_182 = tpu.memref_squeeze %dma_wait3A_181 : memref<1x128x128xf32, #tpu.memory_space<vmem>> -> memref<128x128xf32, #tpu.memory_space<vmem>>
        %dma_wait3A_183 = arith.constant 0 : i32
        %dma_wait3A_184 = arith.constant 0 : i32
        %dma_wait3A_185 = tpu.memref_slice %arg2[%dma_wait3A_183, %dma_wait3A_184] : memref<10240x128xf32, #tpu.memory_space<hbm>> -> memref<128x128xf32, #tpu.memory_space<hbm>>
        %dma_wait3A_186 = arith.constant 0 : i32
        %dma_wait3A_187 = arith.constant 0 : i32
        %dma_wait3A_188 = tpu.memref_slice %arg8[%dma_wait3A_178, %dma_wait3A_186, %dma_wait3A_187] : memref<2x128x128xf32, #tpu.memory_space<vmem>> -> memref<1x128x128xf32, #tpu.memory_space<vmem>>
        %dma_wait3A_189 = tpu.memref_squeeze %dma_wait3A_188 : memref<1x128x128xf32, #tpu.memory_space<vmem>> -> memref<128x128xf32, #tpu.memory_space<vmem>>
        %dma_wait3A_190 = arith.constant 0 : i32
        %dma_wait3A_191 = arith.constant 0 : i32
        %dma_wait3A_192 = tpu.memref_slice %arg2[%dma_wait3A_190, %dma_wait3A_191] : memref<10240x128xf32, #tpu.memory_space<hbm>> -> memref<128x128xf32, #tpu.memory_space<hbm>>
        tpu.wait_dma2 semaphore(%arg11 : memref<!tpu.dma_semaphore, #tpu.memory_space<semaphore_mem>>) src(%dma_wait3A_192 : memref<128x128xf32, #tpu.memory_space<hbm>>) dst(%dma_wait3A_189 : memref<128x128xf32, #tpu.memory_space<vmem>>)
        %add3A_193 = arith.constant 1 : i32
        %add3A_194 = arith.addi %mul3A_141, %add3A_193 : i32
        %run_scoped3A_195 = arith.constant 1 : i32
        "tpu.region"() ({
          %run_scoped3A_196 = tpu.sem_alloc : memref<!tpu.dma_semaphore, #tpu.memory_space<semaphore_mem>>
          %dma_start3A_197 = arith.constant 0 : i32
          %dma_start3A_198 = arith.constant 0 : i32
          %dma_start3A_199 = tpu.memref_slice %arg8[%run_scoped3A_195, %dma_start3A_197, %dma_start3A_198] : memref<2x128x128xf32, #tpu.memory_space<vmem>> -> memref<1x128x128xf32, #tpu.memory_space<vmem>>
          %dma_start3A_200 = tpu.memref_squeeze %dma_start3A_199 : memref<1x128x128xf32, #tpu.memory_space<vmem>> -> memref<128x128xf32, #tpu.memory_space<vmem>>
          %dma_start3A_201 = arith.constant 0 : i32
          %dma_start3A_202 = tpu.memref_slice %arg7[%rem3A_105, %add3A_194, %dma_start3A_201] : memref<2x16x128xi32, #tpu.memory_space<vmem>> -> memref<1x1x128xi32, #tpu.memory_space<vmem>>
          %dma_start3A_203 = tpu.memref_squeeze %dma_start3A_202 : memref<1x1x128xi32, #tpu.memory_space<vmem>> -> memref<128xi32, #tpu.memory_space<vmem>>
          %dma_start3A_204 = arith.constant 0 : i32
          %dma_start3A_205 = arith.constant 0 : i32
          %dma_start3A_206 = tpu.memref_slice %arg9[%dma_start3A_204, %dma_start3A_205] : memref<10240x128xf32, #tpu.memory_space<vmem_shared>> -> memref<10240x128xf32, #tpu.memory_space<vmem_shared>>
          tpu.enqueue_indirect_dma source(%dma_start3A_200 : memref<128x128xf32, #tpu.memory_space<vmem>>) target(%dma_start3A_206 : memref<10240x128xf32, #tpu.memory_space<vmem_shared>>) offsets(%dma_start3A_203 : memref<128xi32, #tpu.memory_space<vmem>>) semaphore(%run_scoped3A_196 : memref<!tpu.dma_semaphore, #tpu.memory_space<semaphore_mem>>) {add = true}
          %dma_wait3A_207 = arith.constant 0 : i32
          %dma_wait3A_208 = arith.constant 0 : i32
          %dma_wait3A_209 = tpu.memref_slice %arg8[%run_scoped3A_195, %dma_wait3A_207, %dma_wait3A_208] : memref<2x128x128xf32, #tpu.memory_space<vmem>> -> memref<1x128x128xf32, #tpu.memory_space<vmem>>
          %dma_wait3A_210 = tpu.memref_squeeze %dma_wait3A_209 : memref<1x128x128xf32, #tpu.memory_space<vmem>> -> memref<128x128xf32, #tpu.memory_space<vmem>>
          %dma_wait3A_211 = arith.constant 0 : i32
          %dma_wait3A_212 = tpu.memref_slice %arg7[%rem3A_105, %add3A_194, %dma_wait3A_211] : memref<2x16x128xi32, #tpu.memory_space<vmem>> -> memref<1x1x128xi32, #tpu.memory_space<vmem>>
          %dma_wait3A_213 = tpu.memref_squeeze %dma_wait3A_212 : memref<1x1x128xi32, #tpu.memory_space<vmem>> -> memref<128xi32, #tpu.memory_space<vmem>>
          %dma_wait3A_214 = arith.constant 0 : i32
          %dma_wait3A_215 = arith.constant 0 : i32
          %dma_wait3A_216 = tpu.memref_slice %arg9[%dma_wait3A_214, %dma_wait3A_215] : memref<10240x128xf32, #tpu.memory_space<vmem_shared>> -> memref<10240x128xf32, #tpu.memory_space<vmem_shared>>
          tpu.wait_indirect_dma semaphore(%run_scoped3A_196 : memref<!tpu.dma_semaphore, #tpu.memory_space<semaphore_mem>>) src(%dma_wait3A_210 : memref<128x128xf32, #tpu.memory_space<vmem>>) dst(%dma_wait3A_216 : memref<10240x128xf32, #tpu.memory_space<vmem_shared>>)
          tpu.yield
        }) : () -> ()
      }
      %scan3A_131 = arith.constant 8 : i32
      %add3A_132 = arith.constant 1 : i32
      %add3A_133 = arith.addi %scan3A_104, %add3A_132 : i32
      %lt3A_134 = arith.constant 5 : i32
      %lt3A_135 = arith.cmpi slt, %add3A_133, %lt3A_134 : i32
      %convert_element_type3A_136 = arith.extui %lt3A_135 : i1 to i32
      %cond3A_137 = arith.constant 0 : i32
      %cond3A_138 = arith.cmpi ne, %convert_element_type3A_136, %cond3A_137 : i32
      scf.if %cond3A_138 {
        %dma_wait3A_139 = arith.constant 0 : i32
        %dma_wait3A_140 = arith.constant 0 : i32
        %dma_wait3A_141 = tpu.memref_slice %arg6[%rem3A_109, %dma_wait3A_139, %dma_wait3A_140] : memref<2x16x128xi32, #tpu.memory_space<vmem>> -> memref<1x16x128xi32, #tpu.memory_space<vmem>>
        %dma_wait3A_142 = tpu.memref_squeeze %dma_wait3A_141 : memref<1x16x128xi32, #tpu.memory_space<vmem>> -> memref<16x128xi32, #tpu.memory_space<vmem>>
        %dma_wait3A_143 = arith.constant 0 : i32
        %dma_wait3A_144 = arith.constant 0 : i32
        %dma_wait3A_145 = tpu.memref_slice %arg3[%arg0, %arg1, %dma_wait3A_143, %dma_wait3A_144] : memref<2x16x80x128xi32, #tpu.memory_space<hbm>> -> memref<1x1x16x128xi32, #tpu.memory_space<hbm>>
        %dma_wait3A_146 = tpu.memref_squeeze %dma_wait3A_145 : memref<1x1x16x128xi32, #tpu.memory_space<hbm>> -> memref<16x128xi32, #tpu.memory_space<hbm>>
        %dma_wait3A_147 = arith.constant 0 : i32
        %dma_wait3A_148 = arith.constant 0 : i32
        %dma_wait3A_149 = tpu.memref_slice %arg6[%rem3A_109, %dma_wait3A_147, %dma_wait3A_148] : memref<2x16x128xi32, #tpu.memory_space<vmem>> -> memref<1x16x128xi32, #tpu.memory_space<vmem>>
        %dma_wait3A_150 = tpu.memref_squeeze %dma_wait3A_149 : memref<1x16x128xi32, #tpu.memory_space<vmem>> -> memref<16x128xi32, #tpu.memory_space<vmem>>
        %dma_wait3A_151 = arith.constant 0 : i32
        %dma_wait3A_152 = arith.constant 0 : i32
        %dma_wait3A_153 = tpu.memref_slice %arg3[%arg0, %arg1, %dma_wait3A_151, %dma_wait3A_152] : memref<2x16x80x128xi32, #tpu.memory_space<hbm>> -> memref<1x1x16x128xi32, #tpu.memory_space<hbm>>
        %dma_wait3A_154 = tpu.memref_squeeze %dma_wait3A_153 : memref<1x1x16x128xi32, #tpu.memory_space<hbm>> -> memref<16x128xi32, #tpu.memory_space<hbm>>
        tpu.wait_dma2 semaphore(%arg12 : memref<!tpu.dma_semaphore, #tpu.memory_space<semaphore_mem>>) src(%dma_wait3A_154 : memref<16x128xi32, #tpu.memory_space<hbm>>) dst(%dma_wait3A_150 : memref<16x128xi32, #tpu.memory_space<vmem>>)
        %dma_wait3A_155 = arith.constant 0 : i32
        %dma_wait3A_156 = arith.constant 0 : i32
        %dma_wait3A_157 = tpu.memref_slice %arg7[%rem3A_109, %dma_wait3A_155, %dma_wait3A_156] : memref<2x16x128xi32, #tpu.memory_space<vmem>> -> memref<1x16x128xi32, #tpu.memory_space<vmem>>
        %dma_wait3A_158 = tpu.memref_squeeze %dma_wait3A_157 : memref<1x16x128xi32, #tpu.memory_space<vmem>> -> memref<16x128xi32, #tpu.memory_space<vmem>>
        %dma_wait3A_159 = arith.constant 0 : i32
        %dma_wait3A_160 = arith.constant 0 : i32
        %dma_wait3A_161 = tpu.memref_slice %arg4[%arg0, %arg1, %dma_wait3A_159, %dma_wait3A_160] : memref<2x16x80x128xi32, #tpu.memory_space<hbm>> -> memref<1x1x16x128xi32, #tpu.memory_space<hbm>>
        %dma_wait3A_162 = tpu.memref_squeeze %dma_wait3A_161 : memref<1x1x16x128xi32, #tpu.memory_space<hbm>> -> memref<16x128xi32, #tpu.memory_space<hbm>>
        %dma_wait3A_163 = arith.constant 0 : i32
        %dma_wait3A_164 = arith.constant 0 : i32
        %dma_wait3A_165 = tpu.memref_slice %arg7[%rem3A_109, %dma_wait3A_163, %dma_wait3A_164] : memref<2x16x128xi32, #tpu.memory_space<vmem>> -> memref<1x16x128xi32, #tpu.memory_space<vmem>>
        %dma_wait3A_166 = tpu.memref_squeeze %dma_wait3A_165 : memref<1x16x128xi32, #tpu.memory_space<vmem>> -> memref<16x128xi32, #tpu.memory_space<vmem>>
        %dma_wait3A_167 = arith.constant 0 : i32
        %dma_wait3A_168 = arith.constant 0 : i32
        %dma_wait3A_169 = tpu.memref_slice %arg4[%arg0, %arg1, %dma_wait3A_167, %dma_wait3A_168] : memref<2x16x80x128xi32, #tpu.memory_space<hbm>> -> memref<1x1x16x128xi32, #tpu.memory_space<hbm>>
        %dma_wait3A_170 = tpu.memref_squeeze %dma_wait3A_169 : memref<1x1x16x128xi32, #tpu.memory_space<hbm>> -> memref<16x128xi32, #tpu.memory_space<hbm>>
        tpu.wait_dma2 semaphore(%arg12 : memref<!tpu.dma_semaphore, #tpu.memory_space<semaphore_mem>>) src(%dma_wait3A_170 : memref<16x128xi32, #tpu.memory_space<hbm>>) dst(%dma_wait3A_166 : memref<16x128xi32, #tpu.memory_space<vmem>>)
      } else {
      }
    }
    %scan3A_98 = arith.constant 5 : i32
    %barrier3A_99 = arith.constant 0 : index
    tpu.barrier barrier_id(%barrier3A_99)
    %mul3A_100 = arith.constant 640 : i32
    %mul3A_101 = arith.muli %arg1, %mul3A_100 : i32
    %mul3A_102 = arith.constant 640 : i32
    %mul3A_103 = arith.muli %arg1, %mul3A_102 : i32
    "tpu.region"() ({
      %run_scoped3A_104 = tpu.sem_alloc : memref<!tpu.dma_semaphore, #tpu.memory_space<semaphore_mem>>
      %dma_start3A_105 = arith.constant 0 : i32
      %dma_start3A_106 = tpu.memref_slice %arg5[%arg0, %mul3A_103, %dma_start3A_105] : memref<2x10240x128xf32, #tpu.memory_space<hbm>> -> memref<1x640x128xf32, #tpu.memory_space<hbm>>
      %dma_start3A_107 = tpu.memref_squeeze %dma_start3A_106 : memref<1x640x128xf32, #tpu.memory_space<hbm>> -> memref<640x128xf32, #tpu.memory_space<hbm>>
      %dma_start3A_108 = arith.constant 0 : i32
      %dma_start3A_109 = tpu.memref_slice %arg9[%mul3A_101, %dma_start3A_108] : memref<10240x128xf32, #tpu.memory_space<vmem_shared>> -> memref<640x128xf32, #tpu.memory_space<vmem_shared>>
      tpu.enqueue_dma source(%dma_start3A_109 : memref<640x128xf32, #tpu.memory_space<vmem_shared>>) target(%dma_start3A_107 : memref<640x128xf32, #tpu.memory_space<hbm>>) target_semaphore(%run_scoped3A_104 : memref<!tpu.dma_semaphore, #tpu.memory_space<semaphore_mem>>)
      %dma_wait3A_110 = arith.constant 0 : i32
      %dma_wait3A_111 = tpu.memref_slice %arg5[%arg0, %mul3A_103, %dma_wait3A_110] : memref<2x10240x128xf32, #tpu.memory_space<hbm>> -> memref<1x640x128xf32, #tpu.memory_space<hbm>>
      %dma_wait3A_112 = tpu.memref_squeeze %dma_wait3A_111 : memref<1x640x128xf32, #tpu.memory_space<hbm>> -> memref<640x128xf32, #tpu.memory_space<hbm>>
      %dma_wait3A_113 = arith.constant 0 : i32
      %dma_wait3A_114 = tpu.memref_slice %arg9[%mul3A_101, %dma_wait3A_113] : memref<10240x128xf32, #tpu.memory_space<vmem_shared>> -> memref<640x128xf32, #tpu.memory_space<vmem_shared>>
      tpu.wait_dma2 semaphore(%run_scoped3A_104 : memref<!tpu.dma_semaphore, #tpu.memory_space<semaphore_mem>>) src(%dma_wait3A_114 : memref<640x128xf32, #tpu.memory_space<vmem_shared>>) dst(%dma_wait3A_112 : memref<640x128xf32, #tpu.memory_space<hbm>>)
      tpu.yield
    }) : () -> ()
    return
  }
}

#map = affine_map<(d0, d1) -> (0, 0, 0, 0)>
#map1 = affine_map<(d0, d1) -> (0)>
module attributes {stable_mosaic.version = 14 : i64} {
  func.func @deg_kernel(%arg0: i32, %arg1: i32, %arg2: memref<2x16x80x128xi32, #tpu.memory_space<hbm>>, %arg3: memref<640xf32, #tpu.memory_space<hbm>>, %arg4: memref<20480xf32, #tpu.memory_space<hbm>>, %arg5: memref<80x128xi32, #tpu.memory_space<vmem>>, %arg6: memref<128xf32, #tpu.memory_space<vmem>>, %arg7: memref<10240xf32, #tpu.memory_space<vmem_shared>>) attributes {dimension_semantics = [#tpu.dimension_semantics<core_parallel>, #tpu.dimension_semantics<subcore_parallel>], iteration_bounds = array<i64: 2, 16>, scalar_prefetch = 0 : i64, scratch_operands = 3 : i64, tpu.core_type = #tpu.core_type<sc_vector_subcore>, window_params = [{transform_indices = #map}, {transform_indices = #map1}, {transform_indices = #map1}]} {
    %broadcast_in_dim3A = arith.constant 1.000000e+00 : f32
    %broadcast_in_dim3A_0 = vector.broadcast %broadcast_in_dim3A : f32 to vector<16xf32>
    %swap3A = arith.constant 0 : index
    %swap3A_1 = tpu.vector_load %arg6[%swap3A] {strides = array<i32>} : memref<128xf32, #tpu.memory_space<vmem>>, vector<16xf32>,
    %swap3A_2 = vector.shape_cast %swap3A_1 : vector<16xf32> to vector<16xf32>
    %swap3A_3 = vector.shape_cast %broadcast_in_dim3A_0 : vector<16xf32> to vector<16xf32>
    tpu.vector_store %arg6[%swap3A], %swap3A_3 {strides = array<i32>} : memref<128xf32, #tpu.memory_space<vmem>>, vector<16xf32>,
    %broadcast_in_dim3A_4 = arith.constant 1.000000e+00 : f32
    %broadcast_in_dim3A_5 = vector.broadcast %broadcast_in_dim3A_4 : f32 to vector<16xf32>
    %swap3A_6 = arith.constant 16 : index
    %swap3A_7 = tpu.vector_load %arg6[%swap3A_6] {strides = array<i32>} : memref<128xf32, #tpu.memory_space<vmem>>, vector<16xf32>,
    %swap3A_8 = vector.shape_cast %swap3A_7 : vector<16xf32> to vector<16xf32>
    %swap3A_9 = vector.shape_cast %broadcast_in_dim3A_5 : vector<16xf32> to vector<16xf32>
    tpu.vector_store %arg6[%swap3A_6], %swap3A_9 {strides = array<i32>} : memref<128xf32, #tpu.memory_space<vmem>>, vector<16xf32>,
    %broadcast_in_dim3A_10 = arith.constant 1.000000e+00 : f32
    %broadcast_in_dim3A_11 = vector.broadcast %broadcast_in_dim3A_10 : f32 to vector<16xf32>
    %swap3A_12 = arith.constant 32 : index
    %swap3A_13 = tpu.vector_load %arg6[%swap3A_12] {strides = array<i32>} : memref<128xf32, #tpu.memory_space<vmem>>, vector<16xf32>,
    %swap3A_14 = vector.shape_cast %swap3A_13 : vector<16xf32> to vector<16xf32>
    %swap3A_15 = vector.shape_cast %broadcast_in_dim3A_11 : vector<16xf32> to vector<16xf32>
    tpu.vector_store %arg6[%swap3A_12], %swap3A_15 {strides = array<i32>} : memref<128xf32, #tpu.memory_space<vmem>>, vector<16xf32>,
    %broadcast_in_dim3A_16 = arith.constant 1.000000e+00 : f32
    %broadcast_in_dim3A_17 = vector.broadcast %broadcast_in_dim3A_16 : f32 to vector<16xf32>
    %swap3A_18 = arith.constant 48 : index
    %swap3A_19 = tpu.vector_load %arg6[%swap3A_18] {strides = array<i32>} : memref<128xf32, #tpu.memory_space<vmem>>, vector<16xf32>,
    %swap3A_20 = vector.shape_cast %swap3A_19 : vector<16xf32> to vector<16xf32>
    %swap3A_21 = vector.shape_cast %broadcast_in_dim3A_17 : vector<16xf32> to vector<16xf32>
    tpu.vector_store %arg6[%swap3A_18], %swap3A_21 {strides = array<i32>} : memref<128xf32, #tpu.memory_space<vmem>>, vector<16xf32>,
    %broadcast_in_dim3A_22 = arith.constant 1.000000e+00 : f32
    %broadcast_in_dim3A_23 = vector.broadcast %broadcast_in_dim3A_22 : f32 to vector<16xf32>
    %swap3A_24 = arith.constant 64 : index
    %swap3A_25 = tpu.vector_load %arg6[%swap3A_24] {strides = array<i32>} : memref<128xf32, #tpu.memory_space<vmem>>, vector<16xf32>,
    %swap3A_26 = vector.shape_cast %swap3A_25 : vector<16xf32> to vector<16xf32>
    %swap3A_27 = vector.shape_cast %broadcast_in_dim3A_23 : vector<16xf32> to vector<16xf32>
    tpu.vector_store %arg6[%swap3A_24], %swap3A_27 {strides = array<i32>} : memref<128xf32, #tpu.memory_space<vmem>>, vector<16xf32>,
    %broadcast_in_dim3A_28 = arith.constant 1.000000e+00 : f32
    %broadcast_in_dim3A_29 = vector.broadcast %broadcast_in_dim3A_28 : f32 to vector<16xf32>
    %swap3A_30 = arith.constant 80 : index
    %swap3A_31 = tpu.vector_load %arg6[%swap3A_30] {strides = array<i32>} : memref<128xf32, #tpu.memory_space<vmem>>, vector<16xf32>,
    %swap3A_32 = vector.shape_cast %swap3A_31 : vector<16xf32> to vector<16xf32>
    %swap3A_33 = vector.shape_cast %broadcast_in_dim3A_29 : vector<16xf32> to vector<16xf32>
    tpu.vector_store %arg6[%swap3A_30], %swap3A_33 {strides = array<i32>} : memref<128xf32, #tpu.memory_space<vmem>>, vector<16xf32>,
    %broadcast_in_dim3A_34 = arith.constant 1.000000e+00 : f32
    %broadcast_in_dim3A_35 = vector.broadcast %broadcast_in_dim3A_34 : f32 to vector<16xf32>
    %swap3A_36 = arith.constant 96 : index
    %swap3A_37 = tpu.vector_load %arg6[%swap3A_36] {strides = array<i32>} : memref<128xf32, #tpu.memory_space<vmem>>, vector<16xf32>,
    %swap3A_38 = vector.shape_cast %swap3A_37 : vector<16xf32> to vector<16xf32>
    %swap3A_39 = vector.shape_cast %broadcast_in_dim3A_35 : vector<16xf32> to vector<16xf32>
    tpu.vector_store %arg6[%swap3A_36], %swap3A_39 {strides = array<i32>} : memref<128xf32, #tpu.memory_space<vmem>>, vector<16xf32>,
    %broadcast_in_dim3A_40 = arith.constant 1.000000e+00 : f32
    %broadcast_in_dim3A_41 = vector.broadcast %broadcast_in_dim3A_40 : f32 to vector<16xf32>
    %swap3A_42 = arith.constant 112 : index
    %swap3A_43 = tpu.vector_load %arg6[%swap3A_42] {strides = array<i32>} : memref<128xf32, #tpu.memory_space<vmem>>, vector<16xf32>,
    %swap3A_44 = vector.shape_cast %swap3A_43 : vector<16xf32> to vector<16xf32>
    %swap3A_45 = vector.shape_cast %broadcast_in_dim3A_41 : vector<16xf32> to vector<16xf32>
    tpu.vector_store %arg6[%swap3A_42], %swap3A_45 {strides = array<i32>} : memref<128xf32, #tpu.memory_space<vmem>>, vector<16xf32>,
    %mul3A = arith.constant 640 : i32
    %mul3A_46 = arith.muli %arg1, %mul3A : i32
    "tpu.region"() ({
      %run_scoped3A = tpu.sem_alloc : memref<!tpu.dma_semaphore, #tpu.memory_space<semaphore_mem>>
      %dma_start3A = tpu.memref_slice %arg7[%mul3A_46] : memref<10240xf32, #tpu.memory_space<vmem_shared>> -> memref<640xf32, #tpu.memory_space<vmem_shared>>
      tpu.enqueue_dma source(%arg3 : memref<640xf32, #tpu.memory_space<hbm>>) target(%dma_start3A : memref<640xf32, #tpu.memory_space<vmem_shared>>) target_semaphore(%run_scoped3A : memref<!tpu.dma_semaphore, #tpu.memory_space<semaphore_mem>>)
      %dma_wait3A = tpu.memref_slice %arg7[%mul3A_46] : memref<10240xf32, #tpu.memory_space<vmem_shared>> -> memref<640xf32, #tpu.memory_space<vmem_shared>>
      tpu.wait_dma2 semaphore(%run_scoped3A : memref<!tpu.dma_semaphore, #tpu.memory_space<semaphore_mem>>) src(%arg3 : memref<640xf32, #tpu.memory_space<hbm>>) dst(%dma_wait3A : memref<640xf32, #tpu.memory_space<vmem_shared>>)
      tpu.yield
    }) : () -> ()
    "tpu.region"() ({
      %run_scoped3A = tpu.sem_alloc : memref<!tpu.dma_semaphore, #tpu.memory_space<semaphore_mem>>
      %dma_start3A = arith.constant 0 : i32
      %dma_start3A_59 = arith.constant 0 : i32
      %dma_start3A_60 = tpu.memref_slice %arg2[%arg0, %arg1, %dma_start3A, %dma_start3A_59] : memref<2x16x80x128xi32, #tpu.memory_space<hbm>> -> memref<1x1x80x128xi32, #tpu.memory_space<hbm>>
      %dma_start3A_61 = tpu.memref_squeeze %dma_start3A_60 : memref<1x1x80x128xi32, #tpu.memory_space<hbm>> -> memref<80x128xi32, #tpu.memory_space<hbm>>
      %dma_start3A_62 = arith.constant 0 : i32
      %dma_start3A_63 = arith.constant 0 : i32
      %dma_start3A_64 = tpu.memref_slice %arg2[%arg0, %arg1, %dma_start3A_62, %dma_start3A_63] : memref<2x16x80x128xi32, #tpu.memory_space<hbm>> -> memref<1x1x80x128xi32, #tpu.memory_space<hbm>>
      %dma_start3A_65 = tpu.memref_squeeze %dma_start3A_64 : memref<1x1x80x128xi32, #tpu.memory_space<hbm>> -> memref<80x128xi32, #tpu.memory_space<hbm>>
      tpu.enqueue_dma source(%dma_start3A_65 : memref<80x128xi32, #tpu.memory_space<hbm>>) target(%arg5 : memref<80x128xi32, #tpu.memory_space<vmem>>) target_semaphore(%run_scoped3A : memref<!tpu.dma_semaphore, #tpu.memory_space<semaphore_mem>>)
      %dma_wait3A = arith.constant 0 : i32
      %dma_wait3A_66 = arith.constant 0 : i32
      %dma_wait3A_67 = tpu.memref_slice %arg2[%arg0, %arg1, %dma_wait3A, %dma_wait3A_66] : memref<2x16x80x128xi32, #tpu.memory_space<hbm>> -> memref<1x1x80x128xi32, #tpu.memory_space<hbm>>
      %dma_wait3A_68 = tpu.memref_squeeze %dma_wait3A_67 : memref<1x1x80x128xi32, #tpu.memory_space<hbm>> -> memref<80x128xi32, #tpu.memory_space<hbm>>
      %dma_wait3A_69 = arith.constant 0 : i32
      %dma_wait3A_70 = arith.constant 0 : i32
      %dma_wait3A_71 = tpu.memref_slice %arg2[%arg0, %arg1, %dma_wait3A_69, %dma_wait3A_70] : memref<2x16x80x128xi32, #tpu.memory_space<hbm>> -> memref<1x1x80x128xi32, #tpu.memory_space<hbm>>
      %dma_wait3A_72 = tpu.memref_squeeze %dma_wait3A_71 : memref<1x1x80x128xi32, #tpu.memory_space<hbm>> -> memref<80x128xi32, #tpu.memory_space<hbm>>
      tpu.wait_dma2 semaphore(%run_scoped3A : memref<!tpu.dma_semaphore, #tpu.memory_space<semaphore_mem>>) src(%dma_wait3A_72 : memref<80x128xi32, #tpu.memory_space<hbm>>) dst(%arg5 : memref<80x128xi32, #tpu.memory_space<vmem>>)
      tpu.yield
    }) : () -> ()
    %barrier3A = arith.constant 0 : index
    tpu.barrier barrier_id(%barrier3A)
    %scan3A = arith.constant 0 : i32
    %scan3A_47 = arith.constant 0 : i32
    %scan3A_48 = arith.constant 80 : i32
    %scan3A_49 = arith.addi %scan3A_47, %scan3A_48 : i32
    %scan3A_50 = arith.constant 1 : i32
    scf.for %scan3A_59 = %scan3A_47 to %scan3A_49 step %scan3A_50  : i32 {
      "tpu.region"() ({
        %run_scoped3A = tpu.sem_alloc : memref<!tpu.dma_semaphore, #tpu.memory_space<semaphore_mem>>
        %dma_start3A = arith.constant 0 : i32
        %dma_start3A_60 = tpu.memref_slice %arg5[%scan3A_59, %dma_start3A] : memref<80x128xi32, #tpu.memory_space<vmem>> -> memref<1x128xi32, #tpu.memory_space<vmem>>
        %dma_start3A_61 = tpu.memref_squeeze %dma_start3A_60 : memref<1x128xi32, #tpu.memory_space<vmem>> -> memref<128xi32, #tpu.memory_space<vmem>>
        %dma_start3A_62 = arith.constant 0 : i32
        %dma_start3A_63 = tpu.memref_slice %arg7[%dma_start3A_62] : memref<10240xf32, #tpu.memory_space<vmem_shared>> -> memref<10240xf32, #tpu.memory_space<vmem_shared>>
        tpu.enqueue_indirect_dma source(%arg6 : memref<128xf32, #tpu.memory_space<vmem>>) target(%dma_start3A_63 : memref<10240xf32, #tpu.memory_space<vmem_shared>>) offsets(%dma_start3A_61 : memref<128xi32, #tpu.memory_space<vmem>>) semaphore(%run_scoped3A : memref<!tpu.dma_semaphore, #tpu.memory_space<semaphore_mem>>) {add = true}
        %dma_wait3A = arith.constant 0 : i32
        %dma_wait3A_64 = tpu.memref_slice %arg5[%scan3A_59, %dma_wait3A] : memref<80x128xi32, #tpu.memory_space<vmem>> -> memref<1x128xi32, #tpu.memory_space<vmem>>
        %dma_wait3A_65 = tpu.memref_squeeze %dma_wait3A_64 : memref<1x128xi32, #tpu.memory_space<vmem>> -> memref<128xi32, #tpu.memory_space<vmem>>
        %dma_wait3A_66 = arith.constant 0 : i32
        %dma_wait3A_67 = tpu.memref_slice %arg7[%dma_wait3A_66] : memref<10240xf32, #tpu.memory_space<vmem_shared>> -> memref<10240xf32, #tpu.memory_space<vmem_shared>>
        tpu.wait_indirect_dma semaphore(%run_scoped3A : memref<!tpu.dma_semaphore, #tpu.memory_space<semaphore_mem>>) src(%arg6 : memref<128xf32, #tpu.memory_space<vmem>>) dst(%dma_wait3A_67 : memref<10240xf32, #tpu.memory_space<vmem_shared>>)
        tpu.yield
      }) : () -> ()
    }
    %scan3A_51 = arith.constant 80 : i32
    %barrier3A_52 = arith.constant 0 : index
    tpu.barrier barrier_id(%barrier3A_52)
    %mul3A_53 = arith.constant 640 : i32
    %mul3A_54 = arith.muli %arg1, %mul3A_53 : i32
    %mul3A_55 = arith.constant 10240 : i32
    %mul3A_56 = arith.muli %arg0, %mul3A_55 : i32
    %mul3A_57 = arith.constant 640 : i32
    %mul3A_58 = arith.muli %arg1, %mul3A_57 : i32
    %add3A = arith.addi %mul3A_56, %mul3A_58 : i32
    "tpu.region"() ({
      %run_scoped3A = tpu.sem_alloc : memref<!tpu.dma_semaphore, #tpu.memory_space<semaphore_mem>>
      %dma_start3A = tpu.memref_slice %arg4[%add3A] : memref<20480xf32, #tpu.memory_space<hbm>> -> memref<640xf32, #tpu.memory_space<hbm>>
      %dma_start3A_59 = tpu.memref_slice %arg7[%mul3A_54] : memref<10240xf32, #tpu.memory_space<vmem_shared>> -> memref<640xf32, #tpu.memory_space<vmem_shared>>
      tpu.enqueue_dma source(%dma_start3A_59 : memref<640xf32, #tpu.memory_space<vmem_shared>>) target(%dma_start3A : memref<640xf32, #tpu.memory_space<hbm>>) target_semaphore(%run_scoped3A : memref<!tpu.dma_semaphore, #tpu.memory_space<semaphore_mem>>)
      %dma_wait3A = tpu.memref_slice %arg4[%add3A] : memref<20480xf32, #tpu.memory_space<hbm>> -> memref<640xf32, #tpu.memory_space<hbm>>
      %dma_wait3A_60 = tpu.memref_slice %arg7[%mul3A_54] : memref<10240xf32, #tpu.memory_space<vmem_shared>> -> memref<640xf32, #tpu.memory_space<vmem_shared>>
      tpu.wait_dma2 semaphore(%run_scoped3A : memref<!tpu.dma_semaphore, #tpu.memory_space<semaphore_mem>>) src(%dma_wait3A_60 : memref<640xf32, #tpu.memory_space<vmem_shared>>) dst(%dma_wait3A : memref<640xf32, #tpu.memory_space<hbm>>)
      tpu.yield
    }) : () -> ()
    return
  }
}

#map = affine_map<(d0, d1) -> (0, 0)>
#map1 = affine_map<(d0, d1) -> (0, 0, 0, 0)>
#map2 = affine_map<(d0, d1) -> (0, 0, 0)>
module attributes {stable_mosaic.version = 14 : i64} {
  func.func @agg_kernel(%arg0: i32, %arg1: i32, %arg2: memref<10240x128xf32, #tpu.memory_space<hbm>>, %arg3: memref<2x16x80x128xi32, #tpu.memory_space<hbm>>, %arg4: memref<2x16x80x128xi32, #tpu.memory_space<hbm>>, %arg5: memref<2x10240x128xf32, #tpu.memory_space<hbm>>, %arg6: memref<2x16x128xi32, #tpu.memory_space<vmem>>, %arg7: memref<2x16x128xi32, #tpu.memory_space<vmem>>, %arg8: memref<2x128x128xf32, #tpu.memory_space<vmem>>, %arg9: memref<10240x128xf32, #tpu.memory_space<vmem_shared>>, %arg10: memref<!tpu.dma_semaphore, #tpu.memory_space<semaphore_mem>>, %arg11: memref<!tpu.dma_semaphore, #tpu.memory_space<semaphore_mem>>, %arg12: memref<!tpu.dma_semaphore, #tpu.memory_space<semaphore_mem>>) attributes {dimension_semantics = [#tpu.dimension_semantics<core_parallel>, #tpu.dimension_semantics<subcore_parallel>], iteration_bounds = array<i64: 2, 16>, scalar_prefetch = 0 : i64, scratch_operands = 7 : i64, tpu.core_type = #tpu.core_type<sc_vector_subcore>, window_params = [{transform_indices = #map}, {transform_indices = #map1}, {transform_indices = #map1}, {transform_indices = #map2}]} {
    %scan3A = arith.constant 0 : i32
    %scan3A_0 = arith.constant 0 : i32
    %scan3A_1 = arith.constant 128 : i32
    %scan3A_2 = arith.addi %scan3A_0, %scan3A_1 : i32
    %scan3A_3 = arith.constant 1 : i32
    scf.for %scan3A_104 = %scan3A_0 to %scan3A_2 step %scan3A_3  : i32 {
      %broadcast_in_dim3A = arith.constant 0.000000e+00 : f32
      %broadcast_in_dim3A_105 = vector.broadcast %broadcast_in_dim3A : f32 to vector<16xf32>
      %swap3A = arith.constant 0 : i32
      %swap3A_106 = arith.index_cast %swap3A : i32 to index
      %swap3A_107 = arith.index_cast %scan3A_104 : i32 to index
      %swap3A_108 = arith.constant 0 : index
      %swap3A_109 = tpu.vector_load %arg8[%swap3A_106, %swap3A_107, %swap3A_108] {strides = array<i32>} : memref<2x128x128xf32, #tpu.memory_space<vmem>>, vector<1x1x16xf32>,
      %swap3A_110 = vector.shape_cast %swap3A_109 : vector<1x1x16xf32> to vector<16xf32>
      %swap3A_111 = vector.shape_cast %broadcast_in_dim3A_105 : vector<16xf32> to vector<1x1x16xf32>
      tpu.vector_store %arg8[%swap3A_106, %swap3A_107, %swap3A_108], %swap3A_111 {strides = array<i32>} : memref<2x128x128xf32, #tpu.memory_space<vmem>>, vector<1x1x16xf32>,
      %broadcast_in_dim3A_112 = arith.constant 0.000000e+00 : f32
      %broadcast_in_dim3A_113 = vector.broadcast %broadcast_in_dim3A_112 : f32 to vector<16xf32>
      %swap3A_114 = arith.constant 0 : i32
      %swap3A_115 = arith.index_cast %swap3A_114 : i32 to index
      %swap3A_116 = arith.index_cast %scan3A_104 : i32 to index
      %swap3A_117 = arith.constant 16 : index
      %swap3A_118 = tpu.vector_load %arg8[%swap3A_115, %swap3A_116, %swap3A_117] {strides = array<i32>} : memref<2x128x128xf32, #tpu.memory_space<vmem>>, vector<1x1x16xf32>,
      %swap3A_119 = vector.shape_cast %swap3A_118 : vector<1x1x16xf32> to vector<16xf32>
      %swap3A_120 = vector.shape_cast %broadcast_in_dim3A_113 : vector<16xf32> to vector<1x1x16xf32>
      tpu.vector_store %arg8[%swap3A_115, %swap3A_116, %swap3A_117], %swap3A_120 {strides = array<i32>} : memref<2x128x128xf32, #tpu.memory_space<vmem>>, vector<1x1x16xf32>,
      %broadcast_in_dim3A_121 = arith.constant 0.000000e+00 : f32
      %broadcast_in_dim3A_122 = vector.broadcast %broadcast_in_dim3A_121 : f32 to vector<16xf32>
      %swap3A_123 = arith.constant 0 : i32
      %swap3A_124 = arith.index_cast %swap3A_123 : i32 to index
      %swap3A_125 = arith.index_cast %scan3A_104 : i32 to index
      %swap3A_126 = arith.constant 32 : index
      %swap3A_127 = tpu.vector_load %arg8[%swap3A_124, %swap3A_125, %swap3A_126] {strides = array<i32>} : memref<2x128x128xf32, #tpu.memory_space<vmem>>, vector<1x1x16xf32>,
      %swap3A_128 = vector.shape_cast %swap3A_127 : vector<1x1x16xf32> to vector<16xf32>
      %swap3A_129 = vector.shape_cast %broadcast_in_dim3A_122 : vector<16xf32> to vector<1x1x16xf32>
      tpu.vector_store %arg8[%swap3A_124, %swap3A_125, %swap3A_126], %swap3A_129 {strides = array<i32>} : memref<2x128x128xf32, #tpu.memory_space<vmem>>, vector<1x1x16xf32>,
      %broadcast_in_dim3A_130 = arith.constant 0.000000e+00 : f32
      %broadcast_in_dim3A_131 = vector.broadcast %broadcast_in_dim3A_130 : f32 to vector<16xf32>
      %swap3A_132 = arith.constant 0 : i32
      %swap3A_133 = arith.index_cast %swap3A_132 : i32 to index
      %swap3A_134 = arith.index_cast %scan3A_104 : i32 to index
      %swap3A_135 = arith.constant 48 : index
      %swap3A_136 = tpu.vector_load %arg8[%swap3A_133, %swap3A_134, %swap3A_135] {strides = array<i32>} : memref<2x128x128xf32, #tpu.memory_space<vmem>>, vector<1x1x16xf32>,
      %swap3A_137 = vector.shape_cast %swap3A_136 : vector<1x1x16xf32> to vector<16xf32>
      %swap3A_138 = vector.shape_cast %broadcast_in_dim3A_131 : vector<16xf32> to vector<1x1x16xf32>
      tpu.vector_store %arg8[%swap3A_133, %swap3A_134, %swap3A_135], %swap3A_138 {strides = array<i32>} : memref<2x128x128xf32, #tpu.memory_space<vmem>>, vector<1x1x16xf32>,
      %broadcast_in_dim3A_139 = arith.constant 0.000000e+00 : f32
      %broadcast_in_dim3A_140 = vector.broadcast %broadcast_in_dim3A_139 : f32 to vector<16xf32>
      %swap3A_141 = arith.constant 0 : i32
      %swap3A_142 = arith.index_cast %swap3A_141 : i32 to index
      %swap3A_143 = arith.index_cast %scan3A_104 : i32 to index
      %swap3A_144 = arith.constant 64 : index
      %swap3A_145 = tpu.vector_load %arg8[%swap3A_142, %swap3A_143, %swap3A_144] {strides = array<i32>} : memref<2x128x128xf32, #tpu.memory_space<vmem>>, vector<1x1x16xf32>,
      %swap3A_146 = vector.shape_cast %swap3A_145 : vector<1x1x16xf32> to vector<16xf32>
      %swap3A_147 = vector.shape_cast %broadcast_in_dim3A_140 : vector<16xf32> to vector<1x1x16xf32>
      tpu.vector_store %arg8[%swap3A_142, %swap3A_143, %swap3A_144], %swap3A_147 {strides = array<i32>} : memref<2x128x128xf32, #tpu.memory_space<vmem>>, vector<1x1x16xf32>,
      %broadcast_in_dim3A_148 = arith.constant 0.000000e+00 : f32
      %broadcast_in_dim3A_149 = vector.broadcast %broadcast_in_dim3A_148 : f32 to vector<16xf32>
      %swap3A_150 = arith.constant 0 : i32
      %swap3A_151 = arith.index_cast %swap3A_150 : i32 to index
      %swap3A_152 = arith.index_cast %scan3A_104 : i32 to index
      %swap3A_153 = arith.constant 80 : index
      %swap3A_154 = tpu.vector_load %arg8[%swap3A_151, %swap3A_152, %swap3A_153] {strides = array<i32>} : memref<2x128x128xf32, #tpu.memory_space<vmem>>, vector<1x1x16xf32>,
      %swap3A_155 = vector.shape_cast %swap3A_154 : vector<1x1x16xf32> to vector<16xf32>
      %swap3A_156 = vector.shape_cast %broadcast_in_dim3A_149 : vector<16xf32> to vector<1x1x16xf32>
      tpu.vector_store %arg8[%swap3A_151, %swap3A_152, %swap3A_153], %swap3A_156 {strides = array<i32>} : memref<2x128x128xf32, #tpu.memory_space<vmem>>, vector<1x1x16xf32>,
      %broadcast_in_dim3A_157 = arith.constant 0.000000e+00 : f32
      %broadcast_in_dim3A_158 = vector.broadcast %broadcast_in_dim3A_157 : f32 to vector<16xf32>
      %swap3A_159 = arith.constant 0 : i32
      %swap3A_160 = arith.index_cast %swap3A_159 : i32 to index
      %swap3A_161 = arith.index_cast %scan3A_104 : i32 to index
      %swap3A_162 = arith.constant 96 : index
      %swap3A_163 = tpu.vector_load %arg8[%swap3A_160, %swap3A_161, %swap3A_162] {strides = array<i32>} : memref<2x128x128xf32, #tpu.memory_space<vmem>>, vector<1x1x16xf32>,
      %swap3A_164 = vector.shape_cast %swap3A_163 : vector<1x1x16xf32> to vector<16xf32>
      %swap3A_165 = vector.shape_cast %broadcast_in_dim3A_158 : vector<16xf32> to vector<1x1x16xf32>
      tpu.vector_store %arg8[%swap3A_160, %swap3A_161, %swap3A_162], %swap3A_165 {strides = array<i32>} : memref<2x128x128xf32, #tpu.memory_space<vmem>>, vector<1x1x16xf32>,
      %broadcast_in_dim3A_166 = arith.constant 0.000000e+00 : f32
      %broadcast_in_dim3A_167 = vector.broadcast %broadcast_in_dim3A_166 : f32 to vector<16xf32>
      %swap3A_168 = arith.constant 0 : i32
      %swap3A_169 = arith.index_cast %swap3A_168 : i32 to index
      %swap3A_170 = arith.index_cast %scan3A_104 : i32 to index
      %swap3A_171 = arith.constant 112 : index
      %swap3A_172 = tpu.vector_load %arg8[%swap3A_169, %swap3A_170, %swap3A_171] {strides = array<i32>} : memref<2x128x128xf32, #tpu.memory_space<vmem>>, vector<1x1x16xf32>,
      %swap3A_173 = vector.shape_cast %swap3A_172 : vector<1x1x16xf32> to vector<16xf32>
      %swap3A_174 = vector.shape_cast %broadcast_in_dim3A_167 : vector<16xf32> to vector<1x1x16xf32>
      tpu.vector_store %arg8[%swap3A_169, %swap3A_170, %swap3A_171], %swap3A_174 {strides = array<i32>} : memref<2x128x128xf32, #tpu.memory_space<vmem>>, vector<1x1x16xf32>,
    }
    %scan3A_4 = arith.constant 128 : i32
    %mul3A = arith.constant 640 : i32
    %mul3A_5 = arith.muli %arg1, %mul3A : i32
    %add3A = arith.constant 0 : i32
    %add3A_6 = arith.addi %mul3A_5, %add3A : i32
    %run_scoped3A = arith.constant 0 : i32
    "tpu.region"() ({
      %run_scoped3A_104 = tpu.sem_alloc : memref<!tpu.dma_semaphore, #tpu.memory_space<semaphore_mem>>
      %dma_start3A_105 = arith.constant 0 : i32
      %dma_start3A_106 = arith.constant 0 : i32
      %dma_start3A_107 = tpu.memref_slice %arg8[%run_scoped3A, %dma_start3A_105, %dma_start3A_106] : memref<2x128x128xf32, #tpu.memory_space<vmem>> -> memref<1x128x128xf32, #tpu.memory_space<vmem>>
      %dma_start3A_108 = tpu.memref_squeeze %dma_start3A_107 : memref<1x128x128xf32, #tpu.memory_space<vmem>> -> memref<128x128xf32, #tpu.memory_space<vmem>>
      %dma_start3A_109 = arith.constant 0 : i32
      %dma_start3A_110 = tpu.memref_slice %arg9[%add3A_6, %dma_start3A_109] : memref<10240x128xf32, #tpu.memory_space<vmem_shared>> -> memref<128x128xf32, #tpu.memory_space<vmem_shared>>
      %dma_start3A_111 = arith.constant 0 : i32
      %dma_start3A_112 = tpu.memref_slice %arg9[%add3A_6, %dma_start3A_111] : memref<10240x128xf32, #tpu.memory_space<vmem_shared>> -> memref<128x128xf32, #tpu.memory_space<vmem_shared>>
      %dma_start3A_113 = arith.constant 0 : i32
      %dma_start3A_114 = arith.constant 0 : i32
      %dma_start3A_115 = tpu.memref_slice %arg8[%run_scoped3A, %dma_start3A_113, %dma_start3A_114] : memref<2x128x128xf32, #tpu.memory_space<vmem>> -> memref<1x128x128xf32, #tpu.memory_space<vmem>>
      %dma_start3A_116 = tpu.memref_squeeze %dma_start3A_115 : memref<1x128x128xf32, #tpu.memory_space<vmem>> -> memref<128x128xf32, #tpu.memory_space<vmem>>
      tpu.enqueue_dma source(%dma_start3A_116 : memref<128x128xf32, #tpu.memory_space<vmem>>) target(%dma_start3A_112 : memref<128x128xf32, #tpu.memory_space<vmem_shared>>) target_semaphore(%run_scoped3A_104 : memref<!tpu.dma_semaphore, #tpu.memory_space<semaphore_mem>>)
      %dma_wait3A_117 = arith.constant 0 : i32
      %dma_wait3A_118 = arith.constant 0 : i32
      %dma_wait3A_119 = tpu.memref_slice %arg8[%run_scoped3A, %dma_wait3A_117, %dma_wait3A_118] : memref<2x128x128xf32, #tpu.memory_space<vmem>> -> memref<1x128x128xf32, #tpu.memory_space<vmem>>
      %dma_wait3A_120 = tpu.memref_squeeze %dma_wait3A_119 : memref<1x128x128xf32, #tpu.memory_space<vmem>> -> memref<128x128xf32, #tpu.memory_space<vmem>>
      %dma_wait3A_121 = arith.constant 0 : i32
      %dma_wait3A_122 = tpu.memref_slice %arg9[%add3A_6, %dma_wait3A_121] : memref<10240x128xf32, #tpu.memory_space<vmem_shared>> -> memref<128x128xf32, #tpu.memory_space<vmem_shared>>
      %dma_wait3A_123 = arith.constant 0 : i32
      %dma_wait3A_124 = tpu.memref_slice %arg9[%add3A_6, %dma_wait3A_123] : memref<10240x128xf32, #tpu.memory_space<vmem_shared>> -> memref<128x128xf32, #tpu.memory_space<vmem_shared>>
      %dma_wait3A_125 = arith.constant 0 : i32
      %dma_wait3A_126 = arith.constant 0 : i32
      %dma_wait3A_127 = tpu.memref_slice %arg8[%run_scoped3A, %dma_wait3A_125, %dma_wait3A_126] : memref<2x128x128xf32, #tpu.memory_space<vmem>> -> memref<1x128x128xf32, #tpu.memory_space<vmem>>
      %dma_wait3A_128 = tpu.memref_squeeze %dma_wait3A_127 : memref<1x128x128xf32, #tpu.memory_space<vmem>> -> memref<128x128xf32, #tpu.memory_space<vmem>>
      tpu.wait_dma2 semaphore(%run_scoped3A_104 : memref<!tpu.dma_semaphore, #tpu.memory_space<semaphore_mem>>) src(%dma_wait3A_128 : memref<128x128xf32, #tpu.memory_space<vmem>>) dst(%dma_wait3A_124 : memref<128x128xf32, #tpu.memory_space<vmem_shared>>)
      tpu.yield
    }) : () -> ()
    %mul3A_7 = arith.constant 640 : i32
    %mul3A_8 = arith.muli %arg1, %mul3A_7 : i32
    %add3A_9 = arith.constant 128 : i32
    %add3A_10 = arith.addi %mul3A_8, %add3A_9 : i32
    %run_scoped3A_11 = arith.constant 0 : i32
    "tpu.region"() ({
      %run_scoped3A_104 = tpu.sem_alloc : memref<!tpu.dma_semaphore, #tpu.memory_space<semaphore_mem>>
      %dma_start3A_105 = arith.constant 0 : i32
      %dma_start3A_106 = arith.constant 0 : i32
      %dma_start3A_107 = tpu.memref_slice %arg8[%run_scoped3A_11, %dma_start3A_105, %dma_start3A_106] : memref<2x128x128xf32, #tpu.memory_space<vmem>> -> memref<1x128x128xf32, #tpu.memory_space<vmem>>
      %dma_start3A_108 = tpu.memref_squeeze %dma_start3A_107 : memref<1x128x128xf32, #tpu.memory_space<vmem>> -> memref<128x128xf32, #tpu.memory_space<vmem>>
      %dma_start3A_109 = arith.constant 0 : i32
      %dma_start3A_110 = tpu.memref_slice %arg9[%add3A_10, %dma_start3A_109] : memref<10240x128xf32, #tpu.memory_space<vmem_shared>> -> memref<128x128xf32, #tpu.memory_space<vmem_shared>>
      %dma_start3A_111 = arith.constant 0 : i32
      %dma_start3A_112 = tpu.memref_slice %arg9[%add3A_10, %dma_start3A_111] : memref<10240x128xf32, #tpu.memory_space<vmem_shared>> -> memref<128x128xf32, #tpu.memory_space<vmem_shared>>
      %dma_start3A_113 = arith.constant 0 : i32
      %dma_start3A_114 = arith.constant 0 : i32
      %dma_start3A_115 = tpu.memref_slice %arg8[%run_scoped3A_11, %dma_start3A_113, %dma_start3A_114] : memref<2x128x128xf32, #tpu.memory_space<vmem>> -> memref<1x128x128xf32, #tpu.memory_space<vmem>>
      %dma_start3A_116 = tpu.memref_squeeze %dma_start3A_115 : memref<1x128x128xf32, #tpu.memory_space<vmem>> -> memref<128x128xf32, #tpu.memory_space<vmem>>
      tpu.enqueue_dma source(%dma_start3A_116 : memref<128x128xf32, #tpu.memory_space<vmem>>) target(%dma_start3A_112 : memref<128x128xf32, #tpu.memory_space<vmem_shared>>) target_semaphore(%run_scoped3A_104 : memref<!tpu.dma_semaphore, #tpu.memory_space<semaphore_mem>>)
      %dma_wait3A_117 = arith.constant 0 : i32
      %dma_wait3A_118 = arith.constant 0 : i32
      %dma_wait3A_119 = tpu.memref_slice %arg8[%run_scoped3A_11, %dma_wait3A_117, %dma_wait3A_118] : memref<2x128x128xf32, #tpu.memory_space<vmem>> -> memref<1x128x128xf32, #tpu.memory_space<vmem>>
      %dma_wait3A_120 = tpu.memref_squeeze %dma_wait3A_119 : memref<1x128x128xf32, #tpu.memory_space<vmem>> -> memref<128x128xf32, #tpu.memory_space<vmem>>
      %dma_wait3A_121 = arith.constant 0 : i32
      %dma_wait3A_122 = tpu.memref_slice %arg9[%add3A_10, %dma_wait3A_121] : memref<10240x128xf32, #tpu.memory_space<vmem_shared>> -> memref<128x128xf32, #tpu.memory_space<vmem_shared>>
      %dma_wait3A_123 = arith.constant 0 : i32
      %dma_wait3A_124 = tpu.memref_slice %arg9[%add3A_10, %dma_wait3A_123] : memref<10240x128xf32, #tpu.memory_space<vmem_shared>> -> memref<128x128xf32, #tpu.memory_space<vmem_shared>>
      %dma_wait3A_125 = arith.constant 0 : i32
      %dma_wait3A_126 = arith.constant 0 : i32
      %dma_wait3A_127 = tpu.memref_slice %arg8[%run_scoped3A_11, %dma_wait3A_125, %dma_wait3A_126] : memref<2x128x128xf32, #tpu.memory_space<vmem>> -> memref<1x128x128xf32, #tpu.memory_space<vmem>>
      %dma_wait3A_128 = tpu.memref_squeeze %dma_wait3A_127 : memref<1x128x128xf32, #tpu.memory_space<vmem>> -> memref<128x128xf32, #tpu.memory_space<vmem>>
      tpu.wait_dma2 semaphore(%run_scoped3A_104 : memref<!tpu.dma_semaphore, #tpu.memory_space<semaphore_mem>>) src(%dma_wait3A_128 : memref<128x128xf32, #tpu.memory_space<vmem>>) dst(%dma_wait3A_124 : memref<128x128xf32, #tpu.memory_space<vmem_shared>>)
      tpu.yield
    }) : () -> ()
    %mul3A_12 = arith.constant 640 : i32
    %mul3A_13 = arith.muli %arg1, %mul3A_12 : i32
    %add3A_14 = arith.constant 256 : i32
    %add3A_15 = arith.addi %mul3A_13, %add3A_14 : i32
    %run_scoped3A_16 = arith.constant 0 : i32
    "tpu.region"() ({
      %run_scoped3A_104 = tpu.sem_alloc : memref<!tpu.dma_semaphore, #tpu.memory_space<semaphore_mem>>
      %dma_start3A_105 = arith.constant 0 : i32
      %dma_start3A_106 = arith.constant 0 : i32
      %dma_start3A_107 = tpu.memref_slice %arg8[%run_scoped3A_16, %dma_start3A_105, %dma_start3A_106] : memref<2x128x128xf32, #tpu.memory_space<vmem>> -> memref<1x128x128xf32, #tpu.memory_space<vmem>>
      %dma_start3A_108 = tpu.memref_squeeze %dma_start3A_107 : memref<1x128x128xf32, #tpu.memory_space<vmem>> -> memref<128x128xf32, #tpu.memory_space<vmem>>
      %dma_start3A_109 = arith.constant 0 : i32
      %dma_start3A_110 = tpu.memref_slice %arg9[%add3A_15, %dma_start3A_109] : memref<10240x128xf32, #tpu.memory_space<vmem_shared>> -> memref<128x128xf32, #tpu.memory_space<vmem_shared>>
      %dma_start3A_111 = arith.constant 0 : i32
      %dma_start3A_112 = tpu.memref_slice %arg9[%add3A_15, %dma_start3A_111] : memref<10240x128xf32, #tpu.memory_space<vmem_shared>> -> memref<128x128xf32, #tpu.memory_space<vmem_shared>>
      %dma_start3A_113 = arith.constant 0 : i32
      %dma_start3A_114 = arith.constant 0 : i32
      %dma_start3A_115 = tpu.memref_slice %arg8[%run_scoped3A_16, %dma_start3A_113, %dma_start3A_114] : memref<2x128x128xf32, #tpu.memory_space<vmem>> -> memref<1x128x128xf32, #tpu.memory_space<vmem>>
      %dma_start3A_116 = tpu.memref_squeeze %dma_start3A_115 : memref<1x128x128xf32, #tpu.memory_space<vmem>> -> memref<128x128xf32, #tpu.memory_space<vmem>>
      tpu.enqueue_dma source(%dma_start3A_116 : memref<128x128xf32, #tpu.memory_space<vmem>>) target(%dma_start3A_112 : memref<128x128xf32, #tpu.memory_space<vmem_shared>>) target_semaphore(%run_scoped3A_104 : memref<!tpu.dma_semaphore, #tpu.memory_space<semaphore_mem>>)
      %dma_wait3A_117 = arith.constant 0 : i32
      %dma_wait3A_118 = arith.constant 0 : i32
      %dma_wait3A_119 = tpu.memref_slice %arg8[%run_scoped3A_16, %dma_wait3A_117, %dma_wait3A_118] : memref<2x128x128xf32, #tpu.memory_space<vmem>> -> memref<1x128x128xf32, #tpu.memory_space<vmem>>
      %dma_wait3A_120 = tpu.memref_squeeze %dma_wait3A_119 : memref<1x128x128xf32, #tpu.memory_space<vmem>> -> memref<128x128xf32, #tpu.memory_space<vmem>>
      %dma_wait3A_121 = arith.constant 0 : i32
      %dma_wait3A_122 = tpu.memref_slice %arg9[%add3A_15, %dma_wait3A_121] : memref<10240x128xf32, #tpu.memory_space<vmem_shared>> -> memref<128x128xf32, #tpu.memory_space<vmem_shared>>
      %dma_wait3A_123 = arith.constant 0 : i32
      %dma_wait3A_124 = tpu.memref_slice %arg9[%add3A_15, %dma_wait3A_123] : memref<10240x128xf32, #tpu.memory_space<vmem_shared>> -> memref<128x128xf32, #tpu.memory_space<vmem_shared>>
      %dma_wait3A_125 = arith.constant 0 : i32
      %dma_wait3A_126 = arith.constant 0 : i32
      %dma_wait3A_127 = tpu.memref_slice %arg8[%run_scoped3A_16, %dma_wait3A_125, %dma_wait3A_126] : memref<2x128x128xf32, #tpu.memory_space<vmem>> -> memref<1x128x128xf32, #tpu.memory_space<vmem>>
      %dma_wait3A_128 = tpu.memref_squeeze %dma_wait3A_127 : memref<1x128x128xf32, #tpu.memory_space<vmem>> -> memref<128x128xf32, #tpu.memory_space<vmem>>
      tpu.wait_dma2 semaphore(%run_scoped3A_104 : memref<!tpu.dma_semaphore, #tpu.memory_space<semaphore_mem>>) src(%dma_wait3A_128 : memref<128x128xf32, #tpu.memory_space<vmem>>) dst(%dma_wait3A_124 : memref<128x128xf32, #tpu.memory_space<vmem_shared>>)
      tpu.yield
    }) : () -> ()
    %mul3A_17 = arith.constant 640 : i32
    %mul3A_18 = arith.muli %arg1, %mul3A_17 : i32
    %add3A_19 = arith.constant 384 : i32
    %add3A_20 = arith.addi %mul3A_18, %add3A_19 : i32
    %run_scoped3A_21 = arith.constant 0 : i32
    "tpu.region"() ({
      %run_scoped3A_104 = tpu.sem_alloc : memref<!tpu.dma_semaphore, #tpu.memory_space<semaphore_mem>>
      %dma_start3A_105 = arith.constant 0 : i32
      %dma_start3A_106 = arith.constant 0 : i32
      %dma_start3A_107 = tpu.memref_slice %arg8[%run_scoped3A_21, %dma_start3A_105, %dma_start3A_106] : memref<2x128x128xf32, #tpu.memory_space<vmem>> -> memref<1x128x128xf32, #tpu.memory_space<vmem>>
      %dma_start3A_108 = tpu.memref_squeeze %dma_start3A_107 : memref<1x128x128xf32, #tpu.memory_space<vmem>> -> memref<128x128xf32, #tpu.memory_space<vmem>>
      %dma_start3A_109 = arith.constant 0 : i32
      %dma_start3A_110 = tpu.memref_slice %arg9[%add3A_20, %dma_start3A_109] : memref<10240x128xf32, #tpu.memory_space<vmem_shared>> -> memref<128x128xf32, #tpu.memory_space<vmem_shared>>
      %dma_start3A_111 = arith.constant 0 : i32
      %dma_start3A_112 = tpu.memref_slice %arg9[%add3A_20, %dma_start3A_111] : memref<10240x128xf32, #tpu.memory_space<vmem_shared>> -> memref<128x128xf32, #tpu.memory_space<vmem_shared>>
      %dma_start3A_113 = arith.constant 0 : i32
      %dma_start3A_114 = arith.constant 0 : i32
      %dma_start3A_115 = tpu.memref_slice %arg8[%run_scoped3A_21, %dma_start3A_113, %dma_start3A_114] : memref<2x128x128xf32, #tpu.memory_space<vmem>> -> memref<1x128x128xf32, #tpu.memory_space<vmem>>
      %dma_start3A_116 = tpu.memref_squeeze %dma_start3A_115 : memref<1x128x128xf32, #tpu.memory_space<vmem>> -> memref<128x128xf32, #tpu.memory_space<vmem>>
      tpu.enqueue_dma source(%dma_start3A_116 : memref<128x128xf32, #tpu.memory_space<vmem>>) target(%dma_start3A_112 : memref<128x128xf32, #tpu.memory_space<vmem_shared>>) target_semaphore(%run_scoped3A_104 : memref<!tpu.dma_semaphore, #tpu.memory_space<semaphore_mem>>)
      %dma_wait3A_117 = arith.constant 0 : i32
      %dma_wait3A_118 = arith.constant 0 : i32
      %dma_wait3A_119 = tpu.memref_slice %arg8[%run_scoped3A_21, %dma_wait3A_117, %dma_wait3A_118] : memref<2x128x128xf32, #tpu.memory_space<vmem>> -> memref<1x128x128xf32, #tpu.memory_space<vmem>>
      %dma_wait3A_120 = tpu.memref_squeeze %dma_wait3A_119 : memref<1x128x128xf32, #tpu.memory_space<vmem>> -> memref<128x128xf32, #tpu.memory_space<vmem>>
      %dma_wait3A_121 = arith.constant 0 : i32
      %dma_wait3A_122 = tpu.memref_slice %arg9[%add3A_20, %dma_wait3A_121] : memref<10240x128xf32, #tpu.memory_space<vmem_shared>> -> memref<128x128xf32, #tpu.memory_space<vmem_shared>>
      %dma_wait3A_123 = arith.constant 0 : i32
      %dma_wait3A_124 = tpu.memref_slice %arg9[%add3A_20, %dma_wait3A_123] : memref<10240x128xf32, #tpu.memory_space<vmem_shared>> -> memref<128x128xf32, #tpu.memory_space<vmem_shared>>
      %dma_wait3A_125 = arith.constant 0 : i32
      %dma_wait3A_126 = arith.constant 0 : i32
      %dma_wait3A_127 = tpu.memref_slice %arg8[%run_scoped3A_21, %dma_wait3A_125, %dma_wait3A_126] : memref<2x128x128xf32, #tpu.memory_space<vmem>> -> memref<1x128x128xf32, #tpu.memory_space<vmem>>
      %dma_wait3A_128 = tpu.memref_squeeze %dma_wait3A_127 : memref<1x128x128xf32, #tpu.memory_space<vmem>> -> memref<128x128xf32, #tpu.memory_space<vmem>>
      tpu.wait_dma2 semaphore(%run_scoped3A_104 : memref<!tpu.dma_semaphore, #tpu.memory_space<semaphore_mem>>) src(%dma_wait3A_128 : memref<128x128xf32, #tpu.memory_space<vmem>>) dst(%dma_wait3A_124 : memref<128x128xf32, #tpu.memory_space<vmem_shared>>)
      tpu.yield
    }) : () -> ()
    %mul3A_22 = arith.constant 640 : i32
    %mul3A_23 = arith.muli %arg1, %mul3A_22 : i32
    %add3A_24 = arith.constant 512 : i32
    %add3A_25 = arith.addi %mul3A_23, %add3A_24 : i32
    %run_scoped3A_26 = arith.constant 0 : i32
    "tpu.region"() ({
      %run_scoped3A_104 = tpu.sem_alloc : memref<!tpu.dma_semaphore, #tpu.memory_space<semaphore_mem>>
      %dma_start3A_105 = arith.constant 0 : i32
      %dma_start3A_106 = arith.constant 0 : i32
      %dma_start3A_107 = tpu.memref_slice %arg8[%run_scoped3A_26, %dma_start3A_105, %dma_start3A_106] : memref<2x128x128xf32, #tpu.memory_space<vmem>> -> memref<1x128x128xf32, #tpu.memory_space<vmem>>
      %dma_start3A_108 = tpu.memref_squeeze %dma_start3A_107 : memref<1x128x128xf32, #tpu.memory_space<vmem>> -> memref<128x128xf32, #tpu.memory_space<vmem>>
      %dma_start3A_109 = arith.constant 0 : i32
      %dma_start3A_110 = tpu.memref_slice %arg9[%add3A_25, %dma_start3A_109] : memref<10240x128xf32, #tpu.memory_space<vmem_shared>> -> memref<128x128xf32, #tpu.memory_space<vmem_shared>>
      %dma_start3A_111 = arith.constant 0 : i32
      %dma_start3A_112 = tpu.memref_slice %arg9[%add3A_25, %dma_start3A_111] : memref<10240x128xf32, #tpu.memory_space<vmem_shared>> -> memref<128x128xf32, #tpu.memory_space<vmem_shared>>
      %dma_start3A_113 = arith.constant 0 : i32
      %dma_start3A_114 = arith.constant 0 : i32
      %dma_start3A_115 = tpu.memref_slice %arg8[%run_scoped3A_26, %dma_start3A_113, %dma_start3A_114] : memref<2x128x128xf32, #tpu.memory_space<vmem>> -> memref<1x128x128xf32, #tpu.memory_space<vmem>>
      %dma_start3A_116 = tpu.memref_squeeze %dma_start3A_115 : memref<1x128x128xf32, #tpu.memory_space<vmem>> -> memref<128x128xf32, #tpu.memory_space<vmem>>
      tpu.enqueue_dma source(%dma_start3A_116 : memref<128x128xf32, #tpu.memory_space<vmem>>) target(%dma_start3A_112 : memref<128x128xf32, #tpu.memory_space<vmem_shared>>) target_semaphore(%run_scoped3A_104 : memref<!tpu.dma_semaphore, #tpu.memory_space<semaphore_mem>>)
      %dma_wait3A_117 = arith.constant 0 : i32
      %dma_wait3A_118 = arith.constant 0 : i32
      %dma_wait3A_119 = tpu.memref_slice %arg8[%run_scoped3A_26, %dma_wait3A_117, %dma_wait3A_118] : memref<2x128x128xf32, #tpu.memory_space<vmem>> -> memref<1x128x128xf32, #tpu.memory_space<vmem>>
      %dma_wait3A_120 = tpu.memref_squeeze %dma_wait3A_119 : memref<1x128x128xf32, #tpu.memory_space<vmem>> -> memref<128x128xf32, #tpu.memory_space<vmem>>
      %dma_wait3A_121 = arith.constant 0 : i32
      %dma_wait3A_122 = tpu.memref_slice %arg9[%add3A_25, %dma_wait3A_121] : memref<10240x128xf32, #tpu.memory_space<vmem_shared>> -> memref<128x128xf32, #tpu.memory_space<vmem_shared>>
      %dma_wait3A_123 = arith.constant 0 : i32
      %dma_wait3A_124 = tpu.memref_slice %arg9[%add3A_25, %dma_wait3A_123] : memref<10240x128xf32, #tpu.memory_space<vmem_shared>> -> memref<128x128xf32, #tpu.memory_space<vmem_shared>>
      %dma_wait3A_125 = arith.constant 0 : i32
      %dma_wait3A_126 = arith.constant 0 : i32
      %dma_wait3A_127 = tpu.memref_slice %arg8[%run_scoped3A_26, %dma_wait3A_125, %dma_wait3A_126] : memref<2x128x128xf32, #tpu.memory_space<vmem>> -> memref<1x128x128xf32, #tpu.memory_space<vmem>>
      %dma_wait3A_128 = tpu.memref_squeeze %dma_wait3A_127 : memref<1x128x128xf32, #tpu.memory_space<vmem>> -> memref<128x128xf32, #tpu.memory_space<vmem>>
      tpu.wait_dma2 semaphore(%run_scoped3A_104 : memref<!tpu.dma_semaphore, #tpu.memory_space<semaphore_mem>>) src(%dma_wait3A_128 : memref<128x128xf32, #tpu.memory_space<vmem>>) dst(%dma_wait3A_124 : memref<128x128xf32, #tpu.memory_space<vmem_shared>>)
      tpu.yield
    }) : () -> ()
    %dma_start3A = arith.constant 0 : i32
    %dma_start3A_27 = arith.constant 0 : i32
    %dma_start3A_28 = arith.constant 0 : i32
    %dma_start3A_29 = tpu.memref_slice %arg6[%dma_start3A, %dma_start3A_27, %dma_start3A_28] : memref<2x16x128xi32, #tpu.memory_space<vmem>> -> memref<1x16x128xi32, #tpu.memory_space<vmem>>
    %dma_start3A_30 = tpu.memref_squeeze %dma_start3A_29 : memref<1x16x128xi32, #tpu.memory_space<vmem>> -> memref<16x128xi32, #tpu.memory_space<vmem>>
    %dma_start3A_31 = arith.constant 0 : i32
    %dma_start3A_32 = arith.constant 0 : i32
    %dma_start3A_33 = tpu.memref_slice %arg3[%arg0, %arg1, %dma_start3A_31, %dma_start3A_32] : memref<2x16x80x128xi32, #tpu.memory_space<hbm>> -> memref<1x1x16x128xi32, #tpu.memory_space<hbm>>
    %dma_start3A_34 = tpu.memref_squeeze %dma_start3A_33 : memref<1x1x16x128xi32, #tpu.memory_space<hbm>> -> memref<16x128xi32, #tpu.memory_space<hbm>>
    %dma_start3A_35 = arith.constant 0 : i32
    %dma_start3A_36 = arith.constant 0 : i32
    %dma_start3A_37 = tpu.memref_slice %arg6[%dma_start3A, %dma_start3A_35, %dma_start3A_36] : memref<2x16x128xi32, #tpu.memory_space<vmem>> -> memref<1x16x128xi32, #tpu.memory_space<vmem>>
    %dma_start3A_38 = tpu.memref_squeeze %dma_start3A_37 : memref<1x16x128xi32, #tpu.memory_space<vmem>> -> memref<16x128xi32, #tpu.memory_space<vmem>>
    %dma_start3A_39 = arith.constant 0 : i32
    %dma_start3A_40 = arith.constant 0 : i32
    %dma_start3A_41 = tpu.memref_slice %arg3[%arg0, %arg1, %dma_start3A_39, %dma_start3A_40] : memref<2x16x80x128xi32, #tpu.memory_space<hbm>> -> memref<1x1x16x128xi32, #tpu.memory_space<hbm>>
    %dma_start3A_42 = tpu.memref_squeeze %dma_start3A_41 : memref<1x1x16x128xi32, #tpu.memory_space<hbm>> -> memref<16x128xi32, #tpu.memory_space<hbm>>
    tpu.enqueue_dma source(%dma_start3A_42 : memref<16x128xi32, #tpu.memory_space<hbm>>) target(%dma_start3A_38 : memref<16x128xi32, #tpu.memory_space<vmem>>) target_semaphore(%arg12 : memref<!tpu.dma_semaphore, #tpu.memory_space<semaphore_mem>>)
    %dma_start3A_43 = arith.constant 0 : i32
    %dma_start3A_44 = arith.constant 0 : i32
    %dma_start3A_45 = arith.constant 0 : i32
    %dma_start3A_46 = tpu.memref_slice %arg7[%dma_start3A_43, %dma_start3A_44, %dma_start3A_45] : memref<2x16x128xi32, #tpu.memory_space<vmem>> -> memref<1x16x128xi32, #tpu.memory_space<vmem>>
    %dma_start3A_47 = tpu.memref_squeeze %dma_start3A_46 : memref<1x16x128xi32, #tpu.memory_space<vmem>> -> memref<16x128xi32, #tpu.memory_space<vmem>>
    %dma_start3A_48 = arith.constant 0 : i32
    %dma_start3A_49 = arith.constant 0 : i32
    %dma_start3A_50 = tpu.memref_slice %arg4[%arg0, %arg1, %dma_start3A_48, %dma_start3A_49] : memref<2x16x80x128xi32, #tpu.memory_space<hbm>> -> memref<1x1x16x128xi32, #tpu.memory_space<hbm>>
    %dma_start3A_51 = tpu.memref_squeeze %dma_start3A_50 : memref<1x1x16x128xi32, #tpu.memory_space<hbm>> -> memref<16x128xi32, #tpu.memory_space<hbm>>
    %dma_start3A_52 = arith.constant 0 : i32
    %dma_start3A_53 = arith.constant 0 : i32
    %dma_start3A_54 = tpu.memref_slice %arg7[%dma_start3A_43, %dma_start3A_52, %dma_start3A_53] : memref<2x16x128xi32, #tpu.memory_space<vmem>> -> memref<1x16x128xi32, #tpu.memory_space<vmem>>
    %dma_start3A_55 = tpu.memref_squeeze %dma_start3A_54 : memref<1x16x128xi32, #tpu.memory_space<vmem>> -> memref<16x128xi32, #tpu.memory_space<vmem>>
    %dma_start3A_56 = arith.constant 0 : i32
    %dma_start3A_57 = arith.constant 0 : i32
    %dma_start3A_58 = tpu.memref_slice %arg4[%arg0, %arg1, %dma_start3A_56, %dma_start3A_57] : memref<2x16x80x128xi32, #tpu.memory_space<hbm>> -> memref<1x1x16x128xi32, #tpu.memory_space<hbm>>
    %dma_start3A_59 = tpu.memref_squeeze %dma_start3A_58 : memref<1x1x16x128xi32, #tpu.memory_space<hbm>> -> memref<16x128xi32, #tpu.memory_space<hbm>>
    tpu.enqueue_dma source(%dma_start3A_59 : memref<16x128xi32, #tpu.memory_space<hbm>>) target(%dma_start3A_55 : memref<16x128xi32, #tpu.memory_space<vmem>>) target_semaphore(%arg12 : memref<!tpu.dma_semaphore, #tpu.memory_space<semaphore_mem>>)
    %barrier3A = arith.constant 0 : index
    tpu.barrier barrier_id(%barrier3A)
    %dma_wait3A = arith.constant 0 : i32
    %dma_wait3A_60 = arith.constant 0 : i32
    %dma_wait3A_61 = arith.constant 0 : i32
    %dma_wait3A_62 = tpu.memref_slice %arg6[%dma_wait3A, %dma_wait3A_60, %dma_wait3A_61] : memref<2x16x128xi32, #tpu.memory_space<vmem>> -> memref<1x16x128xi32, #tpu.memory_space<vmem>>
    %dma_wait3A_63 = tpu.memref_squeeze %dma_wait3A_62 : memref<1x16x128xi32, #tpu.memory_space<vmem>> -> memref<16x128xi32, #tpu.memory_space<vmem>>
    %dma_wait3A_64 = arith.constant 0 : i32
    %dma_wait3A_65 = arith.constant 0 : i32
    %dma_wait3A_66 = tpu.memref_slice %arg3[%arg0, %arg1, %dma_wait3A_64, %dma_wait3A_65] : memref<2x16x80x128xi32, #tpu.memory_space<hbm>> -> memref<1x1x16x128xi32, #tpu.memory_space<hbm>>
    %dma_wait3A_67 = tpu.memref_squeeze %dma_wait3A_66 : memref<1x1x16x128xi32, #tpu.memory_space<hbm>> -> memref<16x128xi32, #tpu.memory_space<hbm>>
    %dma_wait3A_68 = arith.constant 0 : i32
    %dma_wait3A_69 = arith.constant 0 : i32
    %dma_wait3A_70 = tpu.memref_slice %arg6[%dma_wait3A, %dma_wait3A_68, %dma_wait3A_69] : memref<2x16x128xi32, #tpu.memory_space<vmem>> -> memref<1x16x128xi32, #tpu.memory_space<vmem>>
    %dma_wait3A_71 = tpu.memref_squeeze %dma_wait3A_70 : memref<1x16x128xi32, #tpu.memory_space<vmem>> -> memref<16x128xi32, #tpu.memory_space<vmem>>
    %dma_wait3A_72 = arith.constant 0 : i32
    %dma_wait3A_73 = arith.constant 0 : i32
    %dma_wait3A_74 = tpu.memref_slice %arg3[%arg0, %arg1, %dma_wait3A_72, %dma_wait3A_73] : memref<2x16x80x128xi32, #tpu.memory_space<hbm>> -> memref<1x1x16x128xi32, #tpu.memory_space<hbm>>
    %dma_wait3A_75 = tpu.memref_squeeze %dma_wait3A_74 : memref<1x1x16x128xi32, #tpu.memory_space<hbm>> -> memref<16x128xi32, #tpu.memory_space<hbm>>
    tpu.wait_dma2 semaphore(%arg12 : memref<!tpu.dma_semaphore, #tpu.memory_space<semaphore_mem>>) src(%dma_wait3A_75 : memref<16x128xi32, #tpu.memory_space<hbm>>) dst(%dma_wait3A_71 : memref<16x128xi32, #tpu.memory_space<vmem>>)
    %dma_wait3A_76 = arith.constant 0 : i32
    %dma_wait3A_77 = arith.constant 0 : i32
    %dma_wait3A_78 = arith.constant 0 : i32
    %dma_wait3A_79 = tpu.memref_slice %arg7[%dma_wait3A_76, %dma_wait3A_77, %dma_wait3A_78] : memref<2x16x128xi32, #tpu.memory_space<vmem>> -> memref<1x16x128xi32, #tpu.memory_space<vmem>>
    %dma_wait3A_80 = tpu.memref_squeeze %dma_wait3A_79 : memref<1x16x128xi32, #tpu.memory_space<vmem>> -> memref<16x128xi32, #tpu.memory_space<vmem>>
    %dma_wait3A_81 = arith.constant 0 : i32
    %dma_wait3A_82 = arith.constant 0 : i32
    %dma_wait3A_83 = tpu.memref_slice %arg4[%arg0, %arg1, %dma_wait3A_81, %dma_wait3A_82] : memref<2x16x80x128xi32, #tpu.memory_space<hbm>> -> memref<1x1x16x128xi32, #tpu.memory_space<hbm>>
    %dma_wait3A_84 = tpu.memref_squeeze %dma_wait3A_83 : memref<1x1x16x128xi32, #tpu.memory_space<hbm>> -> memref<16x128xi32, #tpu.memory_space<hbm>>
    %dma_wait3A_85 = arith.constant 0 : i32
    %dma_wait3A_86 = arith.constant 0 : i32
    %dma_wait3A_87 = tpu.memref_slice %arg7[%dma_wait3A_76, %dma_wait3A_85, %dma_wait3A_86] : memref<2x16x128xi32, #tpu.memory_space<vmem>> -> memref<1x16x128xi32, #tpu.memory_space<vmem>>
    %dma_wait3A_88 = tpu.memref_squeeze %dma_wait3A_87 : memref<1x16x128xi32, #tpu.memory_space<vmem>> -> memref<16x128xi32, #tpu.memory_space<vmem>>
    %dma_wait3A_89 = arith.constant 0 : i32
    %dma_wait3A_90 = arith.constant 0 : i32
    %dma_wait3A_91 = tpu.memref_slice %arg4[%arg0, %arg1, %dma_wait3A_89, %dma_wait3A_90] : memref<2x16x80x128xi32, #tpu.memory_space<hbm>> -> memref<1x1x16x128xi32, #tpu.memory_space<hbm>>
    %dma_wait3A_92 = tpu.memref_squeeze %dma_wait3A_91 : memref<1x1x16x128xi32, #tpu.memory_space<hbm>> -> memref<16x128xi32, #tpu.memory_space<hbm>>
    tpu.wait_dma2 semaphore(%arg12 : memref<!tpu.dma_semaphore, #tpu.memory_space<semaphore_mem>>) src(%dma_wait3A_92 : memref<16x128xi32, #tpu.memory_space<hbm>>) dst(%dma_wait3A_88 : memref<16x128xi32, #tpu.memory_space<vmem>>)
    %scan3A_93 = arith.constant 0 : i32
    %scan3A_94 = arith.constant 0 : i32
    %scan3A_95 = arith.constant 5 : i32
    %scan3A_96 = arith.addi %scan3A_94, %scan3A_95 : i32
    %scan3A_97 = arith.constant 1 : i32
    scf.for %scan3A_104 = %scan3A_94 to %scan3A_96 step %scan3A_97  : i32 {
      %rem3A = arith.constant 2 : i32
      %rem3A_105 = arith.remsi %scan3A_104, %rem3A : i32
      %add3A_106 = arith.constant 1 : i32
      %add3A_107 = arith.addi %scan3A_104, %add3A_106 : i32
      %rem3A_108 = arith.constant 2 : i32
      %rem3A_109 = arith.remsi %add3A_107, %rem3A_108 : i32
      %add3A_110 = arith.constant 1 : i32
      %add3A_111 = arith.addi %scan3A_104, %add3A_110 : i32
      %lt3A = arith.constant 5 : i32
      %lt3A_112 = arith.cmpi slt, %add3A_111, %lt3A : i32
      %convert_element_type3A = arith.extui %lt3A_112 : i1 to i32
      %cond3A = arith.constant 0 : i32
      %cond3A_113 = arith.cmpi ne, %convert_element_type3A, %cond3A : i32
      scf.if %cond3A_113 {
        %add3A_139 = arith.constant 1 : i32
        %add3A_140 = arith.addi %scan3A_104, %add3A_139 : i32
        %mul3A_141 = arith.constant 16 : i32
        %mul3A_142 = arith.muli %add3A_140, %mul3A_141 : i32
        %dma_start3A_143 = arith.constant 0 : i32
        %dma_start3A_144 = arith.constant 0 : i32
        %dma_start3A_145 = tpu.memref_slice %arg6[%rem3A_109, %dma_start3A_143, %dma_start3A_144] : memref<2x16x128xi32, #tpu.memory_space<vmem>> -> memref<1x16x128xi32, #tpu.memory_space<vmem>>
        %dma_start3A_146 = tpu.memref_squeeze %dma_start3A_145 : memref<1x16x128xi32, #tpu.memory_space<vmem>> -> memref<16x128xi32, #tpu.memory_space<vmem>>
        %dma_start3A_147 = arith.constant 0 : i32
        %dma_start3A_148 = tpu.memref_slice %arg3[%arg0, %arg1, %mul3A_142, %dma_start3A_147] : memref<2x16x80x128xi32, #tpu.memory_space<hbm>> -> memref<1x1x16x128xi32, #tpu.memory_space<hbm>>
        %dma_start3A_149 = tpu.memref_squeeze %dma_start3A_148 : memref<1x1x16x128xi32, #tpu.memory_space<hbm>> -> memref<16x128xi32, #tpu.memory_space<hbm>>
        %dma_start3A_150 = arith.constant 0 : i32
        %dma_start3A_151 = arith.constant 0 : i32
        %dma_start3A_152 = tpu.memref_slice %arg6[%rem3A_109, %dma_start3A_150, %dma_start3A_151] : memref<2x16x128xi32, #tpu.memory_space<vmem>> -> memref<1x16x128xi32, #tpu.memory_space<vmem>>
        %dma_start3A_153 = tpu.memref_squeeze %dma_start3A_152 : memref<1x16x128xi32, #tpu.memory_space<vmem>> -> memref<16x128xi32, #tpu.memory_space<vmem>>
        %dma_start3A_154 = arith.constant 0 : i32
        %dma_start3A_155 = tpu.memref_slice %arg3[%arg0, %arg1, %mul3A_142, %dma_start3A_154] : memref<2x16x80x128xi32, #tpu.memory_space<hbm>> -> memref<1x1x16x128xi32, #tpu.memory_space<hbm>>
        %dma_start3A_156 = tpu.memref_squeeze %dma_start3A_155 : memref<1x1x16x128xi32, #tpu.memory_space<hbm>> -> memref<16x128xi32, #tpu.memory_space<hbm>>
        tpu.enqueue_dma source(%dma_start3A_156 : memref<16x128xi32, #tpu.memory_space<hbm>>) target(%dma_start3A_153 : memref<16x128xi32, #tpu.memory_space<vmem>>) target_semaphore(%arg12 : memref<!tpu.dma_semaphore, #tpu.memory_space<semaphore_mem>>)
        %add3A_157 = arith.constant 1 : i32
        %add3A_158 = arith.addi %scan3A_104, %add3A_157 : i32
        %mul3A_159 = arith.constant 16 : i32
        %mul3A_160 = arith.muli %add3A_158, %mul3A_159 : i32
        %dma_start3A_161 = arith.constant 0 : i32
        %dma_start3A_162 = arith.constant 0 : i32
        %dma_start3A_163 = tpu.memref_slice %arg7[%rem3A_109, %dma_start3A_161, %dma_start3A_162] : memref<2x16x128xi32, #tpu.memory_space<vmem>> -> memref<1x16x128xi32, #tpu.memory_space<vmem>>
        %dma_start3A_164 = tpu.memref_squeeze %dma_start3A_163 : memref<1x16x128xi32, #tpu.memory_space<vmem>> -> memref<16x128xi32, #tpu.memory_space<vmem>>
        %dma_start3A_165 = arith.constant 0 : i32
        %dma_start3A_166 = tpu.memref_slice %arg4[%arg0, %arg1, %mul3A_160, %dma_start3A_165] : memref<2x16x80x128xi32, #tpu.memory_space<hbm>> -> memref<1x1x16x128xi32, #tpu.memory_space<hbm>>
        %dma_start3A_167 = tpu.memref_squeeze %dma_start3A_166 : memref<1x1x16x128xi32, #tpu.memory_space<hbm>> -> memref<16x128xi32, #tpu.memory_space<hbm>>
        %dma_start3A_168 = arith.constant 0 : i32
        %dma_start3A_169 = arith.constant 0 : i32
        %dma_start3A_170 = tpu.memref_slice %arg7[%rem3A_109, %dma_start3A_168, %dma_start3A_169] : memref<2x16x128xi32, #tpu.memory_space<vmem>> -> memref<1x16x128xi32, #tpu.memory_space<vmem>>
        %dma_start3A_171 = tpu.memref_squeeze %dma_start3A_170 : memref<1x16x128xi32, #tpu.memory_space<vmem>> -> memref<16x128xi32, #tpu.memory_space<vmem>>
        %dma_start3A_172 = arith.constant 0 : i32
        %dma_start3A_173 = tpu.memref_slice %arg4[%arg0, %arg1, %mul3A_160, %dma_start3A_172] : memref<2x16x80x128xi32, #tpu.memory_space<hbm>> -> memref<1x1x16x128xi32, #tpu.memory_space<hbm>>
        %dma_start3A_174 = tpu.memref_squeeze %dma_start3A_173 : memref<1x1x16x128xi32, #tpu.memory_space<hbm>> -> memref<16x128xi32, #tpu.memory_space<hbm>>
        tpu.enqueue_dma source(%dma_start3A_174 : memref<16x128xi32, #tpu.memory_space<hbm>>) target(%dma_start3A_171 : memref<16x128xi32, #tpu.memory_space<vmem>>) target_semaphore(%arg12 : memref<!tpu.dma_semaphore, #tpu.memory_space<semaphore_mem>>)
      } else {
      }
      %dma_start3A_114 = arith.constant 0 : i32
      %dma_start3A_115 = arith.constant 0 : i32
      %dma_start3A_116 = arith.constant 0 : i32
      %dma_start3A_117 = arith.constant 0 : i32
      %dma_start3A_118 = tpu.memref_slice %arg8[%dma_start3A_115, %dma_start3A_116, %dma_start3A_117] : memref<2x128x128xf32, #tpu.memory_space<vmem>> -> memref<1x128x128xf32, #tpu.memory_space<vmem>>
      %dma_start3A_119 = tpu.memref_squeeze %dma_start3A_118 : memref<1x128x128xf32, #tpu.memory_space<vmem>> -> memref<128x128xf32, #tpu.memory_space<vmem>>
      %dma_start3A_120 = arith.constant 0 : i32
      %dma_start3A_121 = tpu.memref_slice %arg6[%rem3A_105, %dma_start3A_114, %dma_start3A_120] : memref<2x16x128xi32, #tpu.memory_space<vmem>> -> memref<1x1x128xi32, #tpu.memory_space<vmem>>
      %dma_start3A_122 = tpu.memref_squeeze %dma_start3A_121 : memref<1x1x128xi32, #tpu.memory_space<vmem>> -> memref<128xi32, #tpu.memory_space<vmem>>
      %dma_start3A_123 = arith.constant 0 : i32
      %dma_start3A_124 = arith.constant 0 : i32
      %dma_start3A_125 = tpu.memref_slice %arg2[%dma_start3A_123, %dma_start3A_124] : memref<10240x128xf32, #tpu.memory_space<hbm>> -> memref<10240x128xf32, #tpu.memory_space<hbm>>
      tpu.enqueue_indirect_dma source(%dma_start3A_125 : memref<10240x128xf32, #tpu.memory_space<hbm>>) target(%dma_start3A_119 : memref<128x128xf32, #tpu.memory_space<vmem>>) offsets(%dma_start3A_122 : memref<128xi32, #tpu.memory_space<vmem>>) semaphore(%arg10 : memref<!tpu.dma_semaphore, #tpu.memory_space<semaphore_mem>>)
      %scan3A_126 = arith.constant 0 : i32
      %scan3A_127 = arith.constant 0 : i32
      %scan3A_128 = arith.constant 8 : i32
      %scan3A_129 = arith.addi %scan3A_127, %scan3A_128 : i32
      %scan3A_130 = arith.constant 1 : i32
      scf.for %scan3A_139 = %scan3A_127 to %scan3A_129 step %scan3A_130  : i32 {
        %mul3A_140 = arith.constant 2 : i32
        %mul3A_141 = arith.muli %mul3A_140, %scan3A_139 : i32
        %add3A_142 = arith.constant 1 : i32
        %add3A_143 = arith.addi %mul3A_141, %add3A_142 : i32
        %dma_start3A_144 = arith.constant 1 : i32
        %dma_start3A_145 = arith.constant 0 : i32
        %dma_start3A_146 = arith.constant 0 : i32
        %dma_start3A_147 = tpu.memref_slice %arg8[%dma_start3A_144, %dma_start3A_145, %dma_start3A_146] : memref<2x128x128xf32, #tpu.memory_space<vmem>> -> memref<1x128x128xf32, #tpu.memory_space<vmem>>
        %dma_start3A_148 = tpu.memref_squeeze %dma_start3A_147 : memref<1x128x128xf32, #tpu.memory_space<vmem>> -> memref<128x128xf32, #tpu.memory_space<vmem>>
        %dma_start3A_149 = arith.constant 0 : i32
        %dma_start3A_150 = tpu.memref_slice %arg6[%rem3A_105, %add3A_143, %dma_start3A_149] : memref<2x16x128xi32, #tpu.memory_space<vmem>> -> memref<1x1x128xi32, #tpu.memory_space<vmem>>
        %dma_start3A_151 = tpu.memref_squeeze %dma_start3A_150 : memref<1x1x128xi32, #tpu.memory_space<vmem>> -> memref<128xi32, #tpu.memory_space<vmem>>
        %dma_start3A_152 = arith.constant 0 : i32
        %dma_start3A_153 = arith.constant 0 : i32
        %dma_start3A_154 = tpu.memref_slice %arg2[%dma_start3A_152, %dma_start3A_153] : memref<10240x128xf32, #tpu.memory_space<hbm>> -> memref<10240x128xf32, #tpu.memory_space<hbm>>
        tpu.enqueue_indirect_dma source(%dma_start3A_154 : memref<10240x128xf32, #tpu.memory_space<hbm>>) target(%dma_start3A_148 : memref<128x128xf32, #tpu.memory_space<vmem>>) offsets(%dma_start3A_151 : memref<128xi32, #tpu.memory_space<vmem>>) semaphore(%arg11 : memref<!tpu.dma_semaphore, #tpu.memory_space<semaphore_mem>>)
        %dma_wait3A_155 = arith.constant 0 : i32
        %dma_wait3A_156 = arith.constant 0 : i32
        %dma_wait3A_157 = arith.constant 0 : i32
        %dma_wait3A_158 = tpu.memref_slice %arg8[%dma_wait3A_155, %dma_wait3A_156, %dma_wait3A_157] : memref<2x128x128xf32, #tpu.memory_space<vmem>> -> memref<1x128x128xf32, #tpu.memory_space<vmem>>
        %dma_wait3A_159 = tpu.memref_squeeze %dma_wait3A_158 : memref<1x128x128xf32, #tpu.memory_space<vmem>> -> memref<128x128xf32, #tpu.memory_space<vmem>>
        %dma_wait3A_160 = arith.constant 0 : i32
        %dma_wait3A_161 = arith.constant 0 : i32
        %dma_wait3A_162 = tpu.memref_slice %arg2[%dma_wait3A_160, %dma_wait3A_161] : memref<10240x128xf32, #tpu.memory_space<hbm>> -> memref<128x128xf32, #tpu.memory_space<hbm>>
        %dma_wait3A_163 = arith.constant 0 : i32
        %dma_wait3A_164 = arith.constant 0 : i32
        %dma_wait3A_165 = tpu.memref_slice %arg8[%dma_wait3A_155, %dma_wait3A_163, %dma_wait3A_164] : memref<2x128x128xf32, #tpu.memory_space<vmem>> -> memref<1x128x128xf32, #tpu.memory_space<vmem>>
        %dma_wait3A_166 = tpu.memref_squeeze %dma_wait3A_165 : memref<1x128x128xf32, #tpu.memory_space<vmem>> -> memref<128x128xf32, #tpu.memory_space<vmem>>
        %dma_wait3A_167 = arith.constant 0 : i32
        %dma_wait3A_168 = arith.constant 0 : i32
        %dma_wait3A_169 = tpu.memref_slice %arg2[%dma_wait3A_167, %dma_wait3A_168] : memref<10240x128xf32, #tpu.memory_space<hbm>> -> memref<128x128xf32, #tpu.memory_space<hbm>>
        tpu.wait_dma2 semaphore(%arg10 : memref<!tpu.dma_semaphore, #tpu.memory_space<semaphore_mem>>) src(%dma_wait3A_169 : memref<128x128xf32, #tpu.memory_space<hbm>>) dst(%dma_wait3A_166 : memref<128x128xf32, #tpu.memory_space<vmem>>)
        %run_scoped3A_170 = arith.constant 0 : i32
        "tpu.region"() ({
          %run_scoped3A_196 = tpu.sem_alloc : memref<!tpu.dma_semaphore, #tpu.memory_space<semaphore_mem>>
          %dma_start3A_197 = arith.constant 0 : i32
          %dma_start3A_198 = arith.constant 0 : i32
          %dma_start3A_199 = tpu.memref_slice %arg8[%run_scoped3A_170, %dma_start3A_197, %dma_start3A_198] : memref<2x128x128xf32, #tpu.memory_space<vmem>> -> memref<1x128x128xf32, #tpu.memory_space<vmem>>
          %dma_start3A_200 = tpu.memref_squeeze %dma_start3A_199 : memref<1x128x128xf32, #tpu.memory_space<vmem>> -> memref<128x128xf32, #tpu.memory_space<vmem>>
          %dma_start3A_201 = arith.constant 0 : i32
          %dma_start3A_202 = tpu.memref_slice %arg7[%rem3A_105, %mul3A_141, %dma_start3A_201] : memref<2x16x128xi32, #tpu.memory_space<vmem>> -> memref<1x1x128xi32, #tpu.memory_space<vmem>>
          %dma_start3A_203 = tpu.memref_squeeze %dma_start3A_202 : memref<1x1x128xi32, #tpu.memory_space<vmem>> -> memref<128xi32, #tpu.memory_space<vmem>>
          %dma_start3A_204 = arith.constant 0 : i32
          %dma_start3A_205 = arith.constant 0 : i32
          %dma_start3A_206 = tpu.memref_slice %arg9[%dma_start3A_204, %dma_start3A_205] : memref<10240x128xf32, #tpu.memory_space<vmem_shared>> -> memref<10240x128xf32, #tpu.memory_space<vmem_shared>>
          tpu.enqueue_indirect_dma source(%dma_start3A_200 : memref<128x128xf32, #tpu.memory_space<vmem>>) target(%dma_start3A_206 : memref<10240x128xf32, #tpu.memory_space<vmem_shared>>) offsets(%dma_start3A_203 : memref<128xi32, #tpu.memory_space<vmem>>) semaphore(%run_scoped3A_196 : memref<!tpu.dma_semaphore, #tpu.memory_space<semaphore_mem>>) {add = true}
          %dma_wait3A_207 = arith.constant 0 : i32
          %dma_wait3A_208 = arith.constant 0 : i32
          %dma_wait3A_209 = tpu.memref_slice %arg8[%run_scoped3A_170, %dma_wait3A_207, %dma_wait3A_208] : memref<2x128x128xf32, #tpu.memory_space<vmem>> -> memref<1x128x128xf32, #tpu.memory_space<vmem>>
          %dma_wait3A_210 = tpu.memref_squeeze %dma_wait3A_209 : memref<1x128x128xf32, #tpu.memory_space<vmem>> -> memref<128x128xf32, #tpu.memory_space<vmem>>
          %dma_wait3A_211 = arith.constant 0 : i32
          %dma_wait3A_212 = tpu.memref_slice %arg7[%rem3A_105, %mul3A_141, %dma_wait3A_211] : memref<2x16x128xi32, #tpu.memory_space<vmem>> -> memref<1x1x128xi32, #tpu.memory_space<vmem>>
          %dma_wait3A_213 = tpu.memref_squeeze %dma_wait3A_212 : memref<1x1x128xi32, #tpu.memory_space<vmem>> -> memref<128xi32, #tpu.memory_space<vmem>>
          %dma_wait3A_214 = arith.constant 0 : i32
          %dma_wait3A_215 = arith.constant 0 : i32
          %dma_wait3A_216 = tpu.memref_slice %arg9[%dma_wait3A_214, %dma_wait3A_215] : memref<10240x128xf32, #tpu.memory_space<vmem_shared>> -> memref<10240x128xf32, #tpu.memory_space<vmem_shared>>
          tpu.wait_indirect_dma semaphore(%run_scoped3A_196 : memref<!tpu.dma_semaphore, #tpu.memory_space<semaphore_mem>>) src(%dma_wait3A_210 : memref<128x128xf32, #tpu.memory_space<vmem>>) dst(%dma_wait3A_216 : memref<10240x128xf32, #tpu.memory_space<vmem_shared>>)
          tpu.yield
        }) : () -> ()
        %add3A_171 = arith.constant 1 : i32
        %add3A_172 = arith.addi %scan3A_139, %add3A_171 : i32
        %lt3A_173 = arith.constant 8 : i32
        %lt3A_174 = arith.cmpi slt, %add3A_172, %lt3A_173 : i32
        %convert_element_type3A_175 = arith.extui %lt3A_174 : i1 to i32
        %cond3A_176 = arith.constant 0 : i32
        %cond3A_177 = arith.cmpi ne, %convert_element_type3A_175, %cond3A_176 : i32
        scf.if %cond3A_177 {
          %add3A_196 = arith.constant 2 : i32
          %add3A_197 = arith.addi %mul3A_141, %add3A_196 : i32
          %dma_start3A_198 = arith.constant 0 : i32
          %dma_start3A_199 = arith.constant 0 : i32
          %dma_start3A_200 = arith.constant 0 : i32
          %dma_start3A_201 = tpu.memref_slice %arg8[%dma_start3A_198, %dma_start3A_199, %dma_start3A_200] : memref<2x128x128xf32, #tpu.memory_space<vmem>> -> memref<1x128x128xf32, #tpu.memory_space<vmem>>
          %dma_start3A_202 = tpu.memref_squeeze %dma_start3A_201 : memref<1x128x128xf32, #tpu.memory_space<vmem>> -> memref<128x128xf32, #tpu.memory_space<vmem>>
          %dma_start3A_203 = arith.constant 0 : i32
          %dma_start3A_204 = tpu.memref_slice %arg6[%rem3A_105, %add3A_197, %dma_start3A_203] : memref<2x16x128xi32, #tpu.memory_space<vmem>> -> memref<1x1x128xi32, #tpu.memory_space<vmem>>
          %dma_start3A_205 = tpu.memref_squeeze %dma_start3A_204 : memref<1x1x128xi32, #tpu.memory_space<vmem>> -> memref<128xi32, #tpu.memory_space<vmem>>
          %dma_start3A_206 = arith.constant 0 : i32
          %dma_start3A_207 = arith.constant 0 : i32
          %dma_start3A_208 = tpu.memref_slice %arg2[%dma_start3A_206, %dma_start3A_207] : memref<10240x128xf32, #tpu.memory_space<hbm>> -> memref<10240x128xf32, #tpu.memory_space<hbm>>
          tpu.enqueue_indirect_dma source(%dma_start3A_208 : memref<10240x128xf32, #tpu.memory_space<hbm>>) target(%dma_start3A_202 : memref<128x128xf32, #tpu.memory_space<vmem>>) offsets(%dma_start3A_205 : memref<128xi32, #tpu.memory_space<vmem>>) semaphore(%arg10 : memref<!tpu.dma_semaphore, #tpu.memory_space<semaphore_mem>>)
        } else {
        }
        %dma_wait3A_178 = arith.constant 1 : i32
        %dma_wait3A_179 = arith.constant 0 : i32
        %dma_wait3A_180 = arith.constant 0 : i32
        %dma_wait3A_181 = tpu.memref_slice %arg8[%dma_wait3A_178, %dma_wait3A_179, %dma_wait3A_180] : memref<2x128x128xf32, #tpu.memory_space<vmem>> -> memref<1x128x128xf32, #tpu.memory_space<vmem>>
        %dma_wait3A_182 = tpu.memref_squeeze %dma_wait3A_181 : memref<1x128x128xf32, #tpu.memory_space<vmem>> -> memref<128x128xf32, #tpu.memory_space<vmem>>
        %dma_wait3A_183 = arith.constant 0 : i32
        %dma_wait3A_184 = arith.constant 0 : i32
        %dma_wait3A_185 = tpu.memref_slice %arg2[%dma_wait3A_183, %dma_wait3A_184] : memref<10240x128xf32, #tpu.memory_space<hbm>> -> memref<128x128xf32, #tpu.memory_space<hbm>>
        %dma_wait3A_186 = arith.constant 0 : i32
        %dma_wait3A_187 = arith.constant 0 : i32
        %dma_wait3A_188 = tpu.memref_slice %arg8[%dma_wait3A_178, %dma_wait3A_186, %dma_wait3A_187] : memref<2x128x128xf32, #tpu.memory_space<vmem>> -> memref<1x128x128xf32, #tpu.memory_space<vmem>>
        %dma_wait3A_189 = tpu.memref_squeeze %dma_wait3A_188 : memref<1x128x128xf32, #tpu.memory_space<vmem>> -> memref<128x128xf32, #tpu.memory_space<vmem>>
        %dma_wait3A_190 = arith.constant 0 : i32
        %dma_wait3A_191 = arith.constant 0 : i32
        %dma_wait3A_192 = tpu.memref_slice %arg2[%dma_wait3A_190, %dma_wait3A_191] : memref<10240x128xf32, #tpu.memory_space<hbm>> -> memref<128x128xf32, #tpu.memory_space<hbm>>
        tpu.wait_dma2 semaphore(%arg11 : memref<!tpu.dma_semaphore, #tpu.memory_space<semaphore_mem>>) src(%dma_wait3A_192 : memref<128x128xf32, #tpu.memory_space<hbm>>) dst(%dma_wait3A_189 : memref<128x128xf32, #tpu.memory_space<vmem>>)
        %add3A_193 = arith.constant 1 : i32
        %add3A_194 = arith.addi %mul3A_141, %add3A_193 : i32
        %run_scoped3A_195 = arith.constant 1 : i32
        "tpu.region"() ({
          %run_scoped3A_196 = tpu.sem_alloc : memref<!tpu.dma_semaphore, #tpu.memory_space<semaphore_mem>>
          %dma_start3A_197 = arith.constant 0 : i32
          %dma_start3A_198 = arith.constant 0 : i32
          %dma_start3A_199 = tpu.memref_slice %arg8[%run_scoped3A_195, %dma_start3A_197, %dma_start3A_198] : memref<2x128x128xf32, #tpu.memory_space<vmem>> -> memref<1x128x128xf32, #tpu.memory_space<vmem>>
          %dma_start3A_200 = tpu.memref_squeeze %dma_start3A_199 : memref<1x128x128xf32, #tpu.memory_space<vmem>> -> memref<128x128xf32, #tpu.memory_space<vmem>>
          %dma_start3A_201 = arith.constant 0 : i32
          %dma_start3A_202 = tpu.memref_slice %arg7[%rem3A_105, %add3A_194, %dma_start3A_201] : memref<2x16x128xi32, #tpu.memory_space<vmem>> -> memref<1x1x128xi32, #tpu.memory_space<vmem>>
          %dma_start3A_203 = tpu.memref_squeeze %dma_start3A_202 : memref<1x1x128xi32, #tpu.memory_space<vmem>> -> memref<128xi32, #tpu.memory_space<vmem>>
          %dma_start3A_204 = arith.constant 0 : i32
          %dma_start3A_205 = arith.constant 0 : i32
          %dma_start3A_206 = tpu.memref_slice %arg9[%dma_start3A_204, %dma_start3A_205] : memref<10240x128xf32, #tpu.memory_space<vmem_shared>> -> memref<10240x128xf32, #tpu.memory_space<vmem_shared>>
          tpu.enqueue_indirect_dma source(%dma_start3A_200 : memref<128x128xf32, #tpu.memory_space<vmem>>) target(%dma_start3A_206 : memref<10240x128xf32, #tpu.memory_space<vmem_shared>>) offsets(%dma_start3A_203 : memref<128xi32, #tpu.memory_space<vmem>>) semaphore(%run_scoped3A_196 : memref<!tpu.dma_semaphore, #tpu.memory_space<semaphore_mem>>) {add = true}
          %dma_wait3A_207 = arith.constant 0 : i32
          %dma_wait3A_208 = arith.constant 0 : i32
          %dma_wait3A_209 = tpu.memref_slice %arg8[%run_scoped3A_195, %dma_wait3A_207, %dma_wait3A_208] : memref<2x128x128xf32, #tpu.memory_space<vmem>> -> memref<1x128x128xf32, #tpu.memory_space<vmem>>
          %dma_wait3A_210 = tpu.memref_squeeze %dma_wait3A_209 : memref<1x128x128xf32, #tpu.memory_space<vmem>> -> memref<128x128xf32, #tpu.memory_space<vmem>>
          %dma_wait3A_211 = arith.constant 0 : i32
          %dma_wait3A_212 = tpu.memref_slice %arg7[%rem3A_105, %add3A_194, %dma_wait3A_211] : memref<2x16x128xi32, #tpu.memory_space<vmem>> -> memref<1x1x128xi32, #tpu.memory_space<vmem>>
          %dma_wait3A_213 = tpu.memref_squeeze %dma_wait3A_212 : memref<1x1x128xi32, #tpu.memory_space<vmem>> -> memref<128xi32, #tpu.memory_space<vmem>>
          %dma_wait3A_214 = arith.constant 0 : i32
          %dma_wait3A_215 = arith.constant 0 : i32
          %dma_wait3A_216 = tpu.memref_slice %arg9[%dma_wait3A_214, %dma_wait3A_215] : memref<10240x128xf32, #tpu.memory_space<vmem_shared>> -> memref<10240x128xf32, #tpu.memory_space<vmem_shared>>
          tpu.wait_indirect_dma semaphore(%run_scoped3A_196 : memref<!tpu.dma_semaphore, #tpu.memory_space<semaphore_mem>>) src(%dma_wait3A_210 : memref<128x128xf32, #tpu.memory_space<vmem>>) dst(%dma_wait3A_216 : memref<10240x128xf32, #tpu.memory_space<vmem_shared>>)
          tpu.yield
        }) : () -> ()
      }
      %scan3A_131 = arith.constant 8 : i32
      %add3A_132 = arith.constant 1 : i32
      %add3A_133 = arith.addi %scan3A_104, %add3A_132 : i32
      %lt3A_134 = arith.constant 5 : i32
      %lt3A_135 = arith.cmpi slt, %add3A_133, %lt3A_134 : i32
      %convert_element_type3A_136 = arith.extui %lt3A_135 : i1 to i32
      %cond3A_137 = arith.constant 0 : i32
      %cond3A_138 = arith.cmpi ne, %convert_element_type3A_136, %cond3A_137 : i32
      scf.if %cond3A_138 {
        %dma_wait3A_139 = arith.constant 0 : i32
        %dma_wait3A_140 = arith.constant 0 : i32
        %dma_wait3A_141 = tpu.memref_slice %arg6[%rem3A_109, %dma_wait3A_139, %dma_wait3A_140] : memref<2x16x128xi32, #tpu.memory_space<vmem>> -> memref<1x16x128xi32, #tpu.memory_space<vmem>>
        %dma_wait3A_142 = tpu.memref_squeeze %dma_wait3A_141 : memref<1x16x128xi32, #tpu.memory_space<vmem>> -> memref<16x128xi32, #tpu.memory_space<vmem>>
        %dma_wait3A_143 = arith.constant 0 : i32
        %dma_wait3A_144 = arith.constant 0 : i32
        %dma_wait3A_145 = tpu.memref_slice %arg3[%arg0, %arg1, %dma_wait3A_143, %dma_wait3A_144] : memref<2x16x80x128xi32, #tpu.memory_space<hbm>> -> memref<1x1x16x128xi32, #tpu.memory_space<hbm>>
        %dma_wait3A_146 = tpu.memref_squeeze %dma_wait3A_145 : memref<1x1x16x128xi32, #tpu.memory_space<hbm>> -> memref<16x128xi32, #tpu.memory_space<hbm>>
        %dma_wait3A_147 = arith.constant 0 : i32
        %dma_wait3A_148 = arith.constant 0 : i32
        %dma_wait3A_149 = tpu.memref_slice %arg6[%rem3A_109, %dma_wait3A_147, %dma_wait3A_148] : memref<2x16x128xi32, #tpu.memory_space<vmem>> -> memref<1x16x128xi32, #tpu.memory_space<vmem>>
        %dma_wait3A_150 = tpu.memref_squeeze %dma_wait3A_149 : memref<1x16x128xi32, #tpu.memory_space<vmem>> -> memref<16x128xi32, #tpu.memory_space<vmem>>
        %dma_wait3A_151 = arith.constant 0 : i32
        %dma_wait3A_152 = arith.constant 0 : i32
        %dma_wait3A_153 = tpu.memref_slice %arg3[%arg0, %arg1, %dma_wait3A_151, %dma_wait3A_152] : memref<2x16x80x128xi32, #tpu.memory_space<hbm>> -> memref<1x1x16x128xi32, #tpu.memory_space<hbm>>
        %dma_wait3A_154 = tpu.memref_squeeze %dma_wait3A_153 : memref<1x1x16x128xi32, #tpu.memory_space<hbm>> -> memref<16x128xi32, #tpu.memory_space<hbm>>
        tpu.wait_dma2 semaphore(%arg12 : memref<!tpu.dma_semaphore, #tpu.memory_space<semaphore_mem>>) src(%dma_wait3A_154 : memref<16x128xi32, #tpu.memory_space<hbm>>) dst(%dma_wait3A_150 : memref<16x128xi32, #tpu.memory_space<vmem>>)
        %dma_wait3A_155 = arith.constant 0 : i32
        %dma_wait3A_156 = arith.constant 0 : i32
        %dma_wait3A_157 = tpu.memref_slice %arg7[%rem3A_109, %dma_wait3A_155, %dma_wait3A_156] : memref<2x16x128xi32, #tpu.memory_space<vmem>> -> memref<1x16x128xi32, #tpu.memory_space<vmem>>
        %dma_wait3A_158 = tpu.memref_squeeze %dma_wait3A_157 : memref<1x16x128xi32, #tpu.memory_space<vmem>> -> memref<16x128xi32, #tpu.memory_space<vmem>>
        %dma_wait3A_159 = arith.constant 0 : i32
        %dma_wait3A_160 = arith.constant 0 : i32
        %dma_wait3A_161 = tpu.memref_slice %arg4[%arg0, %arg1, %dma_wait3A_159, %dma_wait3A_160] : memref<2x16x80x128xi32, #tpu.memory_space<hbm>> -> memref<1x1x16x128xi32, #tpu.memory_space<hbm>>
        %dma_wait3A_162 = tpu.memref_squeeze %dma_wait3A_161 : memref<1x1x16x128xi32, #tpu.memory_space<hbm>> -> memref<16x128xi32, #tpu.memory_space<hbm>>
        %dma_wait3A_163 = arith.constant 0 : i32
        %dma_wait3A_164 = arith.constant 0 : i32
        %dma_wait3A_165 = tpu.memref_slice %arg7[%rem3A_109, %dma_wait3A_163, %dma_wait3A_164] : memref<2x16x128xi32, #tpu.memory_space<vmem>> -> memref<1x16x128xi32, #tpu.memory_space<vmem>>
        %dma_wait3A_166 = tpu.memref_squeeze %dma_wait3A_165 : memref<1x16x128xi32, #tpu.memory_space<vmem>> -> memref<16x128xi32, #tpu.memory_space<vmem>>
        %dma_wait3A_167 = arith.constant 0 : i32
        %dma_wait3A_168 = arith.constant 0 : i32
        %dma_wait3A_169 = tpu.memref_slice %arg4[%arg0, %arg1, %dma_wait3A_167, %dma_wait3A_168] : memref<2x16x80x128xi32, #tpu.memory_space<hbm>> -> memref<1x1x16x128xi32, #tpu.memory_space<hbm>>
        %dma_wait3A_170 = tpu.memref_squeeze %dma_wait3A_169 : memref<1x1x16x128xi32, #tpu.memory_space<hbm>> -> memref<16x128xi32, #tpu.memory_space<hbm>>
        tpu.wait_dma2 semaphore(%arg12 : memref<!tpu.dma_semaphore, #tpu.memory_space<semaphore_mem>>) src(%dma_wait3A_170 : memref<16x128xi32, #tpu.memory_space<hbm>>) dst(%dma_wait3A_166 : memref<16x128xi32, #tpu.memory_space<vmem>>)
      } else {
      }
    }
    %scan3A_98 = arith.constant 5 : i32
    %barrier3A_99 = arith.constant 0 : index
    tpu.barrier barrier_id(%barrier3A_99)
    %mul3A_100 = arith.constant 640 : i32
    %mul3A_101 = arith.muli %arg1, %mul3A_100 : i32
    %mul3A_102 = arith.constant 640 : i32
    %mul3A_103 = arith.muli %arg1, %mul3A_102 : i32
    "tpu.region"() ({
      %run_scoped3A_104 = tpu.sem_alloc : memref<!tpu.dma_semaphore, #tpu.memory_space<semaphore_mem>>
      %dma_start3A_105 = arith.constant 0 : i32
      %dma_start3A_106 = tpu.memref_slice %arg5[%arg0, %mul3A_103, %dma_start3A_105] : memref<2x10240x128xf32, #tpu.memory_space<hbm>> -> memref<1x640x128xf32, #tpu.memory_space<hbm>>
      %dma_start3A_107 = tpu.memref_squeeze %dma_start3A_106 : memref<1x640x128xf32, #tpu.memory_space<hbm>> -> memref<640x128xf32, #tpu.memory_space<hbm>>
      %dma_start3A_108 = arith.constant 0 : i32
      %dma_start3A_109 = tpu.memref_slice %arg9[%mul3A_101, %dma_start3A_108] : memref<10240x128xf32, #tpu.memory_space<vmem_shared>> -> memref<640x128xf32, #tpu.memory_space<vmem_shared>>
      tpu.enqueue_dma source(%dma_start3A_109 : memref<640x128xf32, #tpu.memory_space<vmem_shared>>) target(%dma_start3A_107 : memref<640x128xf32, #tpu.memory_space<hbm>>) target_semaphore(%run_scoped3A_104 : memref<!tpu.dma_semaphore, #tpu.memory_space<semaphore_mem>>)
      %dma_wait3A_110 = arith.constant 0 : i32
      %dma_wait3A_111 = tpu.memref_slice %arg5[%arg0, %mul3A_103, %dma_wait3A_110] : memref<2x10240x128xf32, #tpu.memory_space<hbm>> -> memref<1x640x128xf32, #tpu.memory_space<hbm>>
      %dma_wait3A_112 = tpu.memref_squeeze %dma_wait3A_111 : memref<1x640x128xf32, #tpu.memory_space<hbm>> -> memref<640x128xf32, #tpu.memory_space<hbm>>
      %dma_wait3A_113 = arith.constant 0 : i32
      %dma_wait3A_114 = tpu.memref_slice %arg9[%mul3A_101, %dma_wait3A_113] : memref<10240x128xf32, #tpu.memory_space<vmem_shared>> -> memref<640x128xf32, #tpu.memory_space<vmem_shared>>
      tpu.wait_dma2 semaphore(%run_scoped3A_104 : memref<!tpu.dma_semaphore, #tpu.memory_space<semaphore_mem>>) src(%dma_wait3A_114 : memref<640x128xf32, #tpu.memory_space<vmem_shared>>) dst(%dma_wait3A_112 : memref<640x128xf32, #tpu.memory_space<hbm>>)
      tpu.yield
    }) : () -> ()
    return
  }
}

module attributes {stable_mosaic.version = 14 : i64} {
  func.func @body(%arg0: i32, %arg1: memref<1280x1xf32, #tpu.memory_space<vmem>>, %arg2: memref<1280x1xf32, #tpu.memory_space<vmem>>, %arg3: memref<1280x128xf32, #tpu.memory_space<vmem>>, %arg4: memref<128x128xf32, #tpu.memory_space<vmem>>, %arg5: memref<1280x128xf32, #tpu.memory_space<vmem>>, %arg6: memref<1280x1xf32, #tpu.memory_space<vmem>>) attributes {dimension_semantics = [#tpu.dimension_semantics<arbitrary>], iteration_bounds = array<i64: 8>, scalar_prefetch = 0 : i64, scratch_operands = 0 : i64, tpu.core_type = #tpu.core_type<tc>, window_params = [{transform_indices = @transform_0, window_bounds = array<i64: 1280, 1>}, {transform_indices = @transform_1, window_bounds = array<i64: 1280, 1>}, {transform_indices = @transform_2, window_bounds = array<i64: 1280, 128>}, {pipeline_mode = #tpu.pipeline_mode<synchronous>, transform_indices = @transform_3, window_bounds = array<i64: 128, 128>}, {transform_indices = @transform_4, window_bounds = array<i64: 1280, 128>}, {transform_indices = @transform_5, window_bounds = array<i64: 1280, 1>}]} {
    %get3A = arith.constant 0 : index
    %get3A_0 = arith.constant 0 : index
    %get3A_1 = vector.load %arg1[%get3A, %get3A_0] : memref<1280x1xf32, #tpu.memory_space<vmem>>, vector<1280x1xf32>
    %get3A_2 = arith.constant 0 : index
    %get3A_3 = arith.constant 0 : index
    %get3A_4 = vector.load %arg2[%get3A_2, %get3A_3] : memref<1280x1xf32, #tpu.memory_space<vmem>>, vector<1280x1xf32>
    %add3A = arith.addf %get3A_1, %get3A_4 : vector<1280x1xf32>
    %add3A_5 = arith.constant 1.000000e+00 : f32
    %add3A_6 = vector.broadcast %add3A_5 : f32 to vector<1280x1xf32>
    %add3A_7 = arith.addf %add3A, %add3A_6 : vector<1280x1xf32>
    %rsqrt3A = math.rsqrt %add3A_7 : vector<1280x1xf32>
    %swap3A = arith.constant 0 : index
    %swap3A_8 = arith.constant 0 : index
    %swap3A_9 = vector.load %arg6[%swap3A, %swap3A_8] : memref<1280x1xf32, #tpu.memory_space<vmem>>, vector<1280x1xf32>
    tpu.vector_store %arg6[%swap3A, %swap3A_8], %rsqrt3A {strides = array<i32>} : memref<1280x1xf32, #tpu.memory_space<vmem>>, vector<1280x1xf32>,
    %get3A_10 = arith.constant 0 : index
    %get3A_11 = arith.constant 0 : index
    %get3A_12 = vector.load %arg3[%get3A_10, %get3A_11] : memref<1280x128xf32, #tpu.memory_space<vmem>>, vector<1280x128xf32>
    %get3A_13 = arith.constant 0 : index
    %get3A_14 = arith.constant 0 : index
    %get3A_15 = vector.load %arg4[%get3A_13, %get3A_14] : memref<128x128xf32, #tpu.memory_space<vmem>>, vector<128x128xf32>
    %dot_general3A = arith.constant dense<0.000000e+00> : vector<1280x128xf32>
    %dot_general3A_16 = tpu.matmul %get3A_12, %get3A_15, %dot_general3A {dimension_numbers = #tpu.dot_dimension_numbers<[1], [0], [0], [1], [0, 0, 1, 1], [], []>, transpose_lhs_hint = false} : vector<1280x128xf32>, vector<128x128xf32>, vector<1280x128xf32> -> vector<1280x128xf32>
    %mul3A = vector.broadcast %rsqrt3A : vector<1280x1xf32> to vector<1280x128xf32>
    %mul3A_17 = arith.mulf %mul3A, %dot_general3A_16 : vector<1280x128xf32>
    %swap3A_18 = arith.constant 0 : index
    %swap3A_19 = arith.constant 0 : index
    %swap3A_20 = vector.load %arg5[%swap3A_18, %swap3A_19] : memref<1280x128xf32, #tpu.memory_space<vmem>>, vector<1280x128xf32>
    tpu.vector_store %arg5[%swap3A_18, %swap3A_19], %mul3A_17 {strides = array<i32>} : memref<1280x128xf32, #tpu.memory_space<vmem>>, vector<1280x128xf32>,
    return
  }
  func.func @transform_0(%arg0: i32) -> (i32, i32) {
    %c0_i32 = arith.constant 0 : i32
    %c0_i32_0 = arith.constant 0 : i32
    return %arg0, %c0_i32 : i32, i32
  }
  func.func @transform_1(%arg0: i32) -> (i32, i32) {
    %c0_i32 = arith.constant 0 : i32
    %c0_i32_0 = arith.constant 0 : i32
    return %arg0, %c0_i32 : i32, i32
  }
  func.func @transform_2(%arg0: i32) -> (i32, i32) {
    %c0_i32 = arith.constant 0 : i32
    %c0_i32_0 = arith.constant 0 : i32
    return %arg0, %c0_i32 : i32, i32
  }
  func.func @transform_3(%arg0: i32) -> (i32, i32) {
    %c0_i32 = arith.constant 0 : i32
    %c0_i32_0 = arith.constant 0 : i32
    %c0_i32_1 = arith.constant 0 : i32
    return %c0_i32, %c0_i32_0 : i32, i32
  }
  func.func @transform_4(%arg0: i32) -> (i32, i32) {
    %c0_i32 = arith.constant 0 : i32
    %c0_i32_0 = arith.constant 0 : i32
    return %arg0, %c0_i32 : i32, i32
  }
  func.func @transform_5(%arg0: i32) -> (i32, i32) {
    %c0_i32 = arith.constant 0 : i32
    %c0_i32_0 = arith.constant 0 : i32
    return %arg0, %c0_i32 : i32, i32
  }
}

module attributes {stable_mosaic.version = 14 : i64} {
  func.func @body(%arg0: i32, %arg1: memref<1280x128xf32, #tpu.memory_space<vmem>>, %arg2: memref<1280x128xf32, #tpu.memory_space<vmem>>, %arg3: memref<1280x128xf32, #tpu.memory_space<vmem>>, %arg4: memref<1280x1xf32, #tpu.memory_space<vmem>>, %arg5: memref<1x128xf32, #tpu.memory_space<vmem>>, %arg6: memref<128x128xf32, #tpu.memory_space<vmem>>, %arg7: memref<1280x128xf32, #tpu.memory_space<vmem>>) attributes {dimension_semantics = [#tpu.dimension_semantics<arbitrary>], iteration_bounds = array<i64: 8>, scalar_prefetch = 0 : i64, scratch_operands = 0 : i64, tpu.core_type = #tpu.core_type<tc>, window_params = [{transform_indices = @transform_0, window_bounds = array<i64: 1280, 128>}, {transform_indices = @transform_1, window_bounds = array<i64: 1280, 128>}, {transform_indices = @transform_2, window_bounds = array<i64: 1280, 128>}, {transform_indices = @transform_3, window_bounds = array<i64: 1280, 1>}, {pipeline_mode = #tpu.pipeline_mode<synchronous>, transform_indices = @transform_4, window_bounds = array<i64: 1, 128>}, {pipeline_mode = #tpu.pipeline_mode<synchronous>, transform_indices = @transform_5, window_bounds = array<i64: 128, 128>}, {transform_indices = @transform_6, window_bounds = array<i64: 1280, 128>}]} {
    %get3A = arith.constant 0 : index
    %get3A_0 = arith.constant 0 : index
    %get3A_1 = vector.load %arg4[%get3A, %get3A_0] : memref<1280x1xf32, #tpu.memory_space<vmem>>, vector<1280x1xf32>
    %get3A_2 = arith.constant 0 : index
    %get3A_3 = arith.constant 0 : index
    %get3A_4 = vector.load %arg1[%get3A_2, %get3A_3] : memref<1280x128xf32, #tpu.memory_space<vmem>>, vector<1280x128xf32>
    %get3A_5 = arith.constant 0 : index
    %get3A_6 = arith.constant 0 : index
    %get3A_7 = vector.load %arg2[%get3A_5, %get3A_6] : memref<1280x128xf32, #tpu.memory_space<vmem>>, vector<1280x128xf32>
    %add3A = arith.addf %get3A_4, %get3A_7 : vector<1280x128xf32>
    %get3A_8 = arith.constant 0 : index
    %get3A_9 = arith.constant 0 : index
    %get3A_10 = vector.load %arg3[%get3A_8, %get3A_9] : memref<1280x128xf32, #tpu.memory_space<vmem>>, vector<1280x128xf32>
    %add3A_11 = arith.addf %add3A, %get3A_10 : vector<1280x128xf32>
    %mul3A = vector.broadcast %get3A_1 : vector<1280x1xf32> to vector<1280x128xf32>
    %mul3A_12 = arith.mulf %mul3A, %add3A_11 : vector<1280x128xf32>
    %get3A_13 = arith.constant 0 : index
    %get3A_14 = arith.constant 0 : index
    %get3A_15 = vector.load %arg5[%get3A_13, %get3A_14] : memref<1x128xf32, #tpu.memory_space<vmem>>, vector<1x128xf32>
    %add3A_16 = vector.broadcast %get3A_15 : vector<1x128xf32> to vector<1280x128xf32>
    %add3A_17 = arith.addf %mul3A_12, %add3A_16 : vector<1280x128xf32>
    %get3A_18 = arith.constant 0 : index
    %get3A_19 = arith.constant 0 : index
    %get3A_20 = vector.load %arg6[%get3A_18, %get3A_19] : memref<128x128xf32, #tpu.memory_space<vmem>>, vector<128x128xf32>
    %dot_general3A = arith.constant dense<0.000000e+00> : vector<1280x128xf32>
    %dot_general3A_21 = tpu.matmul %add3A_17, %get3A_20, %dot_general3A {dimension_numbers = #tpu.dot_dimension_numbers<[1], [0], [0], [1], [0, 0, 1, 1], [], []>, transpose_lhs_hint = false} : vector<1280x128xf32>, vector<128x128xf32>, vector<1280x128xf32> -> vector<1280x128xf32>
    %mul3A_22 = vector.broadcast %get3A_1 : vector<1280x1xf32> to vector<1280x128xf32>
    %mul3A_23 = arith.mulf %mul3A_22, %dot_general3A_21 : vector<1280x128xf32>
    %swap3A = arith.constant 0 : index
    %swap3A_24 = arith.constant 0 : index
    %swap3A_25 = vector.load %arg7[%swap3A, %swap3A_24] : memref<1280x128xf32, #tpu.memory_space<vmem>>, vector<1280x128xf32>
    tpu.vector_store %arg7[%swap3A, %swap3A_24], %mul3A_23 {strides = array<i32>} : memref<1280x128xf32, #tpu.memory_space<vmem>>, vector<1280x128xf32>,
    return
  }
  func.func @transform_0(%arg0: i32) -> (i32, i32) {
    %c0_i32 = arith.constant 0 : i32
    %c0_i32_0 = arith.constant 0 : i32
    return %arg0, %c0_i32 : i32, i32
  }
  func.func @transform_1(%arg0: i32) -> (i32, i32) {
    %c0_i32 = arith.constant 0 : i32
    %c0_i32_0 = arith.constant 0 : i32
    return %arg0, %c0_i32 : i32, i32
  }
  func.func @transform_2(%arg0: i32) -> (i32, i32) {
    %c0_i32 = arith.constant 0 : i32
    %c0_i32_0 = arith.constant 0 : i32
    return %arg0, %c0_i32 : i32, i32
  }
  func.func @transform_3(%arg0: i32) -> (i32, i32) {
    %c0_i32 = arith.constant 0 : i32
    %c0_i32_0 = arith.constant 0 : i32
    return %arg0, %c0_i32 : i32, i32
  }
  func.func @transform_4(%arg0: i32) -> (i32, i32) {
    %c0_i32 = arith.constant 0 : i32
    %c0_i32_0 = arith.constant 0 : i32
    %c0_i32_1 = arith.constant 0 : i32
    return %c0_i32, %c0_i32_0 : i32, i32
  }
  func.func @transform_5(%arg0: i32) -> (i32, i32) {
    %c0_i32 = arith.constant 0 : i32
    %c0_i32_0 = arith.constant 0 : i32
    %c0_i32_1 = arith.constant 0 : i32
    return %c0_i32, %c0_i32_0 : i32, i32
  }
  func.func @transform_6(%arg0: i32) -> (i32, i32) {
    %c0_i32 = arith.constant 0 : i32
    %c0_i32_0 = arith.constant 0 : i32
    return %arg0, %c0_i32 : i32, i32
  }
}

module attributes {stable_mosaic.version = 14 : i64} {
  func.func @body(%arg0: i32, %arg1: memref<1280x128xf32, #tpu.memory_space<vmem>>, %arg2: memref<1280x128xf32, #tpu.memory_space<vmem>>, %arg3: memref<1280x128xf32, #tpu.memory_space<vmem>>, %arg4: memref<1280x1xf32, #tpu.memory_space<vmem>>, %arg5: memref<1x128xf32, #tpu.memory_space<vmem>>, %arg6: memref<1280x128xf32, #tpu.memory_space<vmem>>) attributes {dimension_semantics = [#tpu.dimension_semantics<arbitrary>], iteration_bounds = array<i64: 8>, scalar_prefetch = 0 : i64, scratch_operands = 0 : i64, tpu.core_type = #tpu.core_type<tc>, window_params = [{transform_indices = @transform_0, window_bounds = array<i64: 1280, 128>}, {transform_indices = @transform_1, window_bounds = array<i64: 1280, 128>}, {transform_indices = @transform_2, window_bounds = array<i64: 1280, 128>}, {transform_indices = @transform_3, window_bounds = array<i64: 1280, 1>}, {pipeline_mode = #tpu.pipeline_mode<synchronous>, transform_indices = @transform_4, window_bounds = array<i64: 1, 128>}, {transform_indices = @transform_5, window_bounds = array<i64: 1280, 128>}]} {
    %get3A = arith.constant 0 : index
    %get3A_0 = arith.constant 0 : index
    %get3A_1 = vector.load %arg4[%get3A, %get3A_0] : memref<1280x1xf32, #tpu.memory_space<vmem>>, vector<1280x1xf32>
    %get3A_2 = arith.constant 0 : index
    %get3A_3 = arith.constant 0 : index
    %get3A_4 = vector.load %arg1[%get3A_2, %get3A_3] : memref<1280x128xf32, #tpu.memory_space<vmem>>, vector<1280x128xf32>
    %get3A_5 = arith.constant 0 : index
    %get3A_6 = arith.constant 0 : index
    %get3A_7 = vector.load %arg2[%get3A_5, %get3A_6] : memref<1280x128xf32, #tpu.memory_space<vmem>>, vector<1280x128xf32>
    %add3A = arith.addf %get3A_4, %get3A_7 : vector<1280x128xf32>
    %get3A_8 = arith.constant 0 : index
    %get3A_9 = arith.constant 0 : index
    %get3A_10 = vector.load %arg3[%get3A_8, %get3A_9] : memref<1280x128xf32, #tpu.memory_space<vmem>>, vector<1280x128xf32>
    %add3A_11 = arith.addf %add3A, %get3A_10 : vector<1280x128xf32>
    %mul3A = vector.broadcast %get3A_1 : vector<1280x1xf32> to vector<1280x128xf32>
    %mul3A_12 = arith.mulf %mul3A, %add3A_11 : vector<1280x128xf32>
    %get3A_13 = arith.constant 0 : index
    %get3A_14 = arith.constant 0 : index
    %get3A_15 = vector.load %arg5[%get3A_13, %get3A_14] : memref<1x128xf32, #tpu.memory_space<vmem>>, vector<1x128xf32>
    %add3A_16 = vector.broadcast %get3A_15 : vector<1x128xf32> to vector<1280x128xf32>
    %add3A_17 = arith.addf %mul3A_12, %add3A_16 : vector<1280x128xf32>
    %swap3A = arith.constant 0 : index
    %swap3A_18 = arith.constant 0 : index
    %swap3A_19 = vector.load %arg6[%swap3A, %swap3A_18] : memref<1280x128xf32, #tpu.memory_space<vmem>>, vector<1280x128xf32>
    tpu.vector_store %arg6[%swap3A, %swap3A_18], %add3A_17 {strides = array<i32>} : memref<1280x128xf32, #tpu.memory_space<vmem>>, vector<1280x128xf32>,
    return
  }
  func.func @transform_0(%arg0: i32) -> (i32, i32) {
    %c0_i32 = arith.constant 0 : i32
    %c0_i32_0 = arith.constant 0 : i32
    return %arg0, %c0_i32 : i32, i32
  }
  func.func @transform_1(%arg0: i32) -> (i32, i32) {
    %c0_i32 = arith.constant 0 : i32
    %c0_i32_0 = arith.constant 0 : i32
    return %arg0, %c0_i32 : i32, i32
  }
  func.func @transform_2(%arg0: i32) -> (i32, i32) {
    %c0_i32 = arith.constant 0 : i32
    %c0_i32_0 = arith.constant 0 : i32
    return %arg0, %c0_i32 : i32, i32
  }
  func.func @transform_3(%arg0: i32) -> (i32, i32) {
    %c0_i32 = arith.constant 0 : i32
    %c0_i32_0 = arith.constant 0 : i32
    return %arg0, %c0_i32 : i32, i32
  }
  func.func @transform_4(%arg0: i32) -> (i32, i32) {
    %c0_i32 = arith.constant 0 : i32
    %c0_i32_0 = arith.constant 0 : i32
    %c0_i32_1 = arith.constant 0 : i32
    return %c0_i32, %c0_i32_0 : i32, i32
  }
  func.func @transform_5(%arg0: i32) -> (i32, i32) {
    %c0_i32 = arith.constant 0 : i32
    %c0_i32_0 = arith.constant 0 : i32
    return %arg0, %c0_i32 : i32, i32
  }
}

</mosaic_0001>

<sc_bundles>
// kernel: kernel.11.cloned.1.call-start
scs
__scs_entry_jumppad:
0x0: {  	(pc) =	sbr.rel $0x88, $3  }
0x1: {  	(tag) =	ssettag $0x0;
	lr =	simm.s32 $0x1  }
0x2: {  	[smem:$0x3F9B] =	sst lr;
	_ =	strace $0xD0000000  }
0x3: {  	_ = 	snop  }
0x4: {  	_ = 	snop  }
0x5: {  	_ = 	snop  }
0x6: {  	_ = 	snop  }
0x7: {  	_ = 	snop  }
__scs_overlays_trampoline_lowered:
0x8: {  	[smem:$0x3FAA] =	sst s0  }
0x9: {  	[smem:$0x3FAB] =	sst s1  }
0xa: {  	[smem:$0x3FAC] =	sst s2  }
0xb: {  	[smem:$0x3FAD] =	sst s3  }
0xc: {  	[smem:$0x3FAE] =	sst s4  }
0xd: {  	[smem:$0x3FAF] =	sst s5  }
0xe: {  	[smem:$0x3FB0] =	sst s6  }
0xf: {  	[smem:$0x3FB1] =	sst s7  }
0x10: {  	[smem:$0x3FB2] =	sst s8  }
0x11: {  	[smem:$0x3FB3] =	sst s9;
	s0 =	simm.s32 @!p0 $0x0  }
0x12: {  	s1 =	sld [smem:$0x3F99];
	s0 =	simm.s32 @p0 $0x1  }
0x13: {  	[smem:$0x3FB4] =	sst s0;
	s0 =	simm.s32 @!p1 $0x0  }
0x14: {  	s2 =	sld [smem:$0x3F98];
	s0 =	simm.s32 @p1 $0x1  }
0x15: {  	[smem:$0x3FB5] =	sst s0;
	s0 =	simm.s32 @!p2 $0x0  }
0x16: {  	s3 =	sld [smem:$0x3FDB];
	s0 =	simm.s32 @p2 $0x1  }
0x17: {  	s4 =	simm.s32 $0x1BF5;
	[smem:$0x3FB7] =	sst s0  }
0x18: {  	s0 =	sld [smem:$0x3F9A];
	_ =	swait.ge [sflag:s4], $0x0  }
0x19: {  	s7 =	sld [smem:$0x3F9B]  }
0x1a: {  	s8 =	sadd.s32 $0xFFFFE003, lr  }
0x1b: {  	s9 =	sadd.s32 $0xFFFFFEF7, lr;
	s5 =	simm.s32 $0xFFFFFFFF;
	p2 =	slt.u32 s8, $0xFFFFF086  }
0x1c: {  	p1 =	slt.u32 s9, $0xF7A;
	s5 =	simm.s32 @!p2 $0x0  }
0x1d: {  	s5 =	simm.s32 @p1 $0x1;
	p0 =	seq.s32 s7, s2  }
0x1e: {  	s7 =	smul.u32 @!p0 $0xF7A, s2;
	p2 =	seq.s32 @!p0 s5, $0x0  }
0x1f: {  	s9 =	smul.u32 $0xF7A, s1;
	s8 =	simm.s32 @!p0 $0x1BF5;
	p2 =	por !p2, p0  }
0x20: {  	[sflag:s8] =	ssyncset.s32 @!p0 $0xFFFFF086;
	s6 =	sadd.s32 @!p0 s3, s7;
	s7 =	simm.s32 @!p0 $0x108  }
0x21: {  	s3 =	sadd.s32 s3, s9;
	s6 =	sadd.s32 @!p0 $0x88, s6;
	s7 =	simm.s32 @p2 $0x1082  }
0x22: {  	[simem:s7], [sflag:s8] =	dma.local @!p0 [hbm:s6], $0xF7A  }
0x23: {  	s9 =	sor.u32 $0xD0000000, s2;
	s6 =	simm.s32 $0x108;
	_ =	swait.ge @!p0 [sflag:s8], $0x0  }
0x24: {  	s3 =	sadd.s32 $0x88, s3;
	s6 =	simm.s32 @!p1 $0x1082;
	[sflag:s4] =	ssyncset.s32 $0xFFFFF086  }
0x25: {  	[simem:s6], [sflag:s4] =	dma.local [hbm:s3], $0xF7A  }
0x26: {  	[smem:$0x3F9B] =	sst s1;
	(tag) =	ssettag s2;
	_ =	strace s9  }
0x27: {  	s1 =	sld [smem:$0x3FAB]  }
0x28: {  	s2 =	sld [smem:$0x3FAC]  }
0x29: {  	s4 =	sld [smem:$0x3FAE]  }
0x2a: {  	p0 =	seq.s32 s5, $0x0;
	s5 =	sld [smem:$0x3FAF]  }
0x2b: {  	s6 =	sld [smem:$0x3FB0]  }
0x2c: {  	s7 =	sld [smem:$0x3FB1]  }
0x2d: {  	s3 =	simm.s32 $0x108;
	s8 =	sld [smem:$0x3FB2]  }
0x2e: {  	s3 =	simm.s32 @!p0 $0x1082;
	s9 =	sld [smem:$0x3FB3]  }
0x2f: {  	lr =	sadd.s32 s0, s3;
	s0 =	sld [smem:$0x3FAA]  }
0x30: {  	s3 =	sld [smem:$0x3FAD]  }
0x31: {  	[smem:$0x3FB6] =	sst s10  }
0x32: {  	s10 =	sld [smem:$0x3FB4];
	_ =	sdelay $0x3  }
0x33: {  	p0 =	seq.s32 s10, $0x1;
	s10 =	sld [smem:$0x3FB6];
	_ =	sdelay $0x3  }
0x34: {  	[smem:$0x3FB6] =	sst s10  }
0x35: {  	s10 =	sld [smem:$0x3FB5];
	_ =	sdelay $0x3  }
0x36: {  	p1 =	seq.s32 s10, $0x1;
	s10 =	sld [smem:$0x3FB6];
	_ =	sdelay $0x3  }
0x37: {  	[smem:$0x3FB6] =	sst s10  }
0x38: {  	s10 =	sld [smem:$0x3FB7]  }
0x39: {  	_ = 	snop;
	(pc) =	sbr.ind lr, $3  }
0x3a: {  	_ = 	snop  }
0x3b: {  	_ = 	snop  }
0x3c: {  	p2 =	seq.s32 s10, $0x1;
	s10 =	sld [smem:$0x3FB6]  }
0x3d: {  	_ =	shalt  }
0x3e: {  	_ =	shalt  }
0x3f: {  	_ =	shalt  }
0x40: {  	_ =	shalt  }
0x41: {  	_ =	shalt  }
0x42: {  	_ =	shalt  }
0x43: {  	_ =	shalt  }
0x44: {  	_ =	shalt  }
0x45: {  	_ =	shalt  }
0x46: {  	_ =	shalt  }
0x47: {  	_ =	shalt  }
0x48: {  	_ =	shalt  }
0x49: {  	_ =	shalt  }
0x4a: {  	_ =	shalt  }
0x4b: {  	_ =	shalt  }
0x4c: {  	_ =	shalt  }
0x4d: {  	_ =	shalt  }
0x4e: {  	_ =	shalt  }
0x4f: {  	_ =	shalt  }
0x50: {  	_ =	shalt  }
0x51: {  	_ =	shalt  }
0x52: {  	_ =	shalt  }
0x53: {  	_ =	shalt  }
0x54: {  	_ =	shalt  }
0x55: {  	_ =	shalt  }
0x56: {  	_ =	shalt  }
0x57: {  	_ =	shalt  }
0x58: {  	_ =	shalt  }
0x59: {  	_ =	shalt  }
0x5a: {  	_ =	shalt  }
0x5b: {  	_ =	shalt  }
0x5c: {  	_ =	shalt  }
0x5d: {  	_ =	shalt  }
0x5e: {  	_ =	shalt  }
0x5f: {  	_ =	shalt  }
0x60: {  	_ =	shalt  }
0x61: {  	_ =	shalt  }
0x62: {  	_ =	shalt  }
0x63: {  	_ =	shalt  }
0x64: {  	_ =	shalt  }
0x65: {  	_ =	shalt  }
0x66: {  	_ =	shalt  }
0x67: {  	_ =	shalt  }
0x68: {  	_ =	shalt  }
0x69: {  	_ =	shalt  }
0x6a: {  	_ =	shalt  }
0x6b: {  	_ =	shalt  }
0x6c: {  	_ =	shalt  }
0x6d: {  	_ =	shalt  }
0x6e: {  	_ =	shalt  }
0x6f: {  	_ =	shalt  }
0x70: {  	_ =	shalt  }
0x71: {  	_ =	shalt  }
0x72: {  	_ =	shalt  }
0x73: {  	_ =	shalt  }
0x74: {  	_ =	shalt  }
0x75: {  	_ =	shalt  }
0x76: {  	_ =	shalt  }
0x77: {  	_ =	shalt  }
0x78: {  	_ =	shalt  }
0x79: {  	_ =	shalt  }
0x7a: {  	_ =	shalt  }
0x7b: {  	_ =	shalt  }
0x7c: {  	_ =	shalt  }
0x7d: {  	_ =	shalt  }
0x7e: {  	_ =	shalt  }
0x7f: {  	_ =	shalt  }
0x80: {  	_ =	shalt  }
0x81: {  	_ =	shalt  }
0x82: {  	_ =	shalt  }
0x83: {  	_ =	shalt  }
0x84: {  	_ =	shalt  }
0x85: {  	_ =	shalt  }
0x86: {  	_ =	shalt  }
0x87: {  	_ =	shalt  }
.Lfunc_end0:
.L_simem_size_0:
called_computation.1_lowered:
.L_overlay_start_0:
0x88: {  	s2 =	sld [smem:$0x3FD9]  }
0x89: {  	s3 =	sld [smem:$0x3FFE];
	_ =	sdelay $0x1  }
0x8a: {  	s1 =	srdreg.scid  }
0x8b: {  	s0 =	sand.u32 $0x1, s1  }
0x8c: {  	s17 =	sshll.u32 s0, $0xA;
	s2 =	sadd.s32 s3, s2  }
0x8d: {  	s2 =	sadd.s32 s2, s17  }
0x8e: {  	[smem:$0x3FC2] =	sst s2  }
0x8f: {  	_ = 	snop  }
0x90: {  	s2 =	sld [smem:$0x3FD0];
	(tm) =	ssettm $0x1  }
0x91: {  	s18 =	sld [smem:$0x3FFB];
	_ =	sdelay $0x3  }
0x92: {  	_ =	strace s18  }
0x93: {  	s3 =	sld [smem:$0x3FFC];
	_ =	sdelay $0x3  }
0x94: {  	_ =	strace s3  }
0x95: {  	s3 =	sld [smem:$0x3FFD];
	_ =	sdelay $0x3  }
0x96: {  	_ =	strace s3  }
0x97: {  	_ =	strace $0x8FFFFFFF  }
0x98: {  	s19 =	sld [smem:$0x3FDB];
	_ =	sdelay $0x1  }
0x99: {  	s4 =	simm.s32 $_scs_section_size  }
0x9a: {  	s5 =	simm.s32 $_size__tile_overlayer_lowered;
	s6 =	simm.s32 $_tile_overlayer_lowered  }
0x9b: {  	s22 =	simm.s32 $0x1BFF;
	s21 =	sshll.u32 s6, $0x1;
	s3 =	sadd.s32 s4, s19  }
0x9c: {  	s7 =	simm.s32 $0x0;
	s20 =	sshll.u32 s5, $0x1;
	s5 =	sadd.s32 s21, s3  }
0x9d: {  	[timem:s7], [sflag:s22] =	dma.local [hbm:s5], s20  }
0x9e: {  	_ =	swait.ge [sflag:s22], s20  }
0x9f: {  	s4 =	ssub.s32 $0x0, s20;
	[sflag:s22] =	ssyncset.done $0x0  }
0xa0: {  	[sflag:s22] =	ssyncadd.s32 s4;
	_ =	sdelay $0x1  }
0xa1: {  	s23 =	simm.s32 $0x1B8B  }
0xa2: {  	_ =	swait.ge [sflag:s23], $0x1  }
0xa3: {  	[sflag:s23] =	ssyncset.done $0x0  }
0xa4: {  	s25 =	simm.s32 $0x1B8E;
	s24 =	sld [smem:$0x3FFE];
	[sflag:s23] =	ssyncadd.s32 $0xFFFFFFFF  }
0xa5: {  	s26 =	simm.s32 $execute0_lowered;
	[smem:$0x3FD2] =	sst s25  }
0xa6: {  	s5 =	sshll.u32 s26, $0x1;
	_ =	strace $0x80000049;
	[dreg:$0x1] =	wrdreg $0xFFFFFFFF  }
0xa7: {  	s28 =	simm.s32 $_size_execute0_lowered;
	s3 =	sadd.s32 s3, s5;
	[dreg:$0x0] =	wrdreg $0x0  }
0xa8: {  	s5 =	sshll.u32 s28, $0x1;
	[dreg:$0x2] =	wrdreg s3  }
0xa9: {  	[dreg:$0x3] =	wrdreg s5  }
0xaa: {  	[dreg:$0x4] =	wrdreg $0xC0  }
0xab: {  	_ =	task [dreg:s7], $0x5FFFF  }
0xac: {  	[dreg:$0x1] =	wrdreg $0xFFFFFFFF  }
0xad: {  	[dreg:$0x0] =	wrdreg $0x60  }
0xae: {  	[dreg:$0x2] =	wrdreg s24  }
0xaf: {  	[dreg:$0x3] =	wrdreg s2  }
0xb0: {  	[dreg:$0x4] =	wrdreg $0xA0000  }
0xb1: {  	[dreg:$0x5] =	wrdreg $0x9  }
0xb2: {  	_ =	task.clear_ibuf [dreg:s7], $0x6FFFF;
	_ =	strace $0x90000049  }
0xb3: {  	s29 =	simm.s32 $0x9;
	_ =	strace $0x8000004B  }
0xb4: {  	_ =	swait.ge [sflag:s29], $0x1  }
0xb5: {  	[sflag:s29] =	ssyncadd.s32 $0xFFFFFFFF  }
0xb6: {  	_ =	strace $0x9000004B  }
0xb7: {  	_ =	sfence  }
0xb8: {  	s30 =	sld [smem:$0x0];
	_ =	sdelay $0x2  }
0xb9: {  	s31 =	sshll.u32 s1, $0xD;
	s1 =	sshrl.u32 s1, $0x2  }
0xba: {  	s3 =	sand.u32 $0x4000, s31;
	s1 =	sadd.s32 s1, s30  }
0xbb: {  	s0 =	sor.u32 s3, s0;
	s1 =	sshll.u32 s1, $0x11  }
0xbc: {  	s0 =	sor.u32 s1, s0  }
0xbd: {  	s0 =	sadd.s32 $0x8F2B, s0  }
0xbe: {  	[sflag:s0] =	ssyncadd.remote.s32 $0x1  }
0xbf: {  	_ =	sfence.sel $0xFFFF  }
0xc0: {  	[dreg:$0x0] =	wrdreg $0xFFFFFFFF;
	(pc) =	sbr.abs _section_cstart, $3  }
0xc1: {  	[dreg:$0x1] =	wrdreg $0xFFFFFFFF  }
0xc2: {  	_ =	task.clear_ibuf [dreg:s7], $0x2FFFF;
	_ =	strace $0x9FFFFFFF  }
0xc3: {  	(tm) =	ssettm $0x7FFFFFFF  }
tec
execute0_lowered:
.L_overlay_start_1:
0x0: {  	(tag) =	ssettag $0x1  }
0x1: {  	s7 =	rddreg [dreg:$0x0]  }
0x2: {  	s1 =	rddreg [dreg:$0x1]  }
0x3: {  	s2 =	rddreg [dreg:$0x2]  }
0x4: {  	s3 =	srdreg.scid;
	s0 =	rddreg [dreg:$0x3]  }
0x5: {  	s4 =	simm.s32 $0x0;
	s17 =	simm.s32 $0x2000;
	s18 =	simm.s32 $0x4  }
0x6: {  	s19 =	simm.s32 $0x1000;
	s20 =	simm.s32 $0x3;
	s8 =	sand.u32 $0x1, s3  }
0x7: {  	s21 =	simm.s32 $0x80;
	s3 =	stileid.u32;
	s9 =	smul.u32 $0x140000, s8  }
0x8: {  	s22 =	simm.s32 $0x6000;
	s23 =	simm.s32 $0x1;
	s10 =	smul.u32 $0x14000, s3  }
0x9: {  	s24 =	simm.s32 $0x2;
	[smem:$0x7FF] =	sst s4;
	s11 =	smul.u32 $0x50000, s3  }
0xa: {  	s5 =	sadd.s32 $0xD800, s7;
	s6 =	sadd.s32 $0x3800, s7;
	s29 =	smul.u32 $0x28000, s8  }
0xb: {  	_ =	strace $0x8000004A;
	s8 =	ssub.s32 $0x2, s8;
	s12 =	smul.u32 $0x2800, s3  }
0xc: {  	s30 =	sshrl.u32 s8, $0x1;
	s9 =	sadd.s32 s10, s9;
	s31 =	sshrl.u32 s11, $0x2  }
0xd: {  	s15 =	ssub.s32 s8, s30;
	s16 =	sadd.s32 s12, s29;
	s9 =	sshrl.u32 s9, $0x3  }
0xe: {  	s13 =	sshrl.u32 s16, $0x3;
	s15 =	smax.u32 s15, $0x1;
	s16 =	sadd.s32 $0x800, s16  }
0xf: {  	s14 =	sadd.s32 s9, s7;
	s7 =	sadd.s32 s31, s2;
	s12 =	sadd.s32 s6, s13  }
0x10: {  	s13 =	sadd.s32 s1, s13;
	s8 =	sadd.s32 $0x4000, s7;
	s9 =	sadd.s32 $0x8000, s7  }
0x11: {  	v0 =	vimm.f32 $0.0e+00;
	s10 =	sadd.s32 $0xC000, s7;
	s11 =	sadd.s32 $0x10000, s7;
	s14 =	sadd.s32 $0x5D800, s14  }
.LBB2_1:
0x12: {  	s25 =	simm.s32 $0x0;
	s26 =	simm.s32 $0x200  }
.LBB2_2:
0x13: {  	p0 =	sne.s32 s26, $0xFE00;
	[tilespmem:s25+$0x2070] =	vst v0  }
0x14: {  	[tilespmem:s25+$0x2000] =	vst v0  }
0x15: {  	[tilespmem:s25+$0x2010] =	vst v0  }
.Ltmp0:
0x16: {  	[tilespmem:s25+$0x2020] =	vst v0;
	(pc) =	sbr.rel @p0 .LBB2_2-.Ltmp0, $4  }
0x17: {  	[tilespmem:s25+$0x2030] =	vst v0  }
0x18: {  	[tilespmem:s25+$0x2040] =	vst v0  }
0x19: {  	[tilespmem:s25+$0x2050] =	vst v0  }
0x1a: {  	[tilespmem:s25+$0x2060] =	vst v0;
	s25 =	sshra.s32 s26, $0x2;
	s26 =	sadd.s32 $0x200, s26  }
0x1b: {  	[tilespmem:s25+$0x2070] =	vst v0  }
0x1c: {  	[tilespmem:s25+$0x2000] =	vst v0  }
0x1d: {  	[tilespmem:s25+$0x2010] =	vst v0  }
0x1e: {  	[tilespmem:s25+$0x2020] =	vst v0  }
0x1f: {  	[tilespmem:s25+$0x2030] =	vst v0  }
0x20: {  	[tilespmem:s25+$0x2040] =	vst v0  }
0x21: {  	[tilespmem:s25+$0x2050] =	vst v0  }
0x22: {  	[tilespmem:s25+$0x2060] =	vst v0  }
0x23: {  	[spmem:s7] =	stream.linear.scatter [tilespmem:s17], [sflag:$0x4], $0x4000, $0x38;
	[tilespmem:$0x1E000] =	vst v63  }
0x24: {  	_ =	swait.ge [sflag:s18], $0x4000  }
0x25: {  	[sflag:s18] =	ssyncset.done $0x0  }
0x26: {  	[sflag:s18] =	ssyncadd.s32 $0xFFFFC000  }
0x27: {  	[spmem:s8] =	stream.linear.scatter [tilespmem:s17], [sflag:$0x4], $0x4000, $0x38;
	[tilespmem:$0x1E000] =	vst v63  }
0x28: {  	_ =	swait.ge [sflag:s18], $0x4000  }
0x29: {  	[sflag:s18] =	ssyncset.done $0x0  }
0x2a: {  	[sflag:s18] =	ssyncadd.s32 $0xFFFFC000  }
0x2b: {  	[spmem:s9] =	stream.linear.scatter [tilespmem:s17], [sflag:$0x4], $0x4000, $0x38;
	[tilespmem:$0x1E000] =	vst v63  }
0x2c: {  	_ =	swait.ge [sflag:s18], $0x4000  }
0x2d: {  	[sflag:s18] =	ssyncset.done $0x0  }
0x2e: {  	[sflag:s18] =	ssyncadd.s32 $0xFFFFC000  }
0x2f: {  	[spmem:s10] =	stream.linear.scatter [tilespmem:s17], [sflag:$0x4], $0x4000, $0x38;
	[tilespmem:$0x1E000] =	vst v63  }
0x30: {  	_ =	swait.ge [sflag:s18], $0x4000  }
0x31: {  	[sflag:s18] =	ssyncset.done $0x0  }
0x32: {  	[sflag:s18] =	ssyncadd.s32 $0xFFFFC000  }
0x33: {  	[spmem:s11] =	stream.linear.scatter [tilespmem:s17], [sflag:$0x4], $0x4000, $0x38;
	[tilespmem:$0x1E000] =	vst v63  }
0x34: {  	_ =	swait.ge [sflag:s18], $0x4000  }
0x35: {  	[sflag:s18] =	ssyncset.done $0x0  }
0x36: {  	s25 =	simm.s32 $0x0;
	[sflag:s18] =	ssyncadd.s32 $0xFFFFC000  }
0x37: {  	[tilespmem:s25], [sflag:$0x3] =	stream.linear.gather [hbm4b:s12+s25], $0x800, $0x38;
	[tilespmem:$0x1E000] =	vst v63  }
0x38: {  	_ = 	snop  }
0x39: {  	[tilespmem:s19], [sflag:$0x3] =	stream.linear.gather [hbm4b:s13+s25], $0x800, $0x38;
	[tilespmem:$0x1E000] =	vst v63  }
0x3a: {  	[bflag:$0x0] =	sbarrier.arrive $0xFFFF  }
0x3b: {  	_ =	swait.ge [sflag:s20], $0x800  }
0x3c: {  	[sflag:s20] =	ssyncset.done $0x0  }
0x3d: {  	[sflag:s20] =	ssyncadd.s32 $0xFFFFF800  }
0x3e: {  	_ =	swait.ge [sflag:s20], $0x800  }
0x3f: {  	[sflag:s20] =	ssyncset.done $0x0  }
0x40: {  	[sflag:s20] =	ssyncadd.s32 $0xFFFFF800  }
.LBB2_4:
0x41: {  	p0 =	seq.s32 s25, $0x2000  }
0x42: {  	s26 =	sadd.s32 @!p0 s25, s16  }
0x43: {  	s28 =	sxor.u32 @!p0 $0xFFFFFFFF, s25;
	s26 =	sshrl.u32 @!p0 s26, $0x3  }
0x44: {  	s30 =	simm.s32 @!p0 $0x0;
	s28 =	sand.u32 @!p0 $0x800, s28;
	s29 =	sadd.s32 @!p0 s6, s26  }
0x45: {  	[tilespmem:s28], [sflag:$0x3] =	stream.linear.gather @!p0 [hbm4b:s29+s30], $0x800, $0x38;
	[tilespmem:$0x1E000] =	vst v63  }
0x46: {  	s26 =	sadd.s32 @!p0 s1, s26;
	s28 =	sor.u32 @!p0 $0x1000, s28  }
0x47: {  	[tilespmem:s28], [sflag:$0x3] =	stream.linear.gather @!p0 [hbm4b:s26+s30], $0x800, $0x38;
	[tilespmem:$0x1E000] =	vst v63  }
0x48: {  	s26 =	sand.u32 $0x800, s25  }
0x49: {  	[tilespmem:s17], [sflag:$0x1] =	stream.indirect.gather [hbm4b:s5+s21], $0x80, s26, s21, $0xb8;
	[tilespmem:$0x1E000] =	vst v63  }
0x4a: {  	s29 =	sor.u32 $0x80, s26  }
0x4b: {  	[tilespmem:s22], [sflag:$0x2] =	stream.indirect.gather [hbm4b:s5+s21], $0x80, s29, s21, $0xb8;
	[tilespmem:$0x1E000] =	vst v63  }
0x4c: {  	_ =	swait.ge [sflag:s23], $0x4000  }
0x4d: {  	[sflag:s23] =	ssyncset.done $0x0  }
0x4e: {  	s30 =	sor.u32 $0x1000, s26;
	[sflag:s23] =	ssyncadd.s32 $0xFFFFC000  }
0x4f: {  	[spmem:s2] =	stream.indirect.scatter.add.f32 [tilespmem:s17], [sflag:$0x4], $0x80, s30, s21, $0xb8;
	[tilespmem:$0x1E000] =	vst v63  }
0x50: {  	_ =	swait.ge [sflag:s18], $0x4000  }
0x51: {  	[sflag:s18] =	ssyncset.done $0x0  }
0x52: {  	s31 =	sor.u32 $0x100, s26;
	[sflag:s18] =	ssyncadd.s32 $0xFFFFC000  }
0x53: {  	[tilespmem:s17], [sflag:$0x1] =	stream.indirect.gather [hbm4b:s5+s21], $0x80, s31, s21, $0xb8;
	[tilespmem:$0x1E000] =	vst v63  }
0x54: {  	_ =	swait.ge [sflag:s24], $0x4000  }
0x55: {  	[sflag:s24] =	ssyncset.done $0x0  }
0x56: {  	s29 =	sor.u32 $0x1080, s26;
	[sflag:s24] =	ssyncadd.s32 $0xFFFFC000  }
0x57: {  	[spmem:s2] =	stream.indirect.scatter.add.f32 [tilespmem:s22], [sflag:$0x4], $0x80, s29, s21, $0xb8;
	[tilespmem:$0x1E000] =	vst v63  }
0x58: {  	_ =	swait.ge [sflag:s18], $0x4000  }
0x59: {  	[sflag:s18] =	ssyncset.done $0x0  }
0x5a: {  	s30 =	sor.u32 $0x180, s26;
	[sflag:s18] =	ssyncadd.s32 $0xFFFFC000  }
0x5b: {  	[tilespmem:s22], [sflag:$0x2] =	stream.indirect.gather [hbm4b:s5+s21], $0x80, s30, s21, $0xb8;
	[tilespmem:$0x1E000] =	vst v63  }
0x5c: {  	_ =	swait.ge [sflag:s23], $0x4000  }
0x5d: {  	[sflag:s23] =	ssyncset.done $0x0  }
0x5e: {  	s31 =	sor.u32 $0x1100, s26;
	[sflag:s23] =	ssyncadd.s32 $0xFFFFC000  }
0x5f: {  	[spmem:s2] =	stream.indirect.scatter.add.f32 [tilespmem:s17], [sflag:$0x4], $0x80, s31, s21, $0xb8;
	[tilespmem:$0x1E000] =	vst v63  }
0x60: {  	_ =	swait.ge [sflag:s18], $0x4000  }
0x61: {  	[sflag:s18] =	ssyncset.done $0x0  }
0x62: {  	s29 =	sor.u32 $0x200, s26;
	[sflag:s18] =	ssyncadd.s32 $0xFFFFC000  }
0x63: {  	[tilespmem:s17], [sflag:$0x1] =	stream.indirect.gather [hbm4b:s5+s21], $0x80, s29, s21, $0xb8;
	[tilespmem:$0x1E000] =	vst v63  }
0x64: {  	_ =	swait.ge [sflag:s24], $0x4000  }
0x65: {  	[sflag:s24] =	ssyncset.done $0x0  }
0x66: {  	s30 =	sor.u32 $0x1180, s26;
	[sflag:s24] =	ssyncadd.s32 $0xFFFFC000  }
0x67: {  	[spmem:s2] =	stream.indirect.scatter.add.f32 [tilespmem:s22], [sflag:$0x4], $0x80, s30, s21, $0xb8;
	[tilespmem:$0x1E000] =	vst v63  }
0x68: {  	_ =	swait.ge [sflag:s18], $0x4000  }
0x69: {  	[sflag:s18] =	ssyncset.done $0x0  }
0x6a: {  	s31 =	sor.u32 $0x280, s26;
	[sflag:s18] =	ssyncadd.s32 $0xFFFFC000  }
0x6b: {  	[tilespmem:s22], [sflag:$0x2] =	stream.indirect.gather [hbm4b:s5+s21], $0x80, s31, s21, $0xb8;
	[tilespmem:$0x1E000] =	vst v63  }
0x6c: {  	_ =	swait.ge [sflag:s23], $0x4000  }
0x6d: {  	[sflag:s23] =	ssyncset.done $0x0  }
0x6e: {  	s29 =	sor.u32 $0x1200, s26;
	[sflag:s23] =	ssyncadd.s32 $0xFFFFC000  }
0x6f: {  	[spmem:s2] =	stream.indirect.scatter.add.f32 [tilespmem:s17], [sflag:$0x4], $0x80, s29, s21, $0xb8;
	[tilespmem:$0x1E000] =	vst v63  }
0x70: {  	_ =	swait.ge [sflag:s18], $0x4000  }
0x71: {  	[sflag:s18] =	ssyncset.done $0x0  }
0x72: {  	s30 =	sor.u32 $0x300, s26;
	[sflag:s18] =	ssyncadd.s32 $0xFFFFC000  }
0x73: {  	[tilespmem:s17], [sflag:$0x1] =	stream.indirect.gather [hbm4b:s5+s21], $0x80, s30, s21, $0xb8;
	[tilespmem:$0x1E000] =	vst v63  }
0x74: {  	_ =	swait.ge [sflag:s24], $0x4000  }
0x75: {  	[sflag:s24] =	ssyncset.done $0x0  }
0x76: {  	s31 =	sor.u32 $0x1280, s26;
	[sflag:s24] =	ssyncadd.s32 $0xFFFFC000  }
0x77: {  	[spmem:s2] =	stream.indirect.scatter.add.f32 [tilespmem:s22], [sflag:$0x4], $0x80, s31, s21, $0xb8;
	[tilespmem:$0x1E000] =	vst v63  }
0x78: {  	_ =	swait.ge [sflag:s18], $0x4000  }
0x79: {  	[sflag:s18] =	ssyncset.done $0x0  }
0x7a: {  	s29 =	sor.u32 $0x380, s26;
	[sflag:s18] =	ssyncadd.s32 $0xFFFFC000  }
0x7b: {  	[tilespmem:s22], [sflag:$0x2] =	stream.indirect.gather [hbm4b:s5+s21], $0x80, s29, s21, $0xb8;
	[tilespmem:$0x1E000] =	vst v63  }
0x7c: {  	_ =	swait.ge [sflag:s23], $0x4000  }
0x7d: {  	[sflag:s23] =	ssyncset.done $0x0  }
0x7e: {  	s30 =	sor.u32 $0x1300, s26;
	[sflag:s23] =	ssyncadd.s32 $0xFFFFC000  }
0x7f: {  	[spmem:s2] =	stream.indirect.scatter.add.f32 [tilespmem:s17], [sflag:$0x4], $0x80, s30, s21, $0xb8;
	[tilespmem:$0x1E000] =	vst v63  }
0x80: {  	_ =	swait.ge [sflag:s18], $0x4000  }
0x81: {  	[sflag:s18] =	ssyncset.done $0x0  }
0x82: {  	s31 =	sor.u32 $0x400, s26;
	[sflag:s18] =	ssyncadd.s32 $0xFFFFC000  }
0x83: {  	[tilespmem:s17], [sflag:$0x1] =	stream.indirect.gather [hbm4b:s5+s21], $0x80, s31, s21, $0xb8;
	[tilespmem:$0x1E000] =	vst v63  }
0x84: {  	_ =	swait.ge [sflag:s24], $0x4000  }
0x85: {  	[sflag:s24] =	ssyncset.done $0x0  }
0x86: {  	s29 =	sor.u32 $0x1380, s26;
	[sflag:s24] =	ssyncadd.s32 $0xFFFFC000  }
0x87: {  	[spmem:s2] =	stream.indirect.scatter.add.f32 [tilespmem:s22], [sflag:$0x4], $0x80, s29, s21, $0xb8;
	[tilespmem:$0x1E000] =	vst v63  }
0x88: {  	_ =	swait.ge [sflag:s18], $0x4000  }
0x89: {  	[sflag:s18] =	ssyncset.done $0x0  }
0x8a: {  	s30 =	sor.u32 $0x480, s26;
	[sflag:s18] =	ssyncadd.s32 $0xFFFFC000  }
0x8b: {  	[tilespmem:s22], [sflag:$0x2] =	stream.indirect.gather [hbm4b:s5+s21], $0x80, s30, s21, $0xb8;
	[tilespmem:$0x1E000] =	vst v63  }
0x8c: {  	_ =	swait.ge [sflag:s23], $0x4000  }
0x8d: {  	[sflag:s23] =	ssyncset.done $0x0  }
0x8e: {  	s31 =	sor.u32 $0x1400, s26;
	[sflag:s23] =	ssyncadd.s32 $0xFFFFC000  }
0x8f: {  	[spmem:s2] =	stream.indirect.scatter.add.f32 [tilespmem:s17], [sflag:$0x4], $0x80, s31, s21, $0xb8;
	[tilespmem:$0x1E000] =	vst v63  }
0x90: {  	_ =	swait.ge [sflag:s18], $0x4000  }
0x91: {  	[sflag:s18] =	ssyncset.done $0x0  }
0x92: {  	s29 =	sor.u32 $0x500, s26;
	[sflag:s18] =	ssyncadd.s32 $0xFFFFC000  }
0x93: {  	[tilespmem:s17], [sflag:$0x1] =	stream.indirect.gather [hbm4b:s5+s21], $0x80, s29, s21, $0xb8;
	[tilespmem:$0x1E000] =	vst v63  }
0x94: {  	_ =	swait.ge [sflag:s24], $0x4000  }
0x95: {  	[sflag:s24] =	ssyncset.done $0x0  }
0x96: {  	s30 =	sor.u32 $0x1480, s26;
	[sflag:s24] =	ssyncadd.s32 $0xFFFFC000  }
0x97: {  	[spmem:s2] =	stream.indirect.scatter.add.f32 [tilespmem:s22], [sflag:$0x4], $0x80, s30, s21, $0xb8;
	[tilespmem:$0x1E000] =	vst v63  }
0x98: {  	_ =	swait.ge [sflag:s18], $0x4000  }
0x99: {  	[sflag:s18] =	ssyncset.done $0x0  }
0x9a: {  	s31 =	sor.u32 $0x580, s26;
	[sflag:s18] =	ssyncadd.s32 $0xFFFFC000  }
0x9b: {  	[tilespmem:s22], [sflag:$0x2] =	stream.indirect.gather [hbm4b:s5+s21], $0x80, s31, s21, $0xb8;
	[tilespmem:$0x1E000] =	vst v63  }
0x9c: {  	_ =	swait.ge [sflag:s23], $0x4000  }
0x9d: {  	[sflag:s23] =	ssyncset.done $0x0  }
0x9e: {  	s29 =	sor.u32 $0x1500, s26;
	[sflag:s23] =	ssyncadd.s32 $0xFFFFC000  }
0x9f: {  	[spmem:s2] =	stream.indirect.scatter.add.f32 [tilespmem:s17], [sflag:$0x4], $0x80, s29, s21, $0xb8;
	[tilespmem:$0x1E000] =	vst v63  }
0xa0: {  	_ =	swait.ge [sflag:s18], $0x4000  }
0xa1: {  	[sflag:s18] =	ssyncset.done $0x0  }
0xa2: {  	s30 =	sor.u32 $0x600, s26;
	[sflag:s18] =	ssyncadd.s32 $0xFFFFC000  }
0xa3: {  	[tilespmem:s17], [sflag:$0x1] =	stream.indirect.gather [hbm4b:s5+s21], $0x80, s30, s21, $0xb8;
	[tilespmem:$0x1E000] =	vst v63  }
0xa4: {  	_ =	swait.ge [sflag:s24], $0x4000  }
0xa5: {  	[sflag:s24] =	ssyncset.done $0x0  }
0xa6: {  	s31 =	sor.u32 $0x1580, s26;
	[sflag:s24] =	ssyncadd.s32 $0xFFFFC000  }
0xa7: {  	[spmem:s2] =	stream.indirect.scatter.add.f32 [tilespmem:s22], [sflag:$0x4], $0x80, s31, s21, $0xb8;
	[tilespmem:$0x1E000] =	vst v63  }
0xa8: {  	_ =	swait.ge [sflag:s18], $0x4000  }
0xa9: {  	[sflag:s18] =	ssyncset.done $0x0  }
0xaa: {  	s29 =	sor.u32 $0x680, s26;
	[sflag:s18] =	ssyncadd.s32 $0xFFFFC000  }
0xab: {  	[tilespmem:s22], [sflag:$0x2] =	stream.indirect.gather [hbm4b:s5+s21], $0x80, s29, s21, $0xb8;
	[tilespmem:$0x1E000] =	vst v63  }
0xac: {  	_ =	swait.ge [sflag:s23], $0x4000  }
0xad: {  	[sflag:s23] =	ssyncset.done $0x0  }
0xae: {  	s30 =	sor.u32 $0x1600, s26;
	[sflag:s23] =	ssyncadd.s32 $0xFFFFC000  }
0xaf: {  	[spmem:s2] =	stream.indirect.scatter.add.f32 [tilespmem:s17], [sflag:$0x4], $0x80, s30, s21, $0xb8;
	[tilespmem:$0x1E000] =	vst v63  }
0xb0: {  	_ =	swait.ge [sflag:s18], $0x4000  }
0xb1: {  	[sflag:s18] =	ssyncset.done $0x0  }
0xb2: {  	s31 =	sor.u32 $0x700, s26;
	[sflag:s18] =	ssyncadd.s32 $0xFFFFC000  }
0xb3: {  	[tilespmem:s17], [sflag:$0x1] =	stream.indirect.gather [hbm4b:s5+s21], $0x80, s31, s21, $0xb8;
	[tilespmem:$0x1E000] =	vst v63  }
0xb4: {  	_ =	swait.ge [sflag:s24], $0x4000  }
0xb5: {  	[sflag:s24] =	ssyncset.done $0x0  }
0xb6: {  	s29 =	sor.u32 $0x1680, s26;
	[sflag:s24] =	ssyncadd.s32 $0xFFFFC000  }
0xb7: {  	[spmem:s2] =	stream.indirect.scatter.add.f32 [tilespmem:s22], [sflag:$0x4], $0x80, s29, s21, $0xb8;
	[tilespmem:$0x1E000] =	vst v63  }
0xb8: {  	_ =	swait.ge [sflag:s18], $0x4000  }
0xb9: {  	[sflag:s18] =	ssyncset.done $0x0  }
0xba: {  	s30 =	sor.u32 $0x780, s26;
	[sflag:s18] =	ssyncadd.s32 $0xFFFFC000  }
0xbb: {  	[tilespmem:s22], [sflag:$0x2] =	stream.indirect.gather [hbm4b:s5+s21], $0x80, s30, s21, $0xb8;
	[tilespmem:$0x1E000] =	vst v63  }
0xbc: {  	_ =	swait.ge [sflag:s23], $0x4000  }
0xbd: {  	[sflag:s23] =	ssyncset.done $0x0  }
0xbe: {  	s31 =	sor.u32 $0x1700, s26;
	[sflag:s23] =	ssyncadd.s32 $0xFFFFC000  }
0xbf: {  	[spmem:s2] =	stream.indirect.scatter.add.f32 [tilespmem:s17], [sflag:$0x4], $0x80, s31, s21, $0xb8;
	[tilespmem:$0x1E000] =	vst v63  }
0xc0: {  	_ =	swait.ge [sflag:s18], $0x4000  }
0xc1: {  	[sflag:s18] =	ssyncset.done $0x0  }
0xc2: {  	[sflag:s18] =	ssyncadd.s32 $0xFFFFC000  }
0xc3: {  	_ =	swait.ge [sflag:s24], $0x4000  }
0xc4: {  	[sflag:s24] =	ssyncset.done $0x0  }
0xc5: {  	s26 =	sor.u32 $0x1780, s26;
	[sflag:s24] =	ssyncadd.s32 $0xFFFFC000  }
0xc6: {  	[spmem:s2] =	stream.indirect.scatter.add.f32 [tilespmem:s22], [sflag:$0x4], $0x80, s26, s21, $0xb8;
	[tilespmem:$0x1E000] =	vst v63  }
0xc7: {  	_ =	swait.ge [sflag:s18], $0x4000  }
0xc8: {  	s25 =	sadd.s32 @!p0 $0x800, s25;
	[sflag:s18] =	ssyncset.done $0x0  }
0xc9: {  	p1 =	sne.s32 @!p0 s25, $0x2800;
	s26 =	simm.s32 @!p0 $0x3;
	[sflag:s18] =	ssyncadd.s32 $0xFFFFC000  }
0xca: {  	p1 =	por p0, !p1;
	_ =	swait.ge @!p0 [sflag:s26], $0x800  }
.Ltmp1:
0xcb: {  	[sflag:s26] =	ssyncset.done @!p0 $0x0;
	(pc) =	sbr.rel @!p1 .LBB2_4-.Ltmp1, $4  }
0xcc: {  	[sflag:s26] =	ssyncadd.s32 @!p0 $0xFFFFF800  }
0xcd: {  	_ =	swait.ge @!p0 [sflag:s26], $0x800  }
0xce: {  	[sflag:s26] =	ssyncset.done @!p0 $0x0  }
0xcf: {  	[sflag:s26] =	ssyncadd.s32 @!p0 $0xFFFFF800  }
0xd0: {  	s4 =	sadd.s32 $0x1, s4  }
0xd1: {  	s25 =	sshll.u32 s3, $0x6;
	[bflag:$0x0] =	sbarrier.arrive $0xFFFF;
	p0 =	sne.s32 s4, s15  }
.Ltmp2:
0xd2: {  	s26 =	sshrl.u32 s7, $0x3;
	s25 =	sor.u32 $0x1C04, s25;
	(pc) =	sbr.rel @p0 .LBB2_1-.Ltmp2, $4  }
0xd3: {  	[hbm:s14], [sflag:s25] =	dma.local [spmem:s26], $0x2800  }
0xd4: {  	_ =	swait.ge [sflag:s18], $0x2800  }
0xd5: {  	[sflag:s18] =	ssyncset.done $0x0  }
0xd6: {  	[sflag:s18] =	ssyncadd.s32 $0xFFFFD800  }
0xd7: {  	_ =	sfence.sel $0x180000  }
0xd8: {  	[bflag:$0x0] =	sbarrier.arrive $0xFFFF  }
0xd9: {  	p0 =	sne.s32 s3, $0x0;
	_ =	strace $0x9000004A  }
0xda: {  	s0 =	sadd.s32 @!p0 $0x100000, s0;
	[bflag:$0x2] =	sbarrier.arrive $0xFFFF  }
0xdb: {  	[sflag:s0] =	ssyncadd.tile.s32 @!p0 $0x1;
	_ =	shalt  }
.Lfunc_end2:
_tile_overlayer_lowered:
.L_overlay_start_2:
0xdc: {  	(tag) =	ssettag $0x2  }
0xdd: {  	s0 =	rddreg [dreg:$0x0];
	s2 =	stileid.u32  }
0xde: {  	s1 =	rddreg [dreg:$0x1];
	p0 =	sne.s32 s2, $0x0  }
0xdf: {  	s3 =	rddreg [dreg:$0x2];
	[bflag:$0x3] =	sbarrier.arrive $0xFFFF;
	s2 =	simm.s32 @!p0 $0x1C04  }
0xe0: {  	[timem:s3], [sflag:s2] =	dma.local @!p0 [hbm:s0], s1  }
0xe1: {  	s0 =	simm.s32 @!p0 $0x4  }
0xe2: {  	_ =	swait.ge @!p0 [sflag:s0], s1  }
0xe3: {  	s1 =	ssub.s32 @!p0 $0x0, s1;
	[sflag:s0] =	ssyncset.done @!p0 $0x0  }
0xe4: {  	[sflag:s0] =	ssyncadd.s32 @!p0 s1  }
0xe5: {  	[bflag:$0x3] =	sbarrier.arrive $0xFFFF  }
0xe6: {  	_ =	shalt  }

// kernel: kernel.14.cloned.1.call-start
scs
__scs_entry_jumppad:
0x0: {  	(pc) =	sbr.rel $0x88, $3  }
0x1: {  	(tag) =	ssettag $0x0;
	lr =	simm.s32 $0x1  }
0x2: {  	[smem:$0x3F9B] =	sst lr;
	_ =	strace $0xD0000000  }
0x3: {  	_ = 	snop  }
0x4: {  	_ = 	snop  }
0x5: {  	_ = 	snop  }
0x6: {  	_ = 	snop  }
0x7: {  	_ = 	snop  }
__scs_overlays_trampoline_lowered:
0x8: {  	[smem:$0x3FAA] =	sst s0  }
0x9: {  	[smem:$0x3FAB] =	sst s1  }
0xa: {  	[smem:$0x3FAC] =	sst s2  }
0xb: {  	[smem:$0x3FAD] =	sst s3  }
0xc: {  	[smem:$0x3FAE] =	sst s4  }
0xd: {  	[smem:$0x3FAF] =	sst s5  }
0xe: {  	[smem:$0x3FB0] =	sst s6  }
0xf: {  	[smem:$0x3FB1] =	sst s7  }
0x10: {  	[smem:$0x3FB2] =	sst s8  }
0x11: {  	[smem:$0x3FB3] =	sst s9;
	s0 =	simm.s32 @!p0 $0x0  }
0x12: {  	s1 =	sld [smem:$0x3F99];
	s0 =	simm.s32 @p0 $0x1  }
0x13: {  	[smem:$0x3FB4] =	sst s0;
	s0 =	simm.s32 @!p1 $0x0  }
0x14: {  	s2 =	sld [smem:$0x3F98];
	s0 =	simm.s32 @p1 $0x1  }
0x15: {  	[smem:$0x3FB5] =	sst s0;
	s0 =	simm.s32 @!p2 $0x0  }
0x16: {  	s3 =	sld [smem:$0x3FDB];
	s0 =	simm.s32 @p2 $0x1  }
0x17: {  	s4 =	simm.s32 $0x1BF5;
	[smem:$0x3FB7] =	sst s0  }
0x18: {  	s0 =	sld [smem:$0x3F9A];
	_ =	swait.ge [sflag:s4], $0x0  }
0x19: {  	s7 =	sld [smem:$0x3F9B]  }
0x1a: {  	s8 =	sadd.s32 $0xFFFFE003, lr  }
0x1b: {  	s9 =	sadd.s32 $0xFFFFFEF7, lr;
	s5 =	simm.s32 $0xFFFFFFFF;
	p2 =	slt.u32 s8, $0xFFFFF086  }
0x1c: {  	p1 =	slt.u32 s9, $0xF7A;
	s5 =	simm.s32 @!p2 $0x0  }
0x1d: {  	s5 =	simm.s32 @p1 $0x1;
	p0 =	seq.s32 s7, s2  }
0x1e: {  	s7 =	smul.u32 @!p0 $0xF7A, s2;
	p2 =	seq.s32 @!p0 s5, $0x0  }
0x1f: {  	s9 =	smul.u32 $0xF7A, s1;
	s8 =	simm.s32 @!p0 $0x1BF5;
	p2 =	por !p2, p0  }
0x20: {  	[sflag:s8] =	ssyncset.s32 @!p0 $0xFFFFF086;
	s6 =	sadd.s32 @!p0 s3, s7;
	s7 =	simm.s32 @!p0 $0x108  }
0x21: {  	s3 =	sadd.s32 s3, s9;
	s6 =	sadd.s32 @!p0 $0x88, s6;
	s7 =	simm.s32 @p2 $0x1082  }
0x22: {  	[simem:s7], [sflag:s8] =	dma.local @!p0 [hbm:s6], $0xF7A  }
0x23: {  	s9 =	sor.u32 $0xD0000000, s2;
	s6 =	simm.s32 $0x108;
	_ =	swait.ge @!p0 [sflag:s8], $0x0  }
0x24: {  	s3 =	sadd.s32 $0x88, s3;
	s6 =	simm.s32 @!p1 $0x1082;
	[sflag:s4] =	ssyncset.s32 $0xFFFFF086  }
0x25: {  	[simem:s6], [sflag:s4] =	dma.local [hbm:s3], $0xF7A  }
0x26: {  	[smem:$0x3F9B] =	sst s1;
	(tag) =	ssettag s2;
	_ =	strace s9  }
0x27: {  	s1 =	sld [smem:$0x3FAB]  }
0x28: {  	s2 =	sld [smem:$0x3FAC]  }
0x29: {  	s4 =	sld [smem:$0x3FAE]  }
0x2a: {  	p0 =	seq.s32 s5, $0x0;
	s5 =	sld [smem:$0x3FAF]  }
0x2b: {  	s6 =	sld [smem:$0x3FB0]  }
0x2c: {  	s7 =	sld [smem:$0x3FB1]  }
0x2d: {  	s3 =	simm.s32 $0x108;
	s8 =	sld [smem:$0x3FB2]  }
0x2e: {  	s3 =	simm.s32 @!p0 $0x1082;
	s9 =	sld [smem:$0x3FB3]  }
0x2f: {  	lr =	sadd.s32 s0, s3;
	s0 =	sld [smem:$0x3FAA]  }
0x30: {  	s3 =	sld [smem:$0x3FAD]  }
0x31: {  	[smem:$0x3FB6] =	sst s10  }
0x32: {  	s10 =	sld [smem:$0x3FB4];
	_ =	sdelay $0x3  }
0x33: {  	p0 =	seq.s32 s10, $0x1;
	s10 =	sld [smem:$0x3FB6];
	_ =	sdelay $0x3  }
0x34: {  	[smem:$0x3FB6] =	sst s10  }
0x35: {  	s10 =	sld [smem:$0x3FB5];
	_ =	sdelay $0x3  }
0x36: {  	p1 =	seq.s32 s10, $0x1;
	s10 =	sld [smem:$0x3FB6];
	_ =	sdelay $0x3  }
0x37: {  	[smem:$0x3FB6] =	sst s10  }
0x38: {  	s10 =	sld [smem:$0x3FB7]  }
0x39: {  	_ = 	snop;
	(pc) =	sbr.ind lr, $3  }
0x3a: {  	_ = 	snop  }
0x3b: {  	_ = 	snop  }
0x3c: {  	p2 =	seq.s32 s10, $0x1;
	s10 =	sld [smem:$0x3FB6]  }
0x3d: {  	_ =	shalt  }
0x3e: {  	_ =	shalt  }
0x3f: {  	_ =	shalt  }
0x40: {  	_ =	shalt  }
0x41: {  	_ =	shalt  }
0x42: {  	_ =	shalt  }
0x43: {  	_ =	shalt  }
0x44: {  	_ =	shalt  }
0x45: {  	_ =	shalt  }
0x46: {  	_ =	shalt  }
0x47: {  	_ =	shalt  }
0x48: {  	_ =	shalt  }
0x49: {  	_ =	shalt  }
0x4a: {  	_ =	shalt  }
0x4b: {  	_ =	shalt  }
0x4c: {  	_ =	shalt  }
0x4d: {  	_ =	shalt  }
0x4e: {  	_ =	shalt  }
0x4f: {  	_ =	shalt  }
0x50: {  	_ =	shalt  }
0x51: {  	_ =	shalt  }
0x52: {  	_ =	shalt  }
0x53: {  	_ =	shalt  }
0x54: {  	_ =	shalt  }
0x55: {  	_ =	shalt  }
0x56: {  	_ =	shalt  }
0x57: {  	_ =	shalt  }
0x58: {  	_ =	shalt  }
0x59: {  	_ =	shalt  }
0x5a: {  	_ =	shalt  }
0x5b: {  	_ =	shalt  }
0x5c: {  	_ =	shalt  }
0x5d: {  	_ =	shalt  }
0x5e: {  	_ =	shalt  }
0x5f: {  	_ =	shalt  }
0x60: {  	_ =	shalt  }
0x61: {  	_ =	shalt  }
0x62: {  	_ =	shalt  }
0x63: {  	_ =	shalt  }
0x64: {  	_ =	shalt  }
0x65: {  	_ =	shalt  }
0x66: {  	_ =	shalt  }
0x67: {  	_ =	shalt  }
0x68: {  	_ =	shalt  }
0x69: {  	_ =	shalt  }
0x6a: {  	_ =	shalt  }
0x6b: {  	_ =	shalt  }
0x6c: {  	_ =	shalt  }
0x6d: {  	_ =	shalt  }
0x6e: {  	_ =	shalt  }
0x6f: {  	_ =	shalt  }
0x70: {  	_ =	shalt  }
0x71: {  	_ =	shalt  }
0x72: {  	_ =	shalt  }
0x73: {  	_ =	shalt  }
0x74: {  	_ =	shalt  }
0x75: {  	_ =	shalt  }
0x76: {  	_ =	shalt  }
0x77: {  	_ =	shalt  }
0x78: {  	_ =	shalt  }
0x79: {  	_ =	shalt  }
0x7a: {  	_ =	shalt  }
0x7b: {  	_ =	shalt  }
0x7c: {  	_ =	shalt  }
0x7d: {  	_ =	shalt  }
0x7e: {  	_ =	shalt  }
0x7f: {  	_ =	shalt  }
0x80: {  	_ =	shalt  }
0x81: {  	_ =	shalt  }
0x82: {  	_ =	shalt  }
0x83: {  	_ =	shalt  }
0x84: {  	_ =	shalt  }
0x85: {  	_ =	shalt  }
0x86: {  	_ =	shalt  }
0x87: {  	_ =	shalt  }
.Lfunc_end0:
.L_simem_size_0:
called_computation.2_lowered:
.L_overlay_start_0:
0x88: {  	s2 =	sld [smem:$0x3FD9]  }
0x89: {  	s3 =	sld [smem:$0x3FFE];
	_ =	sdelay $0x1  }
0x8a: {  	s1 =	srdreg.scid  }
0x8b: {  	s0 =	sand.u32 $0x1, s1  }
0x8c: {  	s17 =	sshll.u32 s0, $0xA;
	s2 =	sadd.s32 s3, s2  }
0x8d: {  	s2 =	sadd.s32 s2, s17  }
0x8e: {  	[smem:$0x3FC2] =	sst s2  }
0x8f: {  	_ = 	snop  }
0x90: {  	s2 =	sld [smem:$0x3FD0];
	(tm) =	ssettm $0x1  }
0x91: {  	s18 =	sld [smem:$0x3FFB];
	_ =	sdelay $0x3  }
0x92: {  	_ =	strace s18  }
0x93: {  	s3 =	sld [smem:$0x3FFC];
	_ =	sdelay $0x3  }
0x94: {  	_ =	strace s3  }
0x95: {  	s3 =	sld [smem:$0x3FFD];
	_ =	sdelay $0x3  }
0x96: {  	_ =	strace s3  }
0x97: {  	_ =	strace $0x8FFFFFFF  }
0x98: {  	s19 =	sld [smem:$0x3FDB];
	_ =	sdelay $0x1  }
0x99: {  	s4 =	simm.s32 $_scs_section_size  }
0x9a: {  	s5 =	simm.s32 $_size__tile_overlayer_lowered;
	s6 =	simm.s32 $_tile_overlayer_lowered  }
0x9b: {  	s22 =	simm.s32 $0x1BFF;
	s21 =	sshll.u32 s6, $0x1;
	s3 =	sadd.s32 s4, s19  }
0x9c: {  	s7 =	simm.s32 $0x0;
	s20 =	sshll.u32 s5, $0x1;
	s5 =	sadd.s32 s21, s3  }
0x9d: {  	[timem:s7], [sflag:s22] =	dma.local [hbm:s5], s20  }
0x9e: {  	_ =	swait.ge [sflag:s22], s20  }
0x9f: {  	s4 =	ssub.s32 $0x0, s20;
	[sflag:s22] =	ssyncset.done $0x0  }
0xa0: {  	[sflag:s22] =	ssyncadd.s32 s4;
	_ =	sdelay $0x1  }
0xa1: {  	s23 =	simm.s32 $0x1B8B  }
0xa2: {  	_ =	swait.ge [sflag:s23], $0x1  }
0xa3: {  	[sflag:s23] =	ssyncset.done $0x0  }
0xa4: {  	s25 =	simm.s32 $0x1B8E;
	s24 =	sld [smem:$0x3FFE];
	[sflag:s23] =	ssyncadd.s32 $0xFFFFFFFF  }
0xa5: {  	s26 =	simm.s32 $execute0_lowered;
	[smem:$0x3FD2] =	sst s25  }
0xa6: {  	s5 =	sshll.u32 s26, $0x1;
	_ =	strace $0x8000004C;
	[dreg:$0x1] =	wrdreg $0xFFFFFFFF  }
0xa7: {  	s28 =	simm.s32 $_size_execute0_lowered;
	s3 =	sadd.s32 s3, s5;
	[dreg:$0x0] =	wrdreg $0x0  }
0xa8: {  	s5 =	sshll.u32 s28, $0x1;
	[dreg:$0x2] =	wrdreg s3  }
0xa9: {  	[dreg:$0x3] =	wrdreg s5  }
0xaa: {  	[dreg:$0x4] =	wrdreg $0xC0  }
0xab: {  	_ =	task [dreg:s7], $0x5FFFF  }
0xac: {  	[dreg:$0x1] =	wrdreg $0xFFFFFFFF  }
0xad: {  	[dreg:$0x0] =	wrdreg $0x60  }
0xae: {  	[dreg:$0x2] =	wrdreg s24  }
0xaf: {  	[dreg:$0x3] =	wrdreg s2  }
0xb0: {  	[dreg:$0x4] =	wrdreg $0xA0000  }
0xb1: {  	[dreg:$0x5] =	wrdreg $0x9  }
0xb2: {  	_ =	task.clear_ibuf [dreg:s7], $0x6FFFF;
	_ =	strace $0x9000004C  }
0xb3: {  	s29 =	simm.s32 $0x9;
	_ =	strace $0x8000004E  }
0xb4: {  	_ =	swait.ge [sflag:s29], $0x1  }
0xb5: {  	[sflag:s29] =	ssyncadd.s32 $0xFFFFFFFF  }
0xb6: {  	_ =	strace $0x9000004E  }
0xb7: {  	_ =	sfence  }
0xb8: {  	s30 =	sld [smem:$0x0];
	_ =	sdelay $0x2  }
0xb9: {  	s31 =	sshll.u32 s1, $0xD;
	s1 =	sshrl.u32 s1, $0x2  }
0xba: {  	s3 =	sand.u32 $0x4000, s31;
	s1 =	sadd.s32 s1, s30  }
0xbb: {  	s0 =	sor.u32 s3, s0;
	s1 =	sshll.u32 s1, $0x11  }
0xbc: {  	s0 =	sor.u32 s1, s0  }
0xbd: {  	s0 =	sadd.s32 $0x8F2B, s0  }
0xbe: {  	[sflag:s0] =	ssyncadd.remote.s32 $0x1  }
0xbf: {  	_ =	sfence.sel $0xFFFF  }
0xc0: {  	[dreg:$0x0] =	wrdreg $0xFFFFFFFF;
	(pc) =	sbr.abs _section_cstart, $3  }
0xc1: {  	[dreg:$0x1] =	wrdreg $0xFFFFFFFF  }
0xc2: {  	_ =	task.clear_ibuf [dreg:s7], $0x2FFFF;
	_ =	strace $0x9FFFFFFF  }
0xc3: {  	(tm) =	ssettm $0x7FFFFFFF  }
tec
execute0_lowered:
.L_overlay_start_1:
0x0: {  	(tag) =	ssettag $0x1  }
0x1: {  	s7 =	rddreg [dreg:$0x0]  }
0x2: {  	s1 =	rddreg [dreg:$0x1]  }
0x3: {  	s2 =	rddreg [dreg:$0x2]  }
0x4: {  	s3 =	srdreg.scid;
	s0 =	rddreg [dreg:$0x3]  }
0x5: {  	s4 =	simm.s32 $0x0;
	s17 =	simm.s32 $0x2000;
	s18 =	simm.s32 $0x4  }
0x6: {  	s19 =	simm.s32 $0x1000;
	s20 =	simm.s32 $0x3;
	s8 =	sand.u32 $0x1, s3  }
0x7: {  	s21 =	simm.s32 $0x80;
	s3 =	stileid.u32;
	s9 =	smul.u32 $0x140000, s8  }
0x8: {  	s22 =	simm.s32 $0x6000;
	s23 =	simm.s32 $0x1;
	s10 =	smul.u32 $0x14000, s3  }
0x9: {  	s24 =	simm.s32 $0x2;
	[smem:$0x7FF] =	sst s4;
	s11 =	smul.u32 $0x50000, s3  }
0xa: {  	s5 =	sadd.s32 $0xD800, s7;
	s6 =	sadd.s32 $0x3800, s7;
	s29 =	smul.u32 $0x28000, s8  }
0xb: {  	_ =	strace $0x8000004D;
	s8 =	ssub.s32 $0x2, s8;
	s12 =	smul.u32 $0x2800, s3  }
0xc: {  	s30 =	sshrl.u32 s8, $0x1;
	s9 =	sadd.s32 s10, s9;
	s31 =	sshrl.u32 s11, $0x2  }
0xd: {  	s15 =	ssub.s32 s8, s30;
	s16 =	sadd.s32 s12, s29;
	s9 =	sshrl.u32 s9, $0x3  }
0xe: {  	s13 =	sshrl.u32 s16, $0x3;
	s15 =	smax.u32 s15, $0x1;
	s16 =	sadd.s32 $0x800, s16  }
0xf: {  	s14 =	sadd.s32 s9, s7;
	s7 =	sadd.s32 s31, s2;
	s12 =	sadd.s32 s6, s13  }
0x10: {  	s13 =	sadd.s32 s1, s13;
	s8 =	sadd.s32 $0x4000, s7;
	s9 =	sadd.s32 $0x8000, s7  }
0x11: {  	v0 =	vimm.f32 $0.0e+00;
	s10 =	sadd.s32 $0xC000, s7;
	s11 =	sadd.s32 $0x10000, s7;
	s14 =	sadd.s32 $0x5D800, s14  }
.LBB2_1:
0x12: {  	s25 =	simm.s32 $0x0;
	s26 =	simm.s32 $0x200  }
.LBB2_2:
0x13: {  	p0 =	sne.s32 s26, $0xFE00;
	[tilespmem:s25+$0x2070] =	vst v0  }
0x14: {  	[tilespmem:s25+$0x2000] =	vst v0  }
0x15: {  	[tilespmem:s25+$0x2010] =	vst v0  }
.Ltmp0:
0x16: {  	[tilespmem:s25+$0x2020] =	vst v0;
	(pc) =	sbr.rel @p0 .LBB2_2-.Ltmp0, $4  }
0x17: {  	[tilespmem:s25+$0x2030] =	vst v0  }
0x18: {  	[tilespmem:s25+$0x2040] =	vst v0  }
0x19: {  	[tilespmem:s25+$0x2050] =	vst v0  }
0x1a: {  	[tilespmem:s25+$0x2060] =	vst v0;
	s25 =	sshra.s32 s26, $0x2;
	s26 =	sadd.s32 $0x200, s26  }
0x1b: {  	[tilespmem:s25+$0x2070] =	vst v0  }
0x1c: {  	[tilespmem:s25+$0x2000] =	vst v0  }
0x1d: {  	[tilespmem:s25+$0x2010] =	vst v0  }
0x1e: {  	[tilespmem:s25+$0x2020] =	vst v0  }
0x1f: {  	[tilespmem:s25+$0x2030] =	vst v0  }
0x20: {  	[tilespmem:s25+$0x2040] =	vst v0  }
0x21: {  	[tilespmem:s25+$0x2050] =	vst v0  }
0x22: {  	[tilespmem:s25+$0x2060] =	vst v0  }
0x23: {  	[spmem:s7] =	stream.linear.scatter [tilespmem:s17], [sflag:$0x4], $0x4000, $0x38;
	[tilespmem:$0x1E000] =	vst v63  }
0x24: {  	_ =	swait.ge [sflag:s18], $0x4000  }
0x25: {  	[sflag:s18] =	ssyncset.done $0x0  }
0x26: {  	[sflag:s18] =	ssyncadd.s32 $0xFFFFC000  }
0x27: {  	[spmem:s8] =	stream.linear.scatter [tilespmem:s17], [sflag:$0x4], $0x4000, $0x38;
	[tilespmem:$0x1E000] =	vst v63  }
0x28: {  	_ =	swait.ge [sflag:s18], $0x4000  }
0x29: {  	[sflag:s18] =	ssyncset.done $0x0  }
0x2a: {  	[sflag:s18] =	ssyncadd.s32 $0xFFFFC000  }
0x2b: {  	[spmem:s9] =	stream.linear.scatter [tilespmem:s17], [sflag:$0x4], $0x4000, $0x38;
	[tilespmem:$0x1E000] =	vst v63  }
0x2c: {  	_ =	swait.ge [sflag:s18], $0x4000  }
0x2d: {  	[sflag:s18] =	ssyncset.done $0x0  }
0x2e: {  	[sflag:s18] =	ssyncadd.s32 $0xFFFFC000  }
0x2f: {  	[spmem:s10] =	stream.linear.scatter [tilespmem:s17], [sflag:$0x4], $0x4000, $0x38;
	[tilespmem:$0x1E000] =	vst v63  }
0x30: {  	_ =	swait.ge [sflag:s18], $0x4000  }
0x31: {  	[sflag:s18] =	ssyncset.done $0x0  }
0x32: {  	[sflag:s18] =	ssyncadd.s32 $0xFFFFC000  }
0x33: {  	[spmem:s11] =	stream.linear.scatter [tilespmem:s17], [sflag:$0x4], $0x4000, $0x38;
	[tilespmem:$0x1E000] =	vst v63  }
0x34: {  	_ =	swait.ge [sflag:s18], $0x4000  }
0x35: {  	[sflag:s18] =	ssyncset.done $0x0  }
0x36: {  	s25 =	simm.s32 $0x0;
	[sflag:s18] =	ssyncadd.s32 $0xFFFFC000  }
0x37: {  	[tilespmem:s25], [sflag:$0x3] =	stream.linear.gather [hbm4b:s12+s25], $0x800, $0x38;
	[tilespmem:$0x1E000] =	vst v63  }
0x38: {  	_ = 	snop  }
0x39: {  	[tilespmem:s19], [sflag:$0x3] =	stream.linear.gather [hbm4b:s13+s25], $0x800, $0x38;
	[tilespmem:$0x1E000] =	vst v63  }
0x3a: {  	[bflag:$0x0] =	sbarrier.arrive $0xFFFF  }
0x3b: {  	_ =	swait.ge [sflag:s20], $0x800  }
0x3c: {  	[sflag:s20] =	ssyncset.done $0x0  }
0x3d: {  	[sflag:s20] =	ssyncadd.s32 $0xFFFFF800  }
0x3e: {  	_ =	swait.ge [sflag:s20], $0x800  }
0x3f: {  	[sflag:s20] =	ssyncset.done $0x0  }
0x40: {  	[sflag:s20] =	ssyncadd.s32 $0xFFFFF800  }
.LBB2_4:
0x41: {  	p0 =	seq.s32 s25, $0x2000  }
0x42: {  	s26 =	sadd.s32 @!p0 s25, s16  }
0x43: {  	s28 =	sxor.u32 @!p0 $0xFFFFFFFF, s25;
	s26 =	sshrl.u32 @!p0 s26, $0x3  }
0x44: {  	s30 =	simm.s32 @!p0 $0x0;
	s28 =	sand.u32 @!p0 $0x800, s28;
	s29 =	sadd.s32 @!p0 s6, s26  }
0x45: {  	[tilespmem:s28], [sflag:$0x3] =	stream.linear.gather @!p0 [hbm4b:s29+s30], $0x800, $0x38;
	[tilespmem:$0x1E000] =	vst v63  }
0x46: {  	s26 =	sadd.s32 @!p0 s1, s26;
	s28 =	sor.u32 @!p0 $0x1000, s28  }
0x47: {  	[tilespmem:s28], [sflag:$0x3] =	stream.linear.gather @!p0 [hbm4b:s26+s30], $0x800, $0x38;
	[tilespmem:$0x1E000] =	vst v63  }
0x48: {  	s26 =	sand.u32 $0x800, s25  }
0x49: {  	[tilespmem:s17], [sflag:$0x1] =	stream.indirect.gather [hbm4b:s5+s21], $0x80, s26, s21, $0xb8;
	[tilespmem:$0x1E000] =	vst v63  }
0x4a: {  	s29 =	sor.u32 $0x80, s26  }
0x4b: {  	[tilespmem:s22], [sflag:$0x2] =	stream.indirect.gather [hbm4b:s5+s21], $0x80, s29, s21, $0xb8;
	[tilespmem:$0x1E000] =	vst v63  }
0x4c: {  	_ =	swait.ge [sflag:s23], $0x4000  }
0x4d: {  	[sflag:s23] =	ssyncset.done $0x0  }
0x4e: {  	s30 =	sor.u32 $0x1000, s26;
	[sflag:s23] =	ssyncadd.s32 $0xFFFFC000  }
0x4f: {  	[spmem:s2] =	stream.indirect.scatter.add.f32 [tilespmem:s17], [sflag:$0x4], $0x80, s30, s21, $0xb8;
	[tilespmem:$0x1E000] =	vst v63  }
0x50: {  	_ =	swait.ge [sflag:s18], $0x4000  }
0x51: {  	[sflag:s18] =	ssyncset.done $0x0  }
0x52: {  	s31 =	sor.u32 $0x100, s26;
	[sflag:s18] =	ssyncadd.s32 $0xFFFFC000  }
0x53: {  	[tilespmem:s17], [sflag:$0x1] =	stream.indirect.gather [hbm4b:s5+s21], $0x80, s31, s21, $0xb8;
	[tilespmem:$0x1E000] =	vst v63  }
0x54: {  	_ =	swait.ge [sflag:s24], $0x4000  }
0x55: {  	[sflag:s24] =	ssyncset.done $0x0  }
0x56: {  	s29 =	sor.u32 $0x1080, s26;
	[sflag:s24] =	ssyncadd.s32 $0xFFFFC000  }
0x57: {  	[spmem:s2] =	stream.indirect.scatter.add.f32 [tilespmem:s22], [sflag:$0x4], $0x80, s29, s21, $0xb8;
	[tilespmem:$0x1E000] =	vst v63  }
0x58: {  	_ =	swait.ge [sflag:s18], $0x4000  }
0x59: {  	[sflag:s18] =	ssyncset.done $0x0  }
0x5a: {  	s30 =	sor.u32 $0x180, s26;
	[sflag:s18] =	ssyncadd.s32 $0xFFFFC000  }
0x5b: {  	[tilespmem:s22], [sflag:$0x2] =	stream.indirect.gather [hbm4b:s5+s21], $0x80, s30, s21, $0xb8;
	[tilespmem:$0x1E000] =	vst v63  }
0x5c: {  	_ =	swait.ge [sflag:s23], $0x4000  }
0x5d: {  	[sflag:s23] =	ssyncset.done $0x0  }
0x5e: {  	s31 =	sor.u32 $0x1100, s26;
	[sflag:s23] =	ssyncadd.s32 $0xFFFFC000  }
0x5f: {  	[spmem:s2] =	stream.indirect.scatter.add.f32 [tilespmem:s17], [sflag:$0x4], $0x80, s31, s21, $0xb8;
	[tilespmem:$0x1E000] =	vst v63  }
0x60: {  	_ =	swait.ge [sflag:s18], $0x4000  }
0x61: {  	[sflag:s18] =	ssyncset.done $0x0  }
0x62: {  	s29 =	sor.u32 $0x200, s26;
	[sflag:s18] =	ssyncadd.s32 $0xFFFFC000  }
0x63: {  	[tilespmem:s17], [sflag:$0x1] =	stream.indirect.gather [hbm4b:s5+s21], $0x80, s29, s21, $0xb8;
	[tilespmem:$0x1E000] =	vst v63  }
0x64: {  	_ =	swait.ge [sflag:s24], $0x4000  }
0x65: {  	[sflag:s24] =	ssyncset.done $0x0  }
0x66: {  	s30 =	sor.u32 $0x1180, s26;
	[sflag:s24] =	ssyncadd.s32 $0xFFFFC000  }
0x67: {  	[spmem:s2] =	stream.indirect.scatter.add.f32 [tilespmem:s22], [sflag:$0x4], $0x80, s30, s21, $0xb8;
	[tilespmem:$0x1E000] =	vst v63  }
0x68: {  	_ =	swait.ge [sflag:s18], $0x4000  }
0x69: {  	[sflag:s18] =	ssyncset.done $0x0  }
0x6a: {  	s31 =	sor.u32 $0x280, s26;
	[sflag:s18] =	ssyncadd.s32 $0xFFFFC000  }
0x6b: {  	[tilespmem:s22], [sflag:$0x2] =	stream.indirect.gather [hbm4b:s5+s21], $0x80, s31, s21, $0xb8;
	[tilespmem:$0x1E000] =	vst v63  }
0x6c: {  	_ =	swait.ge [sflag:s23], $0x4000  }
0x6d: {  	[sflag:s23] =	ssyncset.done $0x0  }
0x6e: {  	s29 =	sor.u32 $0x1200, s26;
	[sflag:s23] =	ssyncadd.s32 $0xFFFFC000  }
0x6f: {  	[spmem:s2] =	stream.indirect.scatter.add.f32 [tilespmem:s17], [sflag:$0x4], $0x80, s29, s21, $0xb8;
	[tilespmem:$0x1E000] =	vst v63  }
0x70: {  	_ =	swait.ge [sflag:s18], $0x4000  }
0x71: {  	[sflag:s18] =	ssyncset.done $0x0  }
0x72: {  	s30 =	sor.u32 $0x300, s26;
	[sflag:s18] =	ssyncadd.s32 $0xFFFFC000  }
0x73: {  	[tilespmem:s17], [sflag:$0x1] =	stream.indirect.gather [hbm4b:s5+s21], $0x80, s30, s21, $0xb8;
	[tilespmem:$0x1E000] =	vst v63  }
0x74: {  	_ =	swait.ge [sflag:s24], $0x4000  }
0x75: {  	[sflag:s24] =	ssyncset.done $0x0  }
0x76: {  	s31 =	sor.u32 $0x1280, s26;
	[sflag:s24] =	ssyncadd.s32 $0xFFFFC000  }
0x77: {  	[spmem:s2] =	stream.indirect.scatter.add.f32 [tilespmem:s22], [sflag:$0x4], $0x80, s31, s21, $0xb8;
	[tilespmem:$0x1E000] =	vst v63  }
0x78: {  	_ =	swait.ge [sflag:s18], $0x4000  }
0x79: {  	[sflag:s18] =	ssyncset.done $0x0  }
0x7a: {  	s29 =	sor.u32 $0x380, s26;
	[sflag:s18] =	ssyncadd.s32 $0xFFFFC000  }
0x7b: {  	[tilespmem:s22], [sflag:$0x2] =	stream.indirect.gather [hbm4b:s5+s21], $0x80, s29, s21, $0xb8;
	[tilespmem:$0x1E000] =	vst v63  }
0x7c: {  	_ =	swait.ge [sflag:s23], $0x4000  }
0x7d: {  	[sflag:s23] =	ssyncset.done $0x0  }
0x7e: {  	s30 =	sor.u32 $0x1300, s26;
	[sflag:s23] =	ssyncadd.s32 $0xFFFFC000  }
0x7f: {  	[spmem:s2] =	stream.indirect.scatter.add.f32 [tilespmem:s17], [sflag:$0x4], $0x80, s30, s21, $0xb8;
	[tilespmem:$0x1E000] =	vst v63  }
0x80: {  	_ =	swait.ge [sflag:s18], $0x4000  }
0x81: {  	[sflag:s18] =	ssyncset.done $0x0  }
0x82: {  	s31 =	sor.u32 $0x400, s26;
	[sflag:s18] =	ssyncadd.s32 $0xFFFFC000  }
0x83: {  	[tilespmem:s17], [sflag:$0x1] =	stream.indirect.gather [hbm4b:s5+s21], $0x80, s31, s21, $0xb8;
	[tilespmem:$0x1E000] =	vst v63  }
0x84: {  	_ =	swait.ge [sflag:s24], $0x4000  }
0x85: {  	[sflag:s24] =	ssyncset.done $0x0  }
0x86: {  	s29 =	sor.u32 $0x1380, s26;
	[sflag:s24] =	ssyncadd.s32 $0xFFFFC000  }
0x87: {  	[spmem:s2] =	stream.indirect.scatter.add.f32 [tilespmem:s22], [sflag:$0x4], $0x80, s29, s21, $0xb8;
	[tilespmem:$0x1E000] =	vst v63  }
0x88: {  	_ =	swait.ge [sflag:s18], $0x4000  }
0x89: {  	[sflag:s18] =	ssyncset.done $0x0  }
0x8a: {  	s30 =	sor.u32 $0x480, s26;
	[sflag:s18] =	ssyncadd.s32 $0xFFFFC000  }
0x8b: {  	[tilespmem:s22], [sflag:$0x2] =	stream.indirect.gather [hbm4b:s5+s21], $0x80, s30, s21, $0xb8;
	[tilespmem:$0x1E000] =	vst v63  }
0x8c: {  	_ =	swait.ge [sflag:s23], $0x4000  }
0x8d: {  	[sflag:s23] =	ssyncset.done $0x0  }
0x8e: {  	s31 =	sor.u32 $0x1400, s26;
	[sflag:s23] =	ssyncadd.s32 $0xFFFFC000  }
0x8f: {  	[spmem:s2] =	stream.indirect.scatter.add.f32 [tilespmem:s17], [sflag:$0x4], $0x80, s31, s21, $0xb8;
	[tilespmem:$0x1E000] =	vst v63  }
0x90: {  	_ =	swait.ge [sflag:s18], $0x4000  }
0x91: {  	[sflag:s18] =	ssyncset.done $0x0  }
0x92: {  	s29 =	sor.u32 $0x500, s26;
	[sflag:s18] =	ssyncadd.s32 $0xFFFFC000  }
0x93: {  	[tilespmem:s17], [sflag:$0x1] =	stream.indirect.gather [hbm4b:s5+s21], $0x80, s29, s21, $0xb8;
	[tilespmem:$0x1E000] =	vst v63  }
0x94: {  	_ =	swait.ge [sflag:s24], $0x4000  }
0x95: {  	[sflag:s24] =	ssyncset.done $0x0  }
0x96: {  	s30 =	sor.u32 $0x1480, s26;
	[sflag:s24] =	ssyncadd.s32 $0xFFFFC000  }
0x97: {  	[spmem:s2] =	stream.indirect.scatter.add.f32 [tilespmem:s22], [sflag:$0x4], $0x80, s30, s21, $0xb8;
	[tilespmem:$0x1E000] =	vst v63  }
0x98: {  	_ =	swait.ge [sflag:s18], $0x4000  }
0x99: {  	[sflag:s18] =	ssyncset.done $0x0  }
0x9a: {  	s31 =	sor.u32 $0x580, s26;
	[sflag:s18] =	ssyncadd.s32 $0xFFFFC000  }
0x9b: {  	[tilespmem:s22], [sflag:$0x2] =	stream.indirect.gather [hbm4b:s5+s21], $0x80, s31, s21, $0xb8;
	[tilespmem:$0x1E000] =	vst v63  }
0x9c: {  	_ =	swait.ge [sflag:s23], $0x4000  }
0x9d: {  	[sflag:s23] =	ssyncset.done $0x0  }
0x9e: {  	s29 =	sor.u32 $0x1500, s26;
	[sflag:s23] =	ssyncadd.s32 $0xFFFFC000  }
0x9f: {  	[spmem:s2] =	stream.indirect.scatter.add.f32 [tilespmem:s17], [sflag:$0x4], $0x80, s29, s21, $0xb8;
	[tilespmem:$0x1E000] =	vst v63  }
0xa0: {  	_ =	swait.ge [sflag:s18], $0x4000  }
0xa1: {  	[sflag:s18] =	ssyncset.done $0x0  }
0xa2: {  	s30 =	sor.u32 $0x600, s26;
	[sflag:s18] =	ssyncadd.s32 $0xFFFFC000  }
0xa3: {  	[tilespmem:s17], [sflag:$0x1] =	stream.indirect.gather [hbm4b:s5+s21], $0x80, s30, s21, $0xb8;
	[tilespmem:$0x1E000] =	vst v63  }
0xa4: {  	_ =	swait.ge [sflag:s24], $0x4000  }
0xa5: {  	[sflag:s24] =	ssyncset.done $0x0  }
0xa6: {  	s31 =	sor.u32 $0x1580, s26;
	[sflag:s24] =	ssyncadd.s32 $0xFFFFC000  }
0xa7: {  	[spmem:s2] =	stream.indirect.scatter.add.f32 [tilespmem:s22], [sflag:$0x4], $0x80, s31, s21, $0xb8;
	[tilespmem:$0x1E000] =	vst v63  }
0xa8: {  	_ =	swait.ge [sflag:s18], $0x4000  }
0xa9: {  	[sflag:s18] =	ssyncset.done $0x0  }
0xaa: {  	s29 =	sor.u32 $0x680, s26;
	[sflag:s18] =	ssyncadd.s32 $0xFFFFC000  }
0xab: {  	[tilespmem:s22], [sflag:$0x2] =	stream.indirect.gather [hbm4b:s5+s21], $0x80, s29, s21, $0xb8;
	[tilespmem:$0x1E000] =	vst v63  }
0xac: {  	_ =	swait.ge [sflag:s23], $0x4000  }
0xad: {  	[sflag:s23] =	ssyncset.done $0x0  }
0xae: {  	s30 =	sor.u32 $0x1600, s26;
	[sflag:s23] =	ssyncadd.s32 $0xFFFFC000  }
0xaf: {  	[spmem:s2] =	stream.indirect.scatter.add.f32 [tilespmem:s17], [sflag:$0x4], $0x80, s30, s21, $0xb8;
	[tilespmem:$0x1E000] =	vst v63  }
0xb0: {  	_ =	swait.ge [sflag:s18], $0x4000  }
0xb1: {  	[sflag:s18] =	ssyncset.done $0x0  }
0xb2: {  	s31 =	sor.u32 $0x700, s26;
	[sflag:s18] =	ssyncadd.s32 $0xFFFFC000  }
0xb3: {  	[tilespmem:s17], [sflag:$0x1] =	stream.indirect.gather [hbm4b:s5+s21], $0x80, s31, s21, $0xb8;
	[tilespmem:$0x1E000] =	vst v63  }
0xb4: {  	_ =	swait.ge [sflag:s24], $0x4000  }
0xb5: {  	[sflag:s24] =	ssyncset.done $0x0  }
0xb6: {  	s29 =	sor.u32 $0x1680, s26;
	[sflag:s24] =	ssyncadd.s32 $0xFFFFC000  }
0xb7: {  	[spmem:s2] =	stream.indirect.scatter.add.f32 [tilespmem:s22], [sflag:$0x4], $0x80, s29, s21, $0xb8;
	[tilespmem:$0x1E000] =	vst v63  }
0xb8: {  	_ =	swait.ge [sflag:s18], $0x4000  }
0xb9: {  	[sflag:s18] =	ssyncset.done $0x0  }
0xba: {  	s30 =	sor.u32 $0x780, s26;
	[sflag:s18] =	ssyncadd.s32 $0xFFFFC000  }
0xbb: {  	[tilespmem:s22], [sflag:$0x2] =	stream.indirect.gather [hbm4b:s5+s21], $0x80, s30, s21, $0xb8;
	[tilespmem:$0x1E000] =	vst v63  }
0xbc: {  	_ =	swait.ge [sflag:s23], $0x4000  }
0xbd: {  	[sflag:s23] =	ssyncset.done $0x0  }
0xbe: {  	s31 =	sor.u32 $0x1700, s26;
	[sflag:s23] =	ssyncadd.s32 $0xFFFFC000  }
0xbf: {  	[spmem:s2] =	stream.indirect.scatter.add.f32 [tilespmem:s17], [sflag:$0x4], $0x80, s31, s21, $0xb8;
	[tilespmem:$0x1E000] =	vst v63  }
0xc0: {  	_ =	swait.ge [sflag:s18], $0x4000  }
0xc1: {  	[sflag:s18] =	ssyncset.done $0x0  }
0xc2: {  	[sflag:s18] =	ssyncadd.s32 $0xFFFFC000  }
0xc3: {  	_ =	swait.ge [sflag:s24], $0x4000  }
0xc4: {  	[sflag:s24] =	ssyncset.done $0x0  }
0xc5: {  	s26 =	sor.u32 $0x1780, s26;
	[sflag:s24] =	ssyncadd.s32 $0xFFFFC000  }
0xc6: {  	[spmem:s2] =	stream.indirect.scatter.add.f32 [tilespmem:s22], [sflag:$0x4], $0x80, s26, s21, $0xb8;
	[tilespmem:$0x1E000] =	vst v63  }
0xc7: {  	_ =	swait.ge [sflag:s18], $0x4000  }
0xc8: {  	s25 =	sadd.s32 @!p0 $0x800, s25;
	[sflag:s18] =	ssyncset.done $0x0  }
0xc9: {  	p1 =	sne.s32 @!p0 s25, $0x2800;
	s26 =	simm.s32 @!p0 $0x3;
	[sflag:s18] =	ssyncadd.s32 $0xFFFFC000  }
0xca: {  	p1 =	por p0, !p1;
	_ =	swait.ge @!p0 [sflag:s26], $0x800  }
.Ltmp1:
0xcb: {  	[sflag:s26] =	ssyncset.done @!p0 $0x0;
	(pc) =	sbr.rel @!p1 .LBB2_4-.Ltmp1, $4  }
0xcc: {  	[sflag:s26] =	ssyncadd.s32 @!p0 $0xFFFFF800  }
0xcd: {  	_ =	swait.ge @!p0 [sflag:s26], $0x800  }
0xce: {  	[sflag:s26] =	ssyncset.done @!p0 $0x0  }
0xcf: {  	[sflag:s26] =	ssyncadd.s32 @!p0 $0xFFFFF800  }
0xd0: {  	s4 =	sadd.s32 $0x1, s4  }
0xd1: {  	s25 =	sshll.u32 s3, $0x6;
	[bflag:$0x0] =	sbarrier.arrive $0xFFFF;
	p0 =	sne.s32 s4, s15  }
.Ltmp2:
0xd2: {  	s26 =	sshrl.u32 s7, $0x3;
	s25 =	sor.u32 $0x1C04, s25;
	(pc) =	sbr.rel @p0 .LBB2_1-.Ltmp2, $4  }
0xd3: {  	[hbm:s14], [sflag:s25] =	dma.local [spmem:s26], $0x2800  }
0xd4: {  	_ =	swait.ge [sflag:s18], $0x2800  }
0xd5: {  	[sflag:s18] =	ssyncset.done $0x0  }
0xd6: {  	[sflag:s18] =	ssyncadd.s32 $0xFFFFD800  }
0xd7: {  	_ =	sfence.sel $0x180000  }
0xd8: {  	[bflag:$0x0] =	sbarrier.arrive $0xFFFF  }
0xd9: {  	p0 =	sne.s32 s3, $0x0;
	_ =	strace $0x9000004D  }
0xda: {  	s0 =	sadd.s32 @!p0 $0x100000, s0;
	[bflag:$0x2] =	sbarrier.arrive $0xFFFF  }
0xdb: {  	[sflag:s0] =	ssyncadd.tile.s32 @!p0 $0x1;
	_ =	shalt  }
.Lfunc_end2:
_tile_overlayer_lowered:
.L_overlay_start_2:
0xdc: {  	(tag) =	ssettag $0x2  }
0xdd: {  	s0 =	rddreg [dreg:$0x0];
	s2 =	stileid.u32  }
0xde: {  	s1 =	rddreg [dreg:$0x1];
	p0 =	sne.s32 s2, $0x0  }
0xdf: {  	s3 =	rddreg [dreg:$0x2];
	[bflag:$0x3] =	sbarrier.arrive $0xFFFF;
	s2 =	simm.s32 @!p0 $0x1C04  }
0xe0: {  	[timem:s3], [sflag:s2] =	dma.local @!p0 [hbm:s0], s1  }
0xe1: {  	s0 =	simm.s32 @!p0 $0x4  }
0xe2: {  	_ =	swait.ge @!p0 [sflag:s0], s1  }
0xe3: {  	s1 =	ssub.s32 @!p0 $0x0, s1;
	[sflag:s0] =	ssyncset.done @!p0 $0x0  }
0xe4: {  	[sflag:s0] =	ssyncadd.s32 @!p0 s1  }
0xe5: {  	[bflag:$0x3] =	sbarrier.arrive $0xFFFF  }
0xe6: {  	_ =	shalt  }

// kernel: kernel.8.cloned.1.call-start
scs
__scs_entry_jumppad:
0x0: {  	(pc) =	sbr.rel $0x88, $3  }
0x1: {  	(tag) =	ssettag $0x0;
	lr =	simm.s32 $0x1  }
0x2: {  	[smem:$0x3F9B] =	sst lr;
	_ =	strace $0xD0000000  }
0x3: {  	_ = 	snop  }
0x4: {  	_ = 	snop  }
0x5: {  	_ = 	snop  }
0x6: {  	_ = 	snop  }
0x7: {  	_ = 	snop  }
__scs_overlays_trampoline_lowered:
0x8: {  	[smem:$0x3FAA] =	sst s0  }
0x9: {  	[smem:$0x3FAB] =	sst s1  }
0xa: {  	[smem:$0x3FAC] =	sst s2  }
0xb: {  	[smem:$0x3FAD] =	sst s3  }
0xc: {  	[smem:$0x3FAE] =	sst s4  }
0xd: {  	[smem:$0x3FAF] =	sst s5  }
0xe: {  	[smem:$0x3FB0] =	sst s6  }
0xf: {  	[smem:$0x3FB1] =	sst s7  }
0x10: {  	[smem:$0x3FB2] =	sst s8  }
0x11: {  	[smem:$0x3FB3] =	sst s9;
	s0 =	simm.s32 @!p0 $0x0  }
0x12: {  	s1 =	sld [smem:$0x3F99];
	s0 =	simm.s32 @p0 $0x1  }
0x13: {  	[smem:$0x3FB4] =	sst s0;
	s0 =	simm.s32 @!p1 $0x0  }
0x14: {  	s2 =	sld [smem:$0x3F98];
	s0 =	simm.s32 @p1 $0x1  }
0x15: {  	[smem:$0x3FB5] =	sst s0;
	s0 =	simm.s32 @!p2 $0x0  }
0x16: {  	s3 =	sld [smem:$0x3FDB];
	s0 =	simm.s32 @p2 $0x1  }
0x17: {  	s4 =	simm.s32 $0x1BF5;
	[smem:$0x3FB7] =	sst s0  }
0x18: {  	s0 =	sld [smem:$0x3F9A];
	_ =	swait.ge [sflag:s4], $0x0  }
0x19: {  	s7 =	sld [smem:$0x3F9B]  }
0x1a: {  	s8 =	sadd.s32 $0xFFFFE003, lr  }
0x1b: {  	s9 =	sadd.s32 $0xFFFFFEF7, lr;
	s5 =	simm.s32 $0xFFFFFFFF;
	p2 =	slt.u32 s8, $0xFFFFF086  }
0x1c: {  	p1 =	slt.u32 s9, $0xF7A;
	s5 =	simm.s32 @!p2 $0x0  }
0x1d: {  	s5 =	simm.s32 @p1 $0x1;
	p0 =	seq.s32 s7, s2  }
0x1e: {  	s7 =	smul.u32 @!p0 $0xF7A, s2;
	p2 =	seq.s32 @!p0 s5, $0x0  }
0x1f: {  	s9 =	smul.u32 $0xF7A, s1;
	s8 =	simm.s32 @!p0 $0x1BF5;
	p2 =	por !p2, p0  }
0x20: {  	[sflag:s8] =	ssyncset.s32 @!p0 $0xFFFFF086;
	s6 =	sadd.s32 @!p0 s3, s7;
	s7 =	simm.s32 @!p0 $0x108  }
0x21: {  	s3 =	sadd.s32 s3, s9;
	s6 =	sadd.s32 @!p0 $0x88, s6;
	s7 =	simm.s32 @p2 $0x1082  }
0x22: {  	[simem:s7], [sflag:s8] =	dma.local @!p0 [hbm:s6], $0xF7A  }
0x23: {  	s9 =	sor.u32 $0xD0000000, s2;
	s6 =	simm.s32 $0x108;
	_ =	swait.ge @!p0 [sflag:s8], $0x0  }
0x24: {  	s3 =	sadd.s32 $0x88, s3;
	s6 =	simm.s32 @!p1 $0x1082;
	[sflag:s4] =	ssyncset.s32 $0xFFFFF086  }
0x25: {  	[simem:s6], [sflag:s4] =	dma.local [hbm:s3], $0xF7A  }
0x26: {  	[smem:$0x3F9B] =	sst s1;
	(tag) =	ssettag s2;
	_ =	strace s9  }
0x27: {  	s1 =	sld [smem:$0x3FAB]  }
0x28: {  	s2 =	sld [smem:$0x3FAC]  }
0x29: {  	s4 =	sld [smem:$0x3FAE]  }
0x2a: {  	p0 =	seq.s32 s5, $0x0;
	s5 =	sld [smem:$0x3FAF]  }
0x2b: {  	s6 =	sld [smem:$0x3FB0]  }
0x2c: {  	s7 =	sld [smem:$0x3FB1]  }
0x2d: {  	s3 =	simm.s32 $0x108;
	s8 =	sld [smem:$0x3FB2]  }
0x2e: {  	s3 =	simm.s32 @!p0 $0x1082;
	s9 =	sld [smem:$0x3FB3]  }
0x2f: {  	lr =	sadd.s32 s0, s3;
	s0 =	sld [smem:$0x3FAA]  }
0x30: {  	s3 =	sld [smem:$0x3FAD]  }
0x31: {  	[smem:$0x3FB6] =	sst s10  }
0x32: {  	s10 =	sld [smem:$0x3FB4];
	_ =	sdelay $0x3  }
0x33: {  	p0 =	seq.s32 s10, $0x1;
	s10 =	sld [smem:$0x3FB6];
	_ =	sdelay $0x3  }
0x34: {  	[smem:$0x3FB6] =	sst s10  }
0x35: {  	s10 =	sld [smem:$0x3FB5];
	_ =	sdelay $0x3  }
0x36: {  	p1 =	seq.s32 s10, $0x1;
	s10 =	sld [smem:$0x3FB6];
	_ =	sdelay $0x3  }
0x37: {  	[smem:$0x3FB6] =	sst s10  }
0x38: {  	s10 =	sld [smem:$0x3FB7]  }
0x39: {  	_ = 	snop;
	(pc) =	sbr.ind lr, $3  }
0x3a: {  	_ = 	snop  }
0x3b: {  	_ = 	snop  }
0x3c: {  	p2 =	seq.s32 s10, $0x1;
	s10 =	sld [smem:$0x3FB6]  }
0x3d: {  	_ =	shalt  }
0x3e: {  	_ =	shalt  }
0x3f: {  	_ =	shalt  }
0x40: {  	_ =	shalt  }
0x41: {  	_ =	shalt  }
0x42: {  	_ =	shalt  }
0x43: {  	_ =	shalt  }
0x44: {  	_ =	shalt  }
0x45: {  	_ =	shalt  }
0x46: {  	_ =	shalt  }
0x47: {  	_ =	shalt  }
0x48: {  	_ =	shalt  }
0x49: {  	_ =	shalt  }
0x4a: {  	_ =	shalt  }
0x4b: {  	_ =	shalt  }
0x4c: {  	_ =	shalt  }
0x4d: {  	_ =	shalt  }
0x4e: {  	_ =	shalt  }
0x4f: {  	_ =	shalt  }
0x50: {  	_ =	shalt  }
0x51: {  	_ =	shalt  }
0x52: {  	_ =	shalt  }
0x53: {  	_ =	shalt  }
0x54: {  	_ =	shalt  }
0x55: {  	_ =	shalt  }
0x56: {  	_ =	shalt  }
0x57: {  	_ =	shalt  }
0x58: {  	_ =	shalt  }
0x59: {  	_ =	shalt  }
0x5a: {  	_ =	shalt  }
0x5b: {  	_ =	shalt  }
0x5c: {  	_ =	shalt  }
0x5d: {  	_ =	shalt  }
0x5e: {  	_ =	shalt  }
0x5f: {  	_ =	shalt  }
0x60: {  	_ =	shalt  }
0x61: {  	_ =	shalt  }
0x62: {  	_ =	shalt  }
0x63: {  	_ =	shalt  }
0x64: {  	_ =	shalt  }
0x65: {  	_ =	shalt  }
0x66: {  	_ =	shalt  }
0x67: {  	_ =	shalt  }
0x68: {  	_ =	shalt  }
0x69: {  	_ =	shalt  }
0x6a: {  	_ =	shalt  }
0x6b: {  	_ =	shalt  }
0x6c: {  	_ =	shalt  }
0x6d: {  	_ =	shalt  }
0x6e: {  	_ =	shalt  }
0x6f: {  	_ =	shalt  }
0x70: {  	_ =	shalt  }
0x71: {  	_ =	shalt  }
0x72: {  	_ =	shalt  }
0x73: {  	_ =	shalt  }
0x74: {  	_ =	shalt  }
0x75: {  	_ =	shalt  }
0x76: {  	_ =	shalt  }
0x77: {  	_ =	shalt  }
0x78: {  	_ =	shalt  }
0x79: {  	_ =	shalt  }
0x7a: {  	_ =	shalt  }
0x7b: {  	_ =	shalt  }
0x7c: {  	_ =	shalt  }
0x7d: {  	_ =	shalt  }
0x7e: {  	_ =	shalt  }
0x7f: {  	_ =	shalt  }
0x80: {  	_ =	shalt  }
0x81: {  	_ =	shalt  }
0x82: {  	_ =	shalt  }
0x83: {  	_ =	shalt  }
0x84: {  	_ =	shalt  }
0x85: {  	_ =	shalt  }
0x86: {  	_ =	shalt  }
0x87: {  	_ =	shalt  }
.Lfunc_end0:
.L_simem_size_0:
called_computation_lowered:
.L_overlay_start_0:
0x88: {  	s2 =	sld [smem:$0x3FD9]  }
0x89: {  	s3 =	sld [smem:$0x3FFE];
	_ =	sdelay $0x1  }
0x8a: {  	s1 =	srdreg.scid  }
0x8b: {  	s0 =	sand.u32 $0x1, s1  }
0x8c: {  	s17 =	sshll.u32 s0, $0xA;
	s2 =	sadd.s32 s3, s2  }
0x8d: {  	s2 =	sadd.s32 s2, s17  }
0x8e: {  	[smem:$0x3FC2] =	sst s2  }
0x8f: {  	_ = 	snop  }
0x90: {  	s2 =	sld [smem:$0x3FD0];
	(tm) =	ssettm $0x1  }
0x91: {  	s18 =	sld [smem:$0x3FFB];
	_ =	sdelay $0x3  }
0x92: {  	_ =	strace s18  }
0x93: {  	s3 =	sld [smem:$0x3FFC];
	_ =	sdelay $0x3  }
0x94: {  	_ =	strace s3  }
0x95: {  	s3 =	sld [smem:$0x3FFD];
	_ =	sdelay $0x3  }
0x96: {  	_ =	strace s3  }
0x97: {  	_ =	strace $0x8FFFFFFF  }
0x98: {  	s19 =	sld [smem:$0x3FDB];
	_ =	sdelay $0x1  }
0x99: {  	s4 =	simm.s32 $_scs_section_size  }
0x9a: {  	s5 =	simm.s32 $_size__tile_overlayer_lowered;
	s6 =	simm.s32 $_tile_overlayer_lowered  }
0x9b: {  	s22 =	simm.s32 $0x1BFF;
	s21 =	sshll.u32 s6, $0x1;
	s3 =	sadd.s32 s4, s19  }
0x9c: {  	s7 =	simm.s32 $0x0;
	s20 =	sshll.u32 s5, $0x1;
	s5 =	sadd.s32 s21, s3  }
0x9d: {  	[timem:s7], [sflag:s22] =	dma.local [hbm:s5], s20  }
0x9e: {  	_ =	swait.ge [sflag:s22], s20  }
0x9f: {  	s4 =	ssub.s32 $0x0, s20;
	[sflag:s22] =	ssyncset.done $0x0  }
0xa0: {  	[sflag:s22] =	ssyncadd.s32 s4;
	_ =	sdelay $0x1  }
0xa1: {  	s23 =	simm.s32 $0x1B8B  }
0xa2: {  	_ =	swait.ge [sflag:s23], $0x1  }
0xa3: {  	[sflag:s23] =	ssyncset.done $0x0  }
0xa4: {  	s25 =	simm.s32 $0x1B8E;
	s24 =	sld [smem:$0x3FFE];
	[sflag:s23] =	ssyncadd.s32 $0xFFFFFFFF  }
0xa5: {  	s26 =	simm.s32 $execute0_lowered;
	[smem:$0x3FD2] =	sst s25  }
0xa6: {  	s5 =	sshll.u32 s26, $0x1;
	_ =	strace $0x80000046;
	[dreg:$0x1] =	wrdreg $0xFFFFFFFF  }
0xa7: {  	s28 =	simm.s32 $_size_execute0_lowered;
	s3 =	sadd.s32 s3, s5;
	[dreg:$0x0] =	wrdreg $0x0  }
0xa8: {  	s5 =	sshll.u32 s28, $0x1;
	[dreg:$0x2] =	wrdreg s3  }
0xa9: {  	[dreg:$0x3] =	wrdreg s5  }
0xaa: {  	[dreg:$0x4] =	wrdreg $0xC0  }
0xab: {  	_ =	task [dreg:s7], $0x5FFFF  }
0xac: {  	[dreg:$0x1] =	wrdreg $0xFFFFFFFF  }
0xad: {  	[dreg:$0x0] =	wrdreg $0x60  }
0xae: {  	[dreg:$0x2] =	wrdreg s2  }
0xaf: {  	[dreg:$0x3] =	wrdreg s24  }
0xb0: {  	[dreg:$0x4] =	wrdreg $0x28800  }
0xb1: {  	[dreg:$0x5] =	wrdreg $0x9  }
0xb2: {  	_ =	task.clear_ibuf [dreg:s7], $0x6FFFF;
	_ =	strace $0x90000046  }
0xb3: {  	s29 =	simm.s32 $0x9;
	_ =	strace $0x80000048  }
0xb4: {  	_ =	swait.ge [sflag:s29], $0x1  }
0xb5: {  	[sflag:s29] =	ssyncadd.s32 $0xFFFFFFFF  }
0xb6: {  	_ =	strace $0x90000048  }
0xb7: {  	_ =	sfence  }
0xb8: {  	s30 =	sld [smem:$0x0];
	_ =	sdelay $0x2  }
0xb9: {  	s31 =	sshll.u32 s1, $0xD;
	s1 =	sshrl.u32 s1, $0x2  }
0xba: {  	s3 =	sand.u32 $0x4000, s31;
	s1 =	sadd.s32 s1, s30  }
0xbb: {  	s0 =	sor.u32 s3, s0;
	s1 =	sshll.u32 s1, $0x11  }
0xbc: {  	s0 =	sor.u32 s1, s0  }
0xbd: {  	s0 =	sadd.s32 $0x8F2B, s0  }
0xbe: {  	[sflag:s0] =	ssyncadd.remote.s32 $0x1  }
0xbf: {  	_ =	sfence.sel $0xFFFF  }
0xc0: {  	[dreg:$0x0] =	wrdreg $0xFFFFFFFF;
	(pc) =	sbr.abs _section_cstart, $3  }
0xc1: {  	[dreg:$0x1] =	wrdreg $0xFFFFFFFF  }
0xc2: {  	_ =	task.clear_ibuf [dreg:s7], $0x2FFFF;
	_ =	strace $0x9FFFFFFF  }
0xc3: {  	(tm) =	ssettm $0x7FFFFFFF  }
tec
execute0_lowered:
.L_overlay_start_1:
0x0: {  	(tag) =	ssettag $0x1  }
0x1: {  	s6 =	rddreg [dreg:$0x0]  }
0x2: {  	s5 =	rddreg [dreg:$0x1]  }
0x3: {  	s2 =	rddreg [dreg:$0x2]  }
0x4: {  	s0 =	rddreg [dreg:$0x3]  }
0x5: {  	s4 =	srdreg.scid;
	s1 =	stileid.u32;
	s3 =	simm.s32 $0x0  }
0x6: {  	s13 =	simm.s32 $0x0;
	s4 =	sand.u32 $0x1, s4;
	s7 =	smul.u32 $0x280, s1  }
0x7: {  	[smem:$0x7FF] =	sst s3;
	s11 =	smul.u32 $0x2800, s1;
	s31 =	sshll.u32 s1, $0x6  }
0x8: {  	s8 =	smul.u32 $0x2800, s4;
	_ =	strace $0x80000047;
	s10 =	ssub.s32 $0x2, s4  }
0x9: {  	s9 =	smul.u32 $0x28000, s4;
	s4 =	sadd.s32 $0x2C00, s5;
	s12 =	sshrl.u32 s10, $0x1  }
0xa: {  	s30 =	sadd.s32 s7, s2;
	s8 =	sadd.s32 s7, s8;
	s10 =	ssub.s32 s10, s12  }
0xb: {  	s29 =	sadd.s32 s11, s9;
	s9 =	sshrl.u32 s30, $0x3;
	s8 =	sshrl.u32 s8, $0x3  }
0xc: {  	s12 =	simm.s32 $0x2800;
	s11 =	sshrl.u32 s29, $0x3;
	s8 =	sadd.s32 s8, s5  }
0xd: {  	s5 =	sor.u32 $0x1C01, s31;
	s6 =	sadd.s32 s6, s11;
	s11 =	simm.s32 $0x80  }
0xe: {  	v0 =	vimm.f32 $1.000000000e+00;
	s7 =	sadd.s32 $0x2E00, s8;
	s8 =	smax.u32 s10, $0x1;
	s10 =	simm.s32 $0x1  }
.LBB2_1:
0xf: {  	[tilespmem:$0x2800] =	vst v0  }
0x10: {  	[tilespmem:$0x2810] =	vst v0  }
0x11: {  	[tilespmem:$0x2820] =	vst v0  }
0x12: {  	[tilespmem:$0x2830] =	vst v0  }
0x13: {  	[tilespmem:$0x2840] =	vst v0  }
0x14: {  	[tilespmem:$0x2850] =	vst v0  }
0x15: {  	[tilespmem:$0x2860] =	vst v0  }
0x16: {  	[tilespmem:$0x2870] =	vst v0  }
0x17: {  	[spmem:s9], [sflag:s5] =	dma.local [hbm:s4], $0x50  }
0x18: {  	_ =	swait.ge [sflag:s10], $0x50  }
0x19: {  	[sflag:s10] =	ssyncset.done $0x0  }
0x1a: {  	[sflag:s10] =	ssyncadd.s32 $0xFFFFFFB0  }
0x1b: {  	[tilespmem:s3], [sflag:$0x1] =	stream.linear.gather [hbm4b:s6+s3], $0x2800, $0x38;
	[tilespmem:$0x2B00] =	vst v63  }
0x1c: {  	_ =	swait.ge [sflag:s10], $0x2800  }
0x1d: {  	[sflag:s10] =	ssyncset.done $0x0  }
0x1e: {  	[sflag:s10] =	ssyncadd.s32 $0xFFFFD800  }
0x1f: {  	s14 =	simm.s32 $0x0;
	[bflag:$0x0] =	sbarrier.arrive $0xFFFF  }
0x20: {  	[spmem:s2] =	stream.indirect.scatter.add.f32 [tilespmem:s12], [sflag:$0x1], $0x1, s14, s11, $0xb8;
	[tilespmem:$0x2B00] =	vst v63  }
0x21: {  	_ =	swait.ge [sflag:s10], $0x80  }
0x22: {  	s14 =	simm.s32 $0x200;
	[sflag:s10] =	ssyncset.done $0x0  }
.LBB2_2:
0x23: {  	s15 =	sshra.s32 s14, $0x2;
	[sflag:s10] =	ssyncadd.s32 $0xFFFFFF80;
	p0 =	sne.s32 s14, $0x9E00  }
0x24: {  	[spmem:s2] =	stream.indirect.scatter.add.f32 [tilespmem:s12], [sflag:$0x1], $0x1, s15, s11, $0xb8;
	[tilespmem:$0x2B00] =	vst v63  }
.Ltmp0:
0x25: {  	_ = 	snop;
	(pc) =	sbr.rel @p0 .LBB2_2-.Ltmp0, $4  }
0x26: {  	_ = 	snop  }
0x27: {  	s14 =	sadd.s32 $0x200, s14  }
0x28: {  	_ =	swait.ge [sflag:s10], $0x80  }
0x29: {  	[sflag:s10] =	ssyncset.done $0x0  }
0x2a: {  	s13 =	sadd.s32 $0x1, s13  }
0x2b: {  	[sflag:s10] =	ssyncadd.s32 $0xFFFFFF80;
	p0 =	sne.s32 s13, s8  }
.Ltmp1:
0x2c: {  	[bflag:$0x0] =	sbarrier.arrive $0xFFFF;
	(pc) =	sbr.rel @p0 .LBB2_1-.Ltmp1, $4  }
0x2d: {  	[hbm:s7], [sflag:s5] =	dma.local [spmem:s9], $0x50  }
0x2e: {  	_ =	swait.ge [sflag:s10], $0x50  }
0x2f: {  	[sflag:s10] =	ssyncset.done $0x0  }
0x30: {  	[sflag:s10] =	ssyncadd.s32 $0xFFFFFFB0  }
0x31: {  	_ =	sfence.sel $0x180000  }
0x32: {  	[bflag:$0x0] =	sbarrier.arrive $0xFFFF  }
0x33: {  	p0 =	sne.s32 s1, $0x0;
	_ =	strace $0x90000047  }
0x34: {  	s0 =	sadd.s32 @!p0 $0x100000, s0;
	[bflag:$0x2] =	sbarrier.arrive $0xFFFF  }
0x35: {  	[sflag:s0] =	ssyncadd.tile.s32 @!p0 $0x1;
	_ =	shalt  }
.Lfunc_end2:
_tile_overlayer_lowered:
.L_overlay_start_2:
0x36: {  	(tag) =	ssettag $0x2  }
0x37: {  	s0 =	rddreg [dreg:$0x0];
	s2 =	stileid.u32  }
0x38: {  	s1 =	rddreg [dreg:$0x1];
	p0 =	sne.s32 s2, $0x0  }
0x39: {  	s3 =	rddreg [dreg:$0x2];
	[bflag:$0x3] =	sbarrier.arrive $0xFFFF;
	s2 =	simm.s32 @!p0 $0x1C01  }
0x3a: {  	[timem:s3], [sflag:s2] =	dma.local @!p0 [hbm:s0], s1  }
0x3b: {  	s0 =	simm.s32 @!p0 $0x1  }
0x3c: {  	_ =	swait.ge @!p0 [sflag:s0], s1  }
0x3d: {  	s1 =	ssub.s32 @!p0 $0x0, s1;
	[sflag:s0] =	ssyncset.done @!p0 $0x0  }
0x3e: {  	[sflag:s0] =	ssyncadd.s32 @!p0 s1  }
0x3f: {  	[bflag:$0x3] =	sbarrier.arrive $0xFFFF  }
0x40: {  	_ =	shalt  }

</sc_bundles>
